<compile_context>
chip_gen: v7x
topology: tpu7x:2x2x1
jax: 0.10.2.dev20260603
libtpu: 0.0.44.dev20260713+nightly
codegen_flags: <defaults>
</compile_context>

<pallas_src>
import jax
import jax.numpy as jnp
import numpy as np
from jax import lax
from jax.experimental import pallas as pl
from jax.experimental.pallas import tpu as pltpu
from jax.experimental.pallas import tpu_sc as plsc

N = 10000
E = 160000
FC = 128
NG = 64
L = 2

EBLK = 2000


def _centers_step(vmin, vmax):
    step = np.float32((vmax - vmin) / (FC - 1))
    return step


def _rbf(x, vmin, vmax):
    step = _centers_step(vmin, vmax)
    gamma = np.float32(1.0) / (step * step)
    c = vmin + step * lax.broadcasted_iota(jnp.int32, (1, FC), 1).astype(
        jnp.float32)
    d = x - c
    return jnp.exp(-gamma * d * d)


def _softplus(x):
    return jnp.log1p(jnp.exp(x))


def _dot(a, b):
    return jnp.dot(a, b, preferred_element_type=jnp.float32)


def _edge_kernel(ea_ref, el_ref, an_ref, wfeat_ref, bfeat_ref, wqkv_ref,
                 wkvla_ref, wee_ref, ee1_ref, ee2_ref):
    ea = ea_ref[...]
    d = jnp.sqrt(jnp.sum(ea * ea, axis=1, keepdims=True))
    x_ef = jnp.float32(-0.75) / d
    f_ef = _rbf(x_ef, -4.0, 4.0)
    ef = _softplus(_dot(f_ef, wfeat_ref[:FC, :FC]) + bfeat_ref[:, :FC])

    nla = []
    for n in range(3):
        f_l = _rbf(el_ref[:, n:n + 1], -4.0, 4.0)
        f_a = _rbf(an_ref[:, n:n + 1], -1.0, 1.0)
        f_cat = jnp.concatenate([f_l, f_a], axis=1)
        nla.append(_softplus(_dot(f_cat, wfeat_ref[...]) + bfeat_ref[...]))

    for i in range(L):
        qkv = _dot(ef, wqkv_ref[i])
        q = qkv[:, :FC]
        kb = qkv[:, FC:2 * FC]
        vb = qkv[:, 2 * FC:]
        s = []
        v = []
        for n in range(3):
            kv = _dot(nla[n], wkvla_ref[i])
            s.append(jnp.sum(q * (kb + kv[:, :FC]), axis=1, keepdims=True))
            v.append(vb + kv[:, FC:])
        s0, s1, s2 = s
        e0 = jnp.exp(s0)
        e1 = jnp.exp(s1)
        e2 = jnp.exp(s2)
        inv_den = 1.0 / (e0 + e1 + e2)
        w0 = e0 * inv_den
        w1 = e1 * inv_den
        w2 = e2 * inv_den
        ef = ef + (w0 * v[0] + w1 * v[1] + w2 * v[2])
        out_ref = ee1_ref if i == 0 else ee2_ref
        out_ref[...] = _dot(ef, wee_ref[i])


def _edge_embeddings(edge_attr, edge_nei_len, edge_nei_angle, wfeat, bfeat,
                     wqkv, wkvla, wee):
    grid = (E // EBLK,)
    eb = pl.BlockSpec((EBLK, 3), lambda e: (e, 0))
    wspec = lambda shape: pl.BlockSpec(shape, lambda e: (0,) * len(shape))
    out = pl.pallas_call(
        _edge_kernel,
        grid=grid,
        in_specs=[
            eb, eb, eb,
            wspec((2 * FC, 2 * FC)),
            wspec((1, 2 * FC)),
            wspec((L, FC, 3 * FC)),
            wspec((L, 2 * FC, 2 * FC)),
            wspec((L, FC, FC)),
        ],
        out_specs=[
            pl.BlockSpec((EBLK, FC), lambda e: (e, 0)),
            pl.BlockSpec((EBLK, FC), lambda e: (e, 0)),
        ],
        out_shape=[
            jax.ShapeDtypeStruct((E, FC), jnp.float32),
            jax.ShapeDtypeStruct((E, FC), jnp.float32),
        ],
    )(edge_attr, edge_nei_len, edge_nei_angle, wfeat, bfeat, wqkv, wkvla, wee)
    return out


CW = 144
CCH = 40
NSUB = 16
NCORE = 2
EPW = E // (NCORE * NSUB)
NCHUNK = EPW // CCH
NPAD = 10240
RPS = NPAD // NSUB
_INV_SQRT_FC = np.float32(1.0 / np.sqrt(FC))


def _sc_conv_body(kv, qn, ee, src3, dst3, out,
                  acc, idx_s, idx_d, kvb, qb, eb, ob, sem):
    c = lax.axis_index("c")
    s = lax.axis_index("s")
    w = c * NSUB + s

    def zrow(r, carry):
        for j in range(CW // 16):
            ob[r, pl.ds(16 * j, 16)] = jnp.zeros((16,), jnp.float32)
        return carry

    lax.fori_loop(0, CCH, zrow, 0)

    def zcopy(t, carry):
        pltpu.sync_copy(ob, acc.at[pl.ds(s * RPS + t * CCH, CCH)])
        return carry

    lax.fori_loop(0, RPS // CCH, zcopy, 0)
    pltpu.sync_copy(src3.at[w], idx_s)
    pltpu.sync_copy(dst3.at[w], idx_d)
    plsc.subcore_barrier()

    base0 = w * EPW

    def chunk(t, carry):
        b = base0 + t * CCH
        d1 = pltpu.async_copy(kv.at[idx_s.at[t]], kvb, sem)
        d2 = pltpu.async_copy(qn.at[idx_d.at[t]], qb, sem)
        d3 = pltpu.async_copy(ee.at[pl.ds(b, CCH)], eb, sem)
        d1.wait()
        d2.wait()
        d3.wait()

        @plsc.parallel_loop(0, CCH)
        def edge(e):
            sacc = jnp.zeros((16,), jnp.float32)
            vstage = []
            for j in range(8):
                sl = pl.ds(16 * j, 16)
                ev = eb[e, sl]
                sacc = sacc + qb[e, sl] * (kvb[e, sl] + ev)
                vstage.append(kvb[e, pl.ds(FC + 16 * j, 16)] + ev)
            sv = jnp.sum(sacc) * _INV_SQRT_FC
            exv = jnp.exp(jnp.broadcast_to(sv, (16,)))
            for j in range(8):
                ob[e, pl.ds(16 * j, 16)] = exv * vstage[j]
            lane = lax.broadcasted_iota(jnp.int32, (16,), 0)
            ob[e, pl.ds(FC, 16)] = jnp.where(lane == 0, exv, 0.0)

        pltpu.sync_copy(ob, acc.at[idx_d.at[t]], add=True)
        return carry

    lax.fori_loop(0, NCHUNK, chunk, 0)
    plsc.subcore_barrier()
    pltpu.sync_copy(acc.at[pl.ds(s * RPS, RPS)],
                    out.at[c, pl.ds(s * RPS, RPS)])


def _sc_conv(kv, qn, ee, src3, dst3):
    mesh = plsc.VectorSubcoreMesh(core_axis_name="c", subcore_axis_name="s",
                                  num_cores=NCORE, num_subcores=NSUB)
    f = pl.kernel(
        _sc_conv_body,
        mesh=mesh,
        compiler_params=pltpu.CompilerParams(use_tc_tiling_on_sc=False,
                                             needs_layout_passes=False),
        out_type=jax.ShapeDtypeStruct((NCORE, NPAD, CW), jnp.float32),
        scratch_types=[
            pltpu.VMEM_SHARED((NPAD, CW), jnp.float32),
            pltpu.VMEM((NCHUNK, CCH), jnp.int32),
            pltpu.VMEM((NCHUNK, CCH), jnp.int32),
            pltpu.VMEM((CCH, 2 * FC), jnp.float32),
            pltpu.VMEM((CCH, FC), jnp.float32),
            pltpu.VMEM((CCH, FC), jnp.float32),
            pltpu.VMEM((CCH, CW), jnp.float32),
            pltpu.SemaphoreType.DMA,
        ],
    )
    return f(kv, qn, ee, src3, dst3)


NB = 2000


def _node0_kernel(x_ref, wa_ref, ba_ref, wk_ref, node_ref, nw_ref):
    node = _dot(x_ref[...], wa_ref[...]) + ba_ref[...]
    node_ref[...] = node
    nw_ref[...] = _dot(node, wk_ref[...])


def _node0(x, W_atom, b_atom, wkvq0):
    return pl.pallas_call(
        _node0_kernel,
        grid=(N // NB,),
        in_specs=[
            pl.BlockSpec((NB, 92), lambda i: (i, 0)),
            pl.BlockSpec((92, FC), lambda i: (0, 0)),
            pl.BlockSpec((1, FC), lambda i: (0, 0)),
            pl.BlockSpec((FC, 3 * FC), lambda i: (0, 0)),
        ],
        out_specs=[
            pl.BlockSpec((NB, FC), lambda i: (i, 0)),
            pl.BlockSpec((NB, 3 * FC), lambda i: (i, 0)),
        ],
        out_shape=[
            jax.ShapeDtypeStruct((N, FC), jnp.float32),
            jax.ShapeDtypeStruct((N, 3 * FC), jnp.float32),
        ],
    )(x, W_atom, b_atom.reshape(1, FC), wkvq0)


def _combine(acc_ref, node_ref):
    p = acc_ref[0] + acc_ref[1]
    inv = 1.0 / (p[:, FC:FC + 1] + 1e-16)
    return node_ref[...] + p[:, :FC] * inv


def _upd_kernel(acc_ref, nodein_ref, wk_ref, node_ref, nw_ref):
    node = _combine(acc_ref, nodein_ref)
    node_ref[...] = node
    nw_ref[...] = _dot(node, wk_ref[...])


def _node_update(acc, node, wkvq1):
    return pl.pallas_call(
        _upd_kernel,
        grid=(N // NB,),
        in_specs=[
            pl.BlockSpec((2, NB, CW), lambda i: (0, i, 0)),
            pl.BlockSpec((NB, FC), lambda i: (i, 0)),
            pl.BlockSpec((FC, 3 * FC), lambda i: (0, 0)),
        ],
        out_specs=[
            pl.BlockSpec((NB, FC), lambda i: (i, 0)),
            pl.BlockSpec((NB, 3 * FC), lambda i: (i, 0)),
        ],
        out_shape=[
            jax.ShapeDtypeStruct((N, FC), jnp.float32),
            jax.ShapeDtypeStruct((N, 3 * FC), jnp.float32),
        ],
    )(acc, node, wkvq1)


def _pool_kernel(acc_ref, nodein_ref, batchf_ref, out_ref):
    node = _combine(acc_ref, nodein_ref)
    gids = lax.broadcasted_iota(jnp.int32, (NG, 1), 0).astype(jnp.float32)
    onehot = jnp.where(batchf_ref[...] == gids, 1.0, 0.0)
    sums = _dot(onehot, node)
    cnt = jnp.sum(onehot, axis=1, keepdims=True)
    out_ref[...] = sums / jnp.maximum(cnt, 1.0)


def _pool(acc, node, batchf):
    return pl.pallas_call(
        _pool_kernel,
        grid=(1,),
        in_specs=[
            pl.BlockSpec((2, N, CW), lambda i: (0, 0, 0)),
            pl.BlockSpec((N, FC), lambda i: (0, 0)),
            pl.BlockSpec((1, N), lambda i: (0, 0)),
        ],
        out_specs=pl.BlockSpec((NG, FC), lambda i: (0, 0)),
        out_shape=jax.ShapeDtypeStruct((NG, FC), jnp.float32),
    )(acc, node, batchf)


def kernel(x, edge_index, edge_attr, edge_nei_len, edge_nei_angle, batch,
           W_atom, b_atom, W_edge, b_edge, W_angle, b_angle,
           Ue_Wq, Ue_Wk_e, Ue_Wk_l, Ue_Wk_a, Ue_Wv_e, Ue_Wv_l, Ue_Wv_a,
           Tc_Wq, Tc_Wk, Tc_Wv, Tc_We):
    wfeat = jnp.zeros((2 * FC, 2 * FC), jnp.float32)
    wfeat = wfeat.at[:FC, :FC].set(W_edge).at[FC:, FC:].set(W_angle)
    bfeat = jnp.concatenate([b_edge, b_angle]).reshape(1, 2 * FC)
    wqkv = jnp.concatenate([Ue_Wq * np.float32(1.0 / np.sqrt(FC)),
                            Ue_Wk_e, Ue_Wv_e], axis=2)
    top = jnp.concatenate([Ue_Wk_l, Ue_Wv_l], axis=2)
    bot = jnp.concatenate([Ue_Wk_a, Ue_Wv_a], axis=2)
    wkvla = jnp.concatenate([top, bot], axis=1)

    ee1, ee2 = _edge_embeddings(edge_attr, edge_nei_len, edge_nei_angle,
                                wfeat, bfeat, wqkv, wkvla, Tc_We)

    src3 = edge_index[0].reshape(NCORE * NSUB, NCHUNK, CCH)
    dst3 = edge_index[1].reshape(NCORE * NSUB, NCHUNK, CCH)
    wkvq = jnp.concatenate([Tc_Wk, Tc_Wv, Tc_Wq], axis=2)
    node, nw = _node0(x, W_atom, b_atom, wkvq[0])
    acc = _sc_conv(nw[:, :2 * FC], nw[:, 2 * FC:], ee1, src3, dst3)
    node, nw = _node_update(acc, node, wkvq[1])
    acc = _sc_conv(nw[:, :2 * FC], nw[:, 2 * FC:], ee2, src3, dst3)
    batchf = batch.astype(jnp.float32).reshape(1, N)
    return _pool(acc, node, batchf)

# --- scband reference (transcript-rebuilt; emitter-appended) ---
"""Pipeline reference for scband-se3-graph-encoder-51857435132001 (READ-ONLY COPY).

The authoritative reference and input builder live on the scoring server;
editing this copy changes nothing except your own understanding.
"""

import jax, jax.numpy as jnp
import numpy as np

N = 10000
E = 160000
FC = 128
NG = 64
AIF = 92
L = 2  # conv_layers - 1


def rbf(x, vmin, vmax, bins):
    centers = jnp.linspace(vmin, vmax, bins)
    gamma = 1.0 / (centers[1] - centers[0]) ** 2
    return jnp.exp(-gamma * (x[:, None] - centers[None, :]) ** 2)


def setup_inputs(seed: int = 0) -> dict:
    key = jax.random.key(seed)
    ks = [jax.random.fold_in(key, i) for i in range(40)]
    inp = {}
    inp['x'] = jax.random.normal(ks[0], (N, AIF), dtype=jnp.float32)
    inp['edge_index'] = jax.random.randint(ks[1], (2, E), 0, N, dtype=jnp.int32)
    inp['edge_attr'] = jax.random.normal(ks[2], (E, 3), dtype=jnp.float32)
    inp['edge_nei_len'] = jax.random.uniform(ks[3], (E, 3), dtype=jnp.float32)
    inp['edge_nei_angle'] = jax.random.uniform(ks[4], (E, 3), dtype=jnp.float32)
    inp['batch'] = jnp.sort(jax.random.randint(ks[5], (N,), 0, NG, dtype=jnp.int32))
    inp['W_atom'] = jax.random.normal(ks[6], (AIF, FC), dtype=jnp.float32) * 0.1
    inp['b_atom'] = jax.random.normal(ks[7], (FC,), dtype=jnp.float32) * 0.01
    inp['W_edge'] = jax.random.normal(ks[8], (FC, FC), dtype=jnp.float32) * 0.09
    inp['b_edge'] = jax.random.normal(ks[9], (FC,), dtype=jnp.float32) * 0.01
    inp['W_angle'] = jax.random.normal(ks[10], (FC, FC), dtype=jnp.float32) * 0.09
    inp['b_angle'] = jax.random.normal(ks[11], (FC,), dtype=jnp.float32) * 0.01
    names = ['Ue_Wq', 'Ue_Wk_e', 'Ue_Wk_l', 'Ue_Wk_a', 'Ue_Wv_e', 'Ue_Wv_l', 'Ue_Wv_a', 'Tc_Wq', 'Tc_Wk', 'Tc_Wv', 'Tc_We']
    for j, nm in enumerate(names):
        inp[nm] = jax.random.normal(ks[12 + j], (L, FC, FC), dtype=jnp.float32) * 0.09
    return inp


def reference(x, edge_index, edge_attr, edge_nei_len, edge_nei_angle, batch,
              W_atom, b_atom, W_edge, b_edge, W_angle, b_angle,
              Ue_Wq, Ue_Wk_e, Ue_Wk_l, Ue_Wk_a, Ue_Wv_e, Ue_Wv_l, Ue_Wv_a,
              Tc_Wq, Tc_Wk, Tc_Wv, Tc_We):
    node = x @ W_atom + b_atom
    d = jnp.linalg.norm(edge_attr, axis=1)
    ef = jax.nn.softplus(rbf(-0.75 / d, -4.0, 4.0, FC) @ W_edge + b_edge)
    nl = jax.nn.softplus(rbf(edge_nei_len.reshape(-1), -4.0, 4.0, FC) @ W_edge + b_edge).reshape(E, 3, FC)
    na = jax.nn.softplus(rbf(edge_nei_angle.reshape(-1), -1.0, 1.0, FC) @ W_angle + b_angle).reshape(E, 3, FC)
    src = edge_index[0]
    dst = edge_index[1]
    for i in range(L):
        # UpdateEdge: attention over 3 lattice-neighbor channels
        q = ef @ Ue_Wq[i]
        k = (ef @ Ue_Wk_e[i])[:, None, :] + nl @ Ue_Wk_l[i] + na @ Ue_Wk_a[i]
        v = (ef @ Ue_Wv_e[i])[:, None, :] + nl @ Ue_Wv_l[i] + na @ Ue_Wv_a[i]
        attn = jax.nn.softmax(jnp.einsum('ef,enf->en', q, k) / np.sqrt(FC), axis=1)
        ef = ef + jnp.einsum('en,enf->ef', attn, v)
        # TransformerConv: edge-conditioned graph attention (segment softmax over dst)
        qn = node @ Tc_Wq[i]
        kn = node @ Tc_Wk[i]
        vn = node @ Tc_Wv[i]
        ee = ef @ Tc_We[i]
        ke = kn[src] + ee
        ve = vn[src] + ee
        s = jnp.sum(qn[dst] * ke, axis=1) / np.sqrt(FC)
        m = jax.ops.segment_max(s, dst, num_segments=N)
        m = jnp.where(jnp.isfinite(m), m, 0.0)
        ex = jnp.exp(s - m[dst])
        den = jax.ops.segment_sum(ex, dst, num_segments=N)
        alpha = ex / (den[dst] + 1e-16)
        node = node + jax.ops.segment_sum(alpha[:, None] * ve, dst, num_segments=N)
    cnt = jax.ops.segment_sum(jnp.ones((N,), jnp.float32), batch, num_segments=NG)
    sums = jax.ops.segment_sum(node, batch, num_segments=NG)
    return sums / jnp.maximum(cnt, 1.0)[:, None]

if __name__ == "__main__":
    import jax
    _d = setup_inputs()
    print(jax.jit(kernel)(*tuple(_d.values())))

</pallas_src>

<mosaic_0001>
#map = affine_map<(d0, d1) -> (0, 0)>
#map1 = affine_map<(d0, d1) -> (0, 0, 0)>
module attributes {stable_mosaic.version = 14 : i64} {
  func.func @_sc_conv_body(%arg0: i32, %arg1: i32, %arg2: memref<10000x256xf32, #tpu.memory_space<hbm>>, %arg3: memref<10000x128xf32, #tpu.memory_space<hbm>>, %arg4: memref<160000x128xf32, #tpu.memory_space<hbm>>, %arg5: memref<32x125x40xi32, #tpu.memory_space<hbm>>, %arg6: memref<32x125x40xi32, #tpu.memory_space<hbm>>, %arg7: memref<2x10240x144xf32, #tpu.memory_space<hbm>>, %arg8: memref<10240x144xf32, #tpu.memory_space<vmem_shared>>, %arg9: memref<125x40xi32, #tpu.memory_space<vmem>>, %arg10: memref<125x40xi32, #tpu.memory_space<vmem>>, %arg11: memref<40x256xf32, #tpu.memory_space<vmem>>, %arg12: memref<40x128xf32, #tpu.memory_space<vmem>>, %arg13: memref<40x128xf32, #tpu.memory_space<vmem>>, %arg14: memref<40x144xf32, #tpu.memory_space<vmem>>, %arg15: memref<!tpu.dma_semaphore, #tpu.memory_space<semaphore_mem>>) attributes {dimension_semantics = [#tpu.dimension_semantics<core_parallel>, #tpu.dimension_semantics<subcore_parallel>], iteration_bounds = array<i64: 2, 16>, scalar_prefetch = 0 : i64, scratch_operands = 8 : i64, tpu.core_type = #tpu.core_type<sc_vector_subcore>, window_params = [{transform_indices = #map}, {transform_indices = #map}, {transform_indices = #map}, {transform_indices = #map1}, {transform_indices = #map1}, {transform_indices = #map1}]} {
    %mul3A = arith.constant 16 : i32
    %mul3A_0 = arith.muli %arg0, %mul3A : i32
    %add3A = arith.addi %mul3A_0, %arg1 : i32
    %scan3A = arith.constant 0 : i32
    %scan3A_1 = arith.constant 0 : i32
    %scan3A_2 = arith.constant 40 : i32
    %scan3A_3 = arith.addi %scan3A_1, %scan3A_2 : i32
    %scan3A_4 = arith.constant 1 : i32
    scf.for %scan3A_25 = %scan3A_1 to %scan3A_3 step %scan3A_4  : i32 {
      %broadcast_in_dim3A = arith.constant 0.000000e+00 : f32
      %broadcast_in_dim3A_26 = vector.broadcast %broadcast_in_dim3A : f32 to vector<16xf32>
      %swap3A = arith.index_cast %scan3A_25 : i32 to index
      %swap3A_27 = arith.constant 0 : index
      %swap3A_28 = tpu.vector_load %arg14[%swap3A, %swap3A_27] {strides = array<i32>} : memref<40x144xf32, #tpu.memory_space<vmem>>, vector<16xf32>,
      tpu.vector_store %arg14[%swap3A, %swap3A_27], %broadcast_in_dim3A_26 {strides = array<i32>} : memref<40x144xf32, #tpu.memory_space<vmem>>, vector<16xf32>,
      %broadcast_in_dim3A_29 = arith.constant 0.000000e+00 : f32
      %broadcast_in_dim3A_30 = vector.broadcast %broadcast_in_dim3A_29 : f32 to vector<16xf32>
      %swap3A_31 = arith.index_cast %scan3A_25 : i32 to index
      %swap3A_32 = arith.constant 16 : index
      %swap3A_33 = tpu.vector_load %arg14[%swap3A_31, %swap3A_32] {strides = array<i32>} : memref<40x144xf32, #tpu.memory_space<vmem>>, vector<16xf32>,
      tpu.vector_store %arg14[%swap3A_31, %swap3A_32], %broadcast_in_dim3A_30 {strides = array<i32>} : memref<40x144xf32, #tpu.memory_space<vmem>>, vector<16xf32>,
      %broadcast_in_dim3A_34 = arith.constant 0.000000e+00 : f32
      %broadcast_in_dim3A_35 = vector.broadcast %broadcast_in_dim3A_34 : f32 to vector<16xf32>
      %swap3A_36 = arith.index_cast %scan3A_25 : i32 to index
      %swap3A_37 = arith.constant 32 : index
      %swap3A_38 = tpu.vector_load %arg14[%swap3A_36, %swap3A_37] {strides = array<i32>} : memref<40x144xf32, #tpu.memory_space<vmem>>, vector<16xf32>,
      tpu.vector_store %arg14[%swap3A_36, %swap3A_37], %broadcast_in_dim3A_35 {strides = array<i32>} : memref<40x144xf32, #tpu.memory_space<vmem>>, vector<16xf32>,
      %broadcast_in_dim3A_39 = arith.constant 0.000000e+00 : f32
      %broadcast_in_dim3A_40 = vector.broadcast %broadcast_in_dim3A_39 : f32 to vector<16xf32>
      %swap3A_41 = arith.index_cast %scan3A_25 : i32 to index
      %swap3A_42 = arith.constant 48 : index
      %swap3A_43 = tpu.vector_load %arg14[%swap3A_41, %swap3A_42] {strides = array<i32>} : memref<40x144xf32, #tpu.memory_space<vmem>>, vector<16xf32>,
      tpu.vector_store %arg14[%swap3A_41, %swap3A_42], %broadcast_in_dim3A_40 {strides = array<i32>} : memref<40x144xf32, #tpu.memory_space<vmem>>, vector<16xf32>,
      %broadcast_in_dim3A_44 = arith.constant 0.000000e+00 : f32
      %broadcast_in_dim3A_45 = vector.broadcast %broadcast_in_dim3A_44 : f32 to vector<16xf32>
      %swap3A_46 = arith.index_cast %scan3A_25 : i32 to index
      %swap3A_47 = arith.constant 64 : index
      %swap3A_48 = tpu.vector_load %arg14[%swap3A_46, %swap3A_47] {strides = array<i32>} : memref<40x144xf32, #tpu.memory_space<vmem>>, vector<16xf32>,
      tpu.vector_store %arg14[%swap3A_46, %swap3A_47], %broadcast_in_dim3A_45 {strides = array<i32>} : memref<40x144xf32, #tpu.memory_space<vmem>>, vector<16xf32>,
      %broadcast_in_dim3A_49 = arith.constant 0.000000e+00 : f32
      %broadcast_in_dim3A_50 = vector.broadcast %broadcast_in_dim3A_49 : f32 to vector<16xf32>
      %swap3A_51 = arith.index_cast %scan3A_25 : i32 to index
      %swap3A_52 = arith.constant 80 : index
      %swap3A_53 = tpu.vector_load %arg14[%swap3A_51, %swap3A_52] {strides = array<i32>} : memref<40x144xf32, #tpu.memory_space<vmem>>, vector<16xf32>,
      tpu.vector_store %arg14[%swap3A_51, %swap3A_52], %broadcast_in_dim3A_50 {strides = array<i32>} : memref<40x144xf32, #tpu.memory_space<vmem>>, vector<16xf32>,
      %broadcast_in_dim3A_54 = arith.constant 0.000000e+00 : f32
      %broadcast_in_dim3A_55 = vector.broadcast %broadcast_in_dim3A_54 : f32 to vector<16xf32>
      %swap3A_56 = arith.index_cast %scan3A_25 : i32 to index
      %swap3A_57 = arith.constant 96 : index
      %swap3A_58 = tpu.vector_load %arg14[%swap3A_56, %swap3A_57] {strides = array<i32>} : memref<40x144xf32, #tpu.memory_space<vmem>>, vector<16xf32>,
      tpu.vector_store %arg14[%swap3A_56, %swap3A_57], %broadcast_in_dim3A_55 {strides = array<i32>} : memref<40x144xf32, #tpu.memory_space<vmem>>, vector<16xf32>,
      %broadcast_in_dim3A_59 = arith.constant 0.000000e+00 : f32
      %broadcast_in_dim3A_60 = vector.broadcast %broadcast_in_dim3A_59 : f32 to vector<16xf32>
      %swap3A_61 = arith.index_cast %scan3A_25 : i32 to index
      %swap3A_62 = arith.constant 112 : index
      %swap3A_63 = tpu.vector_load %arg14[%swap3A_61, %swap3A_62] {strides = array<i32>} : memref<40x144xf32, #tpu.memory_space<vmem>>, vector<16xf32>,
      tpu.vector_store %arg14[%swap3A_61, %swap3A_62], %broadcast_in_dim3A_60 {strides = array<i32>} : memref<40x144xf32, #tpu.memory_space<vmem>>, vector<16xf32>,
      %broadcast_in_dim3A_64 = arith.constant 0.000000e+00 : f32
      %broadcast_in_dim3A_65 = vector.broadcast %broadcast_in_dim3A_64 : f32 to vector<16xf32>
      %swap3A_66 = arith.index_cast %scan3A_25 : i32 to index
      %swap3A_67 = arith.constant 128 : index
      %swap3A_68 = tpu.vector_load %arg14[%swap3A_66, %swap3A_67] {strides = array<i32>} : memref<40x144xf32, #tpu.memory_space<vmem>>, vector<16xf32>,
      tpu.vector_store %arg14[%swap3A_66, %swap3A_67], %broadcast_in_dim3A_65 {strides = array<i32>} : memref<40x144xf32, #tpu.memory_space<vmem>>, vector<16xf32>,
    }
    %scan3A_5 = arith.constant 40 : i32
    %scan3A_6 = arith.constant 0 : i32
    %scan3A_7 = arith.constant 0 : i32
    %scan3A_8 = arith.constant 16 : i32
    %scan3A_9 = arith.addi %scan3A_7, %scan3A_8 : i32
    %scan3A_10 = arith.constant 1 : i32
    scf.for %scan3A_25 = %scan3A_7 to %scan3A_9 step %scan3A_10  : i32 {
      %mul3A_26 = arith.constant 640 : i32
      %mul3A_27 = arith.muli %arg1, %mul3A_26 : i32
      %mul3A_28 = arith.constant 40 : i32
      %mul3A_29 = arith.muli %scan3A_25, %mul3A_28 : i32
      %add3A_30 = arith.addi %mul3A_27, %mul3A_29 : i32
      "tpu.region"() ({
        %run_scoped3A = tpu.sem_alloc : memref<!tpu.dma_semaphore, #tpu.memory_space<semaphore_mem>>
        %dma_start3A = arith.constant 0 : i32
        %dma_start3A_31 = tpu.memref_slice %arg8[%add3A_30, %dma_start3A] : memref<10240x144xf32, #tpu.memory_space<vmem_shared>> -> memref<40x144xf32, #tpu.memory_space<vmem_shared>>
        %dma_start3A_32 = arith.constant 0 : i32
        %dma_start3A_33 = tpu.memref_slice %arg8[%add3A_30, %dma_start3A_32] : memref<10240x144xf32, #tpu.memory_space<vmem_shared>> -> memref<40x144xf32, #tpu.memory_space<vmem_shared>>
        tpu.enqueue_dma source(%arg14 : memref<40x144xf32, #tpu.memory_space<vmem>>) target(%dma_start3A_33 : memref<40x144xf32, #tpu.memory_space<vmem_shared>>) target_semaphore(%run_scoped3A : memref<!tpu.dma_semaphore, #tpu.memory_space<semaphore_mem>>)
        %dma_wait3A = arith.constant 0 : i32
        %dma_wait3A_34 = tpu.memref_slice %arg8[%add3A_30, %dma_wait3A] : memref<10240x144xf32, #tpu.memory_space<vmem_shared>> -> memref<40x144xf32, #tpu.memory_space<vmem_shared>>
        %dma_wait3A_35 = arith.constant 0 : i32
        %dma_wait3A_36 = tpu.memref_slice %arg8[%add3A_30, %dma_wait3A_35] : memref<10240x144xf32, #tpu.memory_space<vmem_shared>> -> memref<40x144xf32, #tpu.memory_space<vmem_shared>>
        tpu.wait_dma2 semaphore(%run_scoped3A : memref<!tpu.dma_semaphore, #tpu.memory_space<semaphore_mem>>) src(%arg14 : memref<40x144xf32, #tpu.memory_space<vmem>>) dst(%dma_wait3A_36 : memref<40x144xf32, #tpu.memory_space<vmem_shared>>)
        tpu.yield
      }) : () -> ()
    }
    %scan3A_11 = arith.constant 16 : i32
    "tpu.region"() ({
      %run_scoped3A = tpu.sem_alloc : memref<!tpu.dma_semaphore, #tpu.memory_space<semaphore_mem>>
      %dma_start3A = arith.constant 0 : i32
      %dma_start3A_25 = arith.constant 0 : i32
      %dma_start3A_26 = tpu.memref_slice %arg5[%add3A, %dma_start3A, %dma_start3A_25] : memref<32x125x40xi32, #tpu.memory_space<hbm>> -> memref<1x125x40xi32, #tpu.memory_space<hbm>>
      %dma_start3A_27 = tpu.memref_squeeze %dma_start3A_26 : memref<1x125x40xi32, #tpu.memory_space<hbm>> -> memref<125x40xi32, #tpu.memory_space<hbm>>
      %dma_start3A_28 = arith.constant 0 : i32
      %dma_start3A_29 = arith.constant 0 : i32
      %dma_start3A_30 = tpu.memref_slice %arg5[%add3A, %dma_start3A_28, %dma_start3A_29] : memref<32x125x40xi32, #tpu.memory_space<hbm>> -> memref<1x125x40xi32, #tpu.memory_space<hbm>>
      %dma_start3A_31 = tpu.memref_squeeze %dma_start3A_30 : memref<1x125x40xi32, #tpu.memory_space<hbm>> -> memref<125x40xi32, #tpu.memory_space<hbm>>
      tpu.enqueue_dma source(%dma_start3A_31 : memref<125x40xi32, #tpu.memory_space<hbm>>) target(%arg9 : memref<125x40xi32, #tpu.memory_space<vmem>>) target_semaphore(%run_scoped3A : memref<!tpu.dma_semaphore, #tpu.memory_space<semaphore_mem>>)
      %dma_wait3A = arith.constant 0 : i32
      %dma_wait3A_32 = arith.constant 0 : i32
      %dma_wait3A_33 = tpu.memref_slice %arg5[%add3A, %dma_wait3A, %dma_wait3A_32] : memref<32x125x40xi32, #tpu.memory_space<hbm>> -> memref<1x125x40xi32, #tpu.memory_space<hbm>>
      %dma_wait3A_34 = tpu.memref_squeeze %dma_wait3A_33 : memref<1x125x40xi32, #tpu.memory_space<hbm>> -> memref<125x40xi32, #tpu.memory_space<hbm>>
      %dma_wait3A_35 = arith.constant 0 : i32
      %dma_wait3A_36 = arith.constant 0 : i32
      %dma_wait3A_37 = tpu.memref_slice %arg5[%add3A, %dma_wait3A_35, %dma_wait3A_36] : memref<32x125x40xi32, #tpu.memory_space<hbm>> -> memref<1x125x40xi32, #tpu.memory_space<hbm>>
      %dma_wait3A_38 = tpu.memref_squeeze %dma_wait3A_37 : memref<1x125x40xi32, #tpu.memory_space<hbm>> -> memref<125x40xi32, #tpu.memory_space<hbm>>
      tpu.wait_dma2 semaphore(%run_scoped3A : memref<!tpu.dma_semaphore, #tpu.memory_space<semaphore_mem>>) src(%dma_wait3A_38 : memref<125x40xi32, #tpu.memory_space<hbm>>) dst(%arg9 : memref<125x40xi32, #tpu.memory_space<vmem>>)
      tpu.yield
    }) : () -> ()
    "tpu.region"() ({
      %run_scoped3A = tpu.sem_alloc : memref<!tpu.dma_semaphore, #tpu.memory_space<semaphore_mem>>
      %dma_start3A = arith.constant 0 : i32
      %dma_start3A_25 = arith.constant 0 : i32
      %dma_start3A_26 = tpu.memref_slice %arg6[%add3A, %dma_start3A, %dma_start3A_25] : memref<32x125x40xi32, #tpu.memory_space<hbm>> -> memref<1x125x40xi32, #tpu.memory_space<hbm>>
      %dma_start3A_27 = tpu.memref_squeeze %dma_start3A_26 : memref<1x125x40xi32, #tpu.memory_space<hbm>> -> memref<125x40xi32, #tpu.memory_space<hbm>>
      %dma_start3A_28 = arith.constant 0 : i32
      %dma_start3A_29 = arith.constant 0 : i32
      %dma_start3A_30 = tpu.memref_slice %arg6[%add3A, %dma_start3A_28, %dma_start3A_29] : memref<32x125x40xi32, #tpu.memory_space<hbm>> -> memref<1x125x40xi32, #tpu.memory_space<hbm>>
      %dma_start3A_31 = tpu.memref_squeeze %dma_start3A_30 : memref<1x125x40xi32, #tpu.memory_space<hbm>> -> memref<125x40xi32, #tpu.memory_space<hbm>>
      tpu.enqueue_dma source(%dma_start3A_31 : memref<125x40xi32, #tpu.memory_space<hbm>>) target(%arg10 : memref<125x40xi32, #tpu.memory_space<vmem>>) target_semaphore(%run_scoped3A : memref<!tpu.dma_semaphore, #tpu.memory_space<semaphore_mem>>)
      %dma_wait3A = arith.constant 0 : i32
      %dma_wait3A_32 = arith.constant 0 : i32
      %dma_wait3A_33 = tpu.memref_slice %arg6[%add3A, %dma_wait3A, %dma_wait3A_32] : memref<32x125x40xi32, #tpu.memory_space<hbm>> -> memref<1x125x40xi32, #tpu.memory_space<hbm>>
      %dma_wait3A_34 = tpu.memref_squeeze %dma_wait3A_33 : memref<1x125x40xi32, #tpu.memory_space<hbm>> -> memref<125x40xi32, #tpu.memory_space<hbm>>
      %dma_wait3A_35 = arith.constant 0 : i32
      %dma_wait3A_36 = arith.constant 0 : i32
      %dma_wait3A_37 = tpu.memref_slice %arg6[%add3A, %dma_wait3A_35, %dma_wait3A_36] : memref<32x125x40xi32, #tpu.memory_space<hbm>> -> memref<1x125x40xi32, #tpu.memory_space<hbm>>
      %dma_wait3A_38 = tpu.memref_squeeze %dma_wait3A_37 : memref<1x125x40xi32, #tpu.memory_space<hbm>> -> memref<125x40xi32, #tpu.memory_space<hbm>>
      tpu.wait_dma2 semaphore(%run_scoped3A : memref<!tpu.dma_semaphore, #tpu.memory_space<semaphore_mem>>) src(%dma_wait3A_38 : memref<125x40xi32, #tpu.memory_space<hbm>>) dst(%arg10 : memref<125x40xi32, #tpu.memory_space<vmem>>)
      tpu.yield
    }) : () -> ()
    %barrier3A = arith.constant 0 : index
    tpu.barrier barrier_id(%barrier3A)
    %mul3A_12 = arith.constant 5000 : i32
    %mul3A_13 = arith.muli %add3A, %mul3A_12 : i32
    %scan3A_14 = arith.constant 0 : i32
    %scan3A_15 = arith.constant 0 : i32
    %scan3A_16 = arith.constant 125 : i32
    %scan3A_17 = arith.addi %scan3A_15, %scan3A_16 : i32
    %scan3A_18 = arith.constant 1 : i32
    scf.for %scan3A_25 = %scan3A_15 to %scan3A_17 step %scan3A_18  : i32 {
      %mul3A_26 = arith.constant 40 : i32
      %mul3A_27 = arith.muli %scan3A_25, %mul3A_26 : i32
      %add3A_28 = arith.addi %mul3A_13, %mul3A_27 : i32
      %dma_start3A = arith.constant 0 : i32
      %dma_start3A_29 = tpu.memref_slice %arg9[%scan3A_25, %dma_start3A] : memref<125x40xi32, #tpu.memory_space<vmem>> -> memref<1x40xi32, #tpu.memory_space<vmem>>
      %dma_start3A_30 = tpu.memref_squeeze %dma_start3A_29 : memref<1x40xi32, #tpu.memory_space<vmem>> -> memref<40xi32, #tpu.memory_space<vmem>>
      %dma_start3A_31 = arith.constant 0 : i32
      %dma_start3A_32 = arith.constant 0 : i32
      %dma_start3A_33 = tpu.memref_slice %arg2[%dma_start3A_31, %dma_start3A_32] : memref<10000x256xf32, #tpu.memory_space<hbm>> -> memref<10000x256xf32, #tpu.memory_space<hbm>>
      tpu.enqueue_indirect_dma source(%dma_start3A_33 : memref<10000x256xf32, #tpu.memory_space<hbm>>) target(%arg11 : memref<40x256xf32, #tpu.memory_space<vmem>>) offsets(%dma_start3A_30 : memref<40xi32, #tpu.memory_space<vmem>>) semaphore(%arg15 : memref<!tpu.dma_semaphore, #tpu.memory_space<semaphore_mem>>)
      %dma_start3A_34 = arith.constant 0 : i32
      %dma_start3A_35 = tpu.memref_slice %arg10[%scan3A_25, %dma_start3A_34] : memref<125x40xi32, #tpu.memory_space<vmem>> -> memref<1x40xi32, #tpu.memory_space<vmem>>
      %dma_start3A_36 = tpu.memref_squeeze %dma_start3A_35 : memref<1x40xi32, #tpu.memory_space<vmem>> -> memref<40xi32, #tpu.memory_space<vmem>>
      %dma_start3A_37 = arith.constant 0 : i32
      %dma_start3A_38 = arith.constant 0 : i32
      %dma_start3A_39 = tpu.memref_slice %arg3[%dma_start3A_37, %dma_start3A_38] : memref<10000x128xf32, #tpu.memory_space<hbm>> -> memref<10000x128xf32, #tpu.memory_space<hbm>>
      tpu.enqueue_indirect_dma source(%dma_start3A_39 : memref<10000x128xf32, #tpu.memory_space<hbm>>) target(%arg12 : memref<40x128xf32, #tpu.memory_space<vmem>>) offsets(%dma_start3A_36 : memref<40xi32, #tpu.memory_space<vmem>>) semaphore(%arg15 : memref<!tpu.dma_semaphore, #tpu.memory_space<semaphore_mem>>)
      %dma_start3A_40 = arith.constant 0 : i32
      %dma_start3A_41 = tpu.memref_slice %arg4[%add3A_28, %dma_start3A_40] : memref<160000x128xf32, #tpu.memory_space<hbm>> -> memref<40x128xf32, #tpu.memory_space<hbm>>
      %dma_start3A_42 = arith.constant 0 : i32
      %dma_start3A_43 = tpu.memref_slice %arg4[%add3A_28, %dma_start3A_42] : memref<160000x128xf32, #tpu.memory_space<hbm>> -> memref<40x128xf32, #tpu.memory_space<hbm>>
      tpu.enqueue_dma source(%dma_start3A_43 : memref<40x128xf32, #tpu.memory_space<hbm>>) target(%arg13 : memref<40x128xf32, #tpu.memory_space<vmem>>) target_semaphore(%arg15 : memref<!tpu.dma_semaphore, #tpu.memory_space<semaphore_mem>>)
      %dma_wait3A = arith.constant 0 : i32
      %dma_wait3A_44 = tpu.memref_slice %arg9[%scan3A_25, %dma_wait3A] : memref<125x40xi32, #tpu.memory_space<vmem>> -> memref<1x40xi32, #tpu.memory_space<vmem>>
      %dma_wait3A_45 = tpu.memref_squeeze %dma_wait3A_44 : memref<1x40xi32, #tpu.memory_space<vmem>> -> memref<40xi32, #tpu.memory_space<vmem>>
      %dma_wait3A_46 = arith.constant 0 : i32
      %dma_wait3A_47 = arith.constant 0 : i32
      %dma_wait3A_48 = tpu.memref_slice %arg2[%dma_wait3A_46, %dma_wait3A_47] : memref<10000x256xf32, #tpu.memory_space<hbm>> -> memref<10000x256xf32, #tpu.memory_space<hbm>>
      tpu.wait_indirect_dma semaphore(%arg15 : memref<!tpu.dma_semaphore, #tpu.memory_space<semaphore_mem>>) src(%dma_wait3A_48 : memref<10000x256xf32, #tpu.memory_space<hbm>>) dst(%arg11 : memref<40x256xf32, #tpu.memory_space<vmem>>)
      %dma_wait3A_49 = arith.constant 0 : i32
      %dma_wait3A_50 = tpu.memref_slice %arg10[%scan3A_25, %dma_wait3A_49] : memref<125x40xi32, #tpu.memory_space<vmem>> -> memref<1x40xi32, #tpu.memory_space<vmem>>
      %dma_wait3A_51 = tpu.memref_squeeze %dma_wait3A_50 : memref<1x40xi32, #tpu.memory_space<vmem>> -> memref<40xi32, #tpu.memory_space<vmem>>
      %dma_wait3A_52 = arith.constant 0 : i32
      %dma_wait3A_53 = arith.constant 0 : i32
      %dma_wait3A_54 = tpu.memref_slice %arg3[%dma_wait3A_52, %dma_wait3A_53] : memref<10000x128xf32, #tpu.memory_space<hbm>> -> memref<10000x128xf32, #tpu.memory_space<hbm>>
      tpu.wait_indirect_dma semaphore(%arg15 : memref<!tpu.dma_semaphore, #tpu.memory_space<semaphore_mem>>) src(%dma_wait3A_54 : memref<10000x128xf32, #tpu.memory_space<hbm>>) dst(%arg12 : memref<40x128xf32, #tpu.memory_space<vmem>>)
      %dma_wait3A_55 = arith.constant 0 : i32
      %dma_wait3A_56 = tpu.memref_slice %arg4[%add3A_28, %dma_wait3A_55] : memref<160000x128xf32, #tpu.memory_space<hbm>> -> memref<40x128xf32, #tpu.memory_space<hbm>>
      %dma_wait3A_57 = arith.constant 0 : i32
      %dma_wait3A_58 = tpu.memref_slice %arg4[%add3A_28, %dma_wait3A_57] : memref<160000x128xf32, #tpu.memory_space<hbm>> -> memref<40x128xf32, #tpu.memory_space<hbm>>
      tpu.wait_dma2 semaphore(%arg15 : memref<!tpu.dma_semaphore, #tpu.memory_space<semaphore_mem>>) src(%dma_wait3A_58 : memref<40x128xf32, #tpu.memory_space<hbm>>) dst(%arg13 : memref<40x128xf32, #tpu.memory_space<vmem>>)
      %parallel_loop3A = arith.constant 0 : i32
      %parallel_loop3A_59 = arith.constant 40 : i32
      %parallel_loop3A_60 = arith.constant 1 : i32
      scf.for %parallel_loop3A_61 = %parallel_loop3A to %parallel_loop3A_59 step %parallel_loop3A_60  : i32 {
        %parallel_loop3A_62 = arith.constant 0.000000e+00 : f32
        %parallel_loop3A_63 = vector.broadcast %parallel_loop3A_62 : f32 to vector<16xf32>
        %parallel_loop3A_64 = arith.index_cast %parallel_loop3A_61 : i32 to index
        %parallel_loop3A_65 = arith.constant 0 : index
        %parallel_loop3A_66 = tpu.vector_load %arg13[%parallel_loop3A_64, %parallel_loop3A_65] {strides = array<i32>} : memref<40x128xf32, #tpu.memory_space<vmem>>, vector<16xf32>,
        %parallel_loop3A_67 = arith.index_cast %parallel_loop3A_61 : i32 to index
        %parallel_loop3A_68 = arith.constant 0 : index
        %parallel_loop3A_69 = tpu.vector_load %arg12[%parallel_loop3A_67, %parallel_loop3A_68] {strides = array<i32>} : memref<40x128xf32, #tpu.memory_space<vmem>>, vector<16xf32>,
        %parallel_loop3A_70 = arith.index_cast %parallel_loop3A_61 : i32 to index
        %parallel_loop3A_71 = arith.constant 0 : index
        %parallel_loop3A_72 = tpu.vector_load %arg11[%parallel_loop3A_70, %parallel_loop3A_71] {strides = array<i32>} : memref<40x256xf32, #tpu.memory_space<vmem>>, vector<16xf32>,
        %parallel_loop3A_73 = arith.addf %parallel_loop3A_72, %parallel_loop3A_66 : vector<16xf32>
        %parallel_loop3A_74 = arith.mulf %parallel_loop3A_69, %parallel_loop3A_73 : vector<16xf32>
        %parallel_loop3A_75 = arith.addf %parallel_loop3A_63, %parallel_loop3A_74 : vector<16xf32>
        %parallel_loop3A_76 = arith.index_cast %parallel_loop3A_61 : i32 to index
        %parallel_loop3A_77 = arith.constant 128 : index
        %parallel_loop3A_78 = tpu.vector_load %arg11[%parallel_loop3A_76, %parallel_loop3A_77] {strides = array<i32>} : memref<40x256xf32, #tpu.memory_space<vmem>>, vector<16xf32>,
        %parallel_loop3A_79 = arith.addf %parallel_loop3A_78, %parallel_loop3A_66 : vector<16xf32>
        %parallel_loop3A_80 = arith.index_cast %parallel_loop3A_61 : i32 to index
        %parallel_loop3A_81 = arith.constant 16 : index
        %parallel_loop3A_82 = tpu.vector_load %arg13[%parallel_loop3A_80, %parallel_loop3A_81] {strides = array<i32>} : memref<40x128xf32, #tpu.memory_space<vmem>>, vector<16xf32>,
        %parallel_loop3A_83 = arith.index_cast %parallel_loop3A_61 : i32 to index
        %parallel_loop3A_84 = arith.constant 16 : index
        %parallel_loop3A_85 = tpu.vector_load %arg12[%parallel_loop3A_83, %parallel_loop3A_84] {strides = array<i32>} : memref<40x128xf32, #tpu.memory_space<vmem>>, vector<16xf32>,
        %parallel_loop3A_86 = arith.index_cast %parallel_loop3A_61 : i32 to index
        %parallel_loop3A_87 = arith.constant 16 : index
        %parallel_loop3A_88 = tpu.vector_load %arg11[%parallel_loop3A_86, %parallel_loop3A_87] {strides = array<i32>} : memref<40x256xf32, #tpu.memory_space<vmem>>, vector<16xf32>,
        %parallel_loop3A_89 = arith.addf %parallel_loop3A_88, %parallel_loop3A_82 : vector<16xf32>
        %parallel_loop3A_90 = arith.mulf %parallel_loop3A_85, %parallel_loop3A_89 : vector<16xf32>
        %parallel_loop3A_91 = arith.addf %parallel_loop3A_75, %parallel_loop3A_90 : vector<16xf32>
        %parallel_loop3A_92 = arith.index_cast %parallel_loop3A_61 : i32 to index
        %parallel_loop3A_93 = arith.constant 144 : index
        %parallel_loop3A_94 = tpu.vector_load %arg11[%parallel_loop3A_92, %parallel_loop3A_93] {strides = array<i32>} : memref<40x256xf32, #tpu.memory_space<vmem>>, vector<16xf32>,
        %parallel_loop3A_95 = arith.addf %parallel_loop3A_94, %parallel_loop3A_82 : vector<16xf32>
        %parallel_loop3A_96 = arith.index_cast %parallel_loop3A_61 : i32 to index
        %parallel_loop3A_97 = arith.constant 32 : index
        %parallel_loop3A_98 = tpu.vector_load %arg13[%parallel_loop3A_96, %parallel_loop3A_97] {strides = array<i32>} : memref<40x128xf32, #tpu.memory_space<vmem>>, vector<16xf32>,
        %parallel_loop3A_99 = arith.index_cast %parallel_loop3A_61 : i32 to index
        %parallel_loop3A_100 = arith.constant 32 : index
        %parallel_loop3A_101 = tpu.vector_load %arg12[%parallel_loop3A_99, %parallel_loop3A_100] {strides = array<i32>} : memref<40x128xf32, #tpu.memory_space<vmem>>, vector<16xf32>,
        %parallel_loop3A_102 = arith.index_cast %parallel_loop3A_61 : i32 to index
        %parallel_loop3A_103 = arith.constant 32 : index
        %parallel_loop3A_104 = tpu.vector_load %arg11[%parallel_loop3A_102, %parallel_loop3A_103] {strides = array<i32>} : memref<40x256xf32, #tpu.memory_space<vmem>>, vector<16xf32>,
        %parallel_loop3A_105 = arith.addf %parallel_loop3A_104, %parallel_loop3A_98 : vector<16xf32>
        %parallel_loop3A_106 = arith.mulf %parallel_loop3A_101, %parallel_loop3A_105 : vector<16xf32>
        %parallel_loop3A_107 = arith.addf %parallel_loop3A_91, %parallel_loop3A_106 : vector<16xf32>
        %parallel_loop3A_108 = arith.index_cast %parallel_loop3A_61 : i32 to index
        %parallel_loop3A_109 = arith.constant 160 : index
        %parallel_loop3A_110 = tpu.vector_load %arg11[%parallel_loop3A_108, %parallel_loop3A_109] {strides = array<i32>} : memref<40x256xf32, #tpu.memory_space<vmem>>, vector<16xf32>,
        %parallel_loop3A_111 = arith.addf %parallel_loop3A_110, %parallel_loop3A_98 : vector<16xf32>
        %parallel_loop3A_112 = arith.index_cast %parallel_loop3A_61 : i32 to index
        %parallel_loop3A_113 = arith.constant 48 : index
        %parallel_loop3A_114 = tpu.vector_load %arg13[%parallel_loop3A_112, %parallel_loop3A_113] {strides = array<i32>} : memref<40x128xf32, #tpu.memory_space<vmem>>, vector<16xf32>,
        %parallel_loop3A_115 = arith.index_cast %parallel_loop3A_61 : i32 to index
        %parallel_loop3A_116 = arith.constant 48 : index
        %parallel_loop3A_117 = tpu.vector_load %arg12[%parallel_loop3A_115, %parallel_loop3A_116] {strides = array<i32>} : memref<40x128xf32, #tpu.memory_space<vmem>>, vector<16xf32>,
        %parallel_loop3A_118 = arith.index_cast %parallel_loop3A_61 : i32 to index
        %parallel_loop3A_119 = arith.constant 48 : index
        %parallel_loop3A_120 = tpu.vector_load %arg11[%parallel_loop3A_118, %parallel_loop3A_119] {strides = array<i32>} : memref<40x256xf32, #tpu.memory_space<vmem>>, vector<16xf32>,
        %parallel_loop3A_121 = arith.addf %parallel_loop3A_120, %parallel_loop3A_114 : vector<16xf32>
        %parallel_loop3A_122 = arith.mulf %parallel_loop3A_117, %parallel_loop3A_121 : vector<16xf32>
        %parallel_loop3A_123 = arith.addf %parallel_loop3A_107, %parallel_loop3A_122 : vector<16xf32>
        %parallel_loop3A_124 = arith.index_cast %parallel_loop3A_61 : i32 to index
        %parallel_loop3A_125 = arith.constant 176 : index
        %parallel_loop3A_126 = tpu.vector_load %arg11[%parallel_loop3A_124, %parallel_loop3A_125] {strides = array<i32>} : memref<40x256xf32, #tpu.memory_space<vmem>>, vector<16xf32>,
        %parallel_loop3A_127 = arith.addf %parallel_loop3A_126, %parallel_loop3A_114 : vector<16xf32>
        %parallel_loop3A_128 = arith.index_cast %parallel_loop3A_61 : i32 to index
        %parallel_loop3A_129 = arith.constant 64 : index
        %parallel_loop3A_130 = tpu.vector_load %arg13[%parallel_loop3A_128, %parallel_loop3A_129] {strides = array<i32>} : memref<40x128xf32, #tpu.memory_space<vmem>>, vector<16xf32>,
        %parallel_loop3A_131 = arith.index_cast %parallel_loop3A_61 : i32 to index
        %parallel_loop3A_132 = arith.constant 64 : index
        %parallel_loop3A_133 = tpu.vector_load %arg12[%parallel_loop3A_131, %parallel_loop3A_132] {strides = array<i32>} : memref<40x128xf32, #tpu.memory_space<vmem>>, vector<16xf32>,
        %parallel_loop3A_134 = arith.index_cast %parallel_loop3A_61 : i32 to index
        %parallel_loop3A_135 = arith.constant 64 : index
        %parallel_loop3A_136 = tpu.vector_load %arg11[%parallel_loop3A_134, %parallel_loop3A_135] {strides = array<i32>} : memref<40x256xf32, #tpu.memory_space<vmem>>, vector<16xf32>,
        %parallel_loop3A_137 = arith.addf %parallel_loop3A_136, %parallel_loop3A_130 : vector<16xf32>
        %parallel_loop3A_138 = arith.mulf %parallel_loop3A_133, %parallel_loop3A_137 : vector<16xf32>
        %parallel_loop3A_139 = arith.addf %parallel_loop3A_123, %parallel_loop3A_138 : vector<16xf32>
        %parallel_loop3A_140 = arith.index_cast %parallel_loop3A_61 : i32 to index
        %parallel_loop3A_141 = arith.constant 192 : index
        %parallel_loop3A_142 = tpu.vector_load %arg11[%parallel_loop3A_140, %parallel_loop3A_141] {strides = array<i32>} : memref<40x256xf32, #tpu.memory_space<vmem>>, vector<16xf32>,
        %parallel_loop3A_143 = arith.addf %parallel_loop3A_142, %parallel_loop3A_130 : vector<16xf32>
        %parallel_loop3A_144 = arith.index_cast %parallel_loop3A_61 : i32 to index
        %parallel_loop3A_145 = arith.constant 80 : index
        %parallel_loop3A_146 = tpu.vector_load %arg13[%parallel_loop3A_144, %parallel_loop3A_145] {strides = array<i32>} : memref<40x128xf32, #tpu.memory_space<vmem>>, vector<16xf32>,
        %parallel_loop3A_147 = arith.index_cast %parallel_loop3A_61 : i32 to index
        %parallel_loop3A_148 = arith.constant 80 : index
        %parallel_loop3A_149 = tpu.vector_load %arg12[%parallel_loop3A_147, %parallel_loop3A_148] {strides = array<i32>} : memref<40x128xf32, #tpu.memory_space<vmem>>, vector<16xf32>,
        %parallel_loop3A_150 = arith.index_cast %parallel_loop3A_61 : i32 to index
        %parallel_loop3A_151 = arith.constant 80 : index
        %parallel_loop3A_152 = tpu.vector_load %arg11[%parallel_loop3A_150, %parallel_loop3A_151] {strides = array<i32>} : memref<40x256xf32, #tpu.memory_space<vmem>>, vector<16xf32>,
        %parallel_loop3A_153 = arith.addf %parallel_loop3A_152, %parallel_loop3A_146 : vector<16xf32>
        %parallel_loop3A_154 = arith.mulf %parallel_loop3A_149, %parallel_loop3A_153 : vector<16xf32>
        %parallel_loop3A_155 = arith.addf %parallel_loop3A_139, %parallel_loop3A_154 : vector<16xf32>
        %parallel_loop3A_156 = arith.index_cast %parallel_loop3A_61 : i32 to index
        %parallel_loop3A_157 = arith.constant 208 : index
        %parallel_loop3A_158 = tpu.vector_load %arg11[%parallel_loop3A_156, %parallel_loop3A_157] {strides = array<i32>} : memref<40x256xf32, #tpu.memory_space<vmem>>, vector<16xf32>,
        %parallel_loop3A_159 = arith.addf %parallel_loop3A_158, %parallel_loop3A_146 : vector<16xf32>
        %parallel_loop3A_160 = arith.index_cast %parallel_loop3A_61 : i32 to index
        %parallel_loop3A_161 = arith.constant 96 : index
        %parallel_loop3A_162 = tpu.vector_load %arg13[%parallel_loop3A_160, %parallel_loop3A_161] {strides = array<i32>} : memref<40x128xf32, #tpu.memory_space<vmem>>, vector<16xf32>,
        %parallel_loop3A_163 = arith.index_cast %parallel_loop3A_61 : i32 to index
        %parallel_loop3A_164 = arith.constant 96 : index
        %parallel_loop3A_165 = tpu.vector_load %arg12[%parallel_loop3A_163, %parallel_loop3A_164] {strides = array<i32>} : memref<40x128xf32, #tpu.memory_space<vmem>>, vector<16xf32>,
        %parallel_loop3A_166 = arith.index_cast %parallel_loop3A_61 : i32 to index
        %parallel_loop3A_167 = arith.constant 96 : index
        %parallel_loop3A_168 = tpu.vector_load %arg11[%parallel_loop3A_166, %parallel_loop3A_167] {strides = array<i32>} : memref<40x256xf32, #tpu.memory_space<vmem>>, vector<16xf32>,
        %parallel_loop3A_169 = arith.addf %parallel_loop3A_168, %parallel_loop3A_162 : vector<16xf32>
        %parallel_loop3A_170 = arith.mulf %parallel_loop3A_165, %parallel_loop3A_169 : vector<16xf32>
        %parallel_loop3A_171 = arith.addf %parallel_loop3A_155, %parallel_loop3A_170 : vector<16xf32>
        %parallel_loop3A_172 = arith.index_cast %parallel_loop3A_61 : i32 to index
        %parallel_loop3A_173 = arith.constant 224 : index
        %parallel_loop3A_174 = tpu.vector_load %arg11[%parallel_loop3A_172, %parallel_loop3A_173] {strides = array<i32>} : memref<40x256xf32, #tpu.memory_space<vmem>>, vector<16xf32>,
        %parallel_loop3A_175 = arith.addf %parallel_loop3A_174, %parallel_loop3A_162 : vector<16xf32>
        %parallel_loop3A_176 = arith.index_cast %parallel_loop3A_61 : i32 to index
        %parallel_loop3A_177 = arith.constant 112 : index
        %parallel_loop3A_178 = tpu.vector_load %arg13[%parallel_loop3A_176, %parallel_loop3A_177] {strides = array<i32>} : memref<40x128xf32, #tpu.memory_space<vmem>>, vector<16xf32>,
        %parallel_loop3A_179 = arith.index_cast %parallel_loop3A_61 : i32 to index
        %parallel_loop3A_180 = arith.constant 112 : index
        %parallel_loop3A_181 = tpu.vector_load %arg12[%parallel_loop3A_179, %parallel_loop3A_180] {strides = array<i32>} : memref<40x128xf32, #tpu.memory_space<vmem>>, vector<16xf32>,
        %parallel_loop3A_182 = arith.index_cast %parallel_loop3A_61 : i32 to index
        %parallel_loop3A_183 = arith.constant 112 : index
        %parallel_loop3A_184 = tpu.vector_load %arg11[%parallel_loop3A_182, %parallel_loop3A_183] {strides = array<i32>} : memref<40x256xf32, #tpu.memory_space<vmem>>, vector<16xf32>,
        %parallel_loop3A_185 = arith.addf %parallel_loop3A_184, %parallel_loop3A_178 : vector<16xf32>
        %parallel_loop3A_186 = arith.mulf %parallel_loop3A_181, %parallel_loop3A_185 : vector<16xf32>
        %parallel_loop3A_187 = arith.addf %parallel_loop3A_171, %parallel_loop3A_186 : vector<16xf32>
        %parallel_loop3A_188 = arith.index_cast %parallel_loop3A_61 : i32 to index
        %parallel_loop3A_189 = arith.constant 240 : index
        %parallel_loop3A_190 = tpu.vector_load %arg11[%parallel_loop3A_188, %parallel_loop3A_189] {strides = array<i32>} : memref<40x256xf32, #tpu.memory_space<vmem>>, vector<16xf32>,
        %parallel_loop3A_191 = arith.addf %parallel_loop3A_190, %parallel_loop3A_178 : vector<16xf32>
        %parallel_loop3A_192 = arith.constant true
        %parallel_loop3A_193 = vector.broadcast %parallel_loop3A_192 : i1 to vector<16xi1>
        %parallel_loop3A_194 = tpu.scan <sum>, %parallel_loop3A_187 masked %parallel_loop3A_193 : vector<16xf32>, vector<16xi1> -> vector<16xf32>
        %parallel_loop3A_195 = vector.extract %parallel_loop3A_194[15] : f32 from vector<16xf32>
        %parallel_loop3A_196 = arith.constant 0.0883883461 : f32
        %parallel_loop3A_197 = arith.mulf %parallel_loop3A_195, %parallel_loop3A_196 : f32
        %parallel_loop3A_198 = vector.broadcast %parallel_loop3A_197 : f32 to vector<16xf32>
        %parallel_loop3A_199 = math.exp %parallel_loop3A_198 : vector<16xf32>
        %parallel_loop3A_200 = arith.mulf %parallel_loop3A_199, %parallel_loop3A_79 : vector<16xf32>
        %parallel_loop3A_201 = arith.index_cast %parallel_loop3A_61 : i32 to index
        %parallel_loop3A_202 = arith.constant 0 : index
        %parallel_loop3A_203 = tpu.vector_load %arg14[%parallel_loop3A_201, %parallel_loop3A_202] {strides = array<i32>} : memref<40x144xf32, #tpu.memory_space<vmem>>, vector<16xf32>,
        tpu.vector_store %arg14[%parallel_loop3A_201, %parallel_loop3A_202], %parallel_loop3A_200 {strides = array<i32>} : memref<40x144xf32, #tpu.memory_space<vmem>>, vector<16xf32>,
        %parallel_loop3A_204 = arith.mulf %parallel_loop3A_199, %parallel_loop3A_95 : vector<16xf32>
        %parallel_loop3A_205 = arith.index_cast %parallel_loop3A_61 : i32 to index
        %parallel_loop3A_206 = arith.constant 16 : index
        %parallel_loop3A_207 = tpu.vector_load %arg14[%parallel_loop3A_205, %parallel_loop3A_206] {strides = array<i32>} : memref<40x144xf32, #tpu.memory_space<vmem>>, vector<16xf32>,
        tpu.vector_store %arg14[%parallel_loop3A_205, %parallel_loop3A_206], %parallel_loop3A_204 {strides = array<i32>} : memref<40x144xf32, #tpu.memory_space<vmem>>, vector<16xf32>,
        %parallel_loop3A_208 = arith.mulf %parallel_loop3A_199, %parallel_loop3A_111 : vector<16xf32>
        %parallel_loop3A_209 = arith.index_cast %parallel_loop3A_61 : i32 to index
        %parallel_loop3A_210 = arith.constant 32 : index
        %parallel_loop3A_211 = tpu.vector_load %arg14[%parallel_loop3A_209, %parallel_loop3A_210] {strides = array<i32>} : memref<40x144xf32, #tpu.memory_space<vmem>>, vector<16xf32>,
        tpu.vector_store %arg14[%parallel_loop3A_209, %parallel_loop3A_210], %parallel_loop3A_208 {strides = array<i32>} : memref<40x144xf32, #tpu.memory_space<vmem>>, vector<16xf32>,
        %parallel_loop3A_212 = arith.mulf %parallel_loop3A_199, %parallel_loop3A_127 : vector<16xf32>
        %parallel_loop3A_213 = arith.index_cast %parallel_loop3A_61 : i32 to index
        %parallel_loop3A_214 = arith.constant 48 : index
        %parallel_loop3A_215 = tpu.vector_load %arg14[%parallel_loop3A_213, %parallel_loop3A_214] {strides = array<i32>} : memref<40x144xf32, #tpu.memory_space<vmem>>, vector<16xf32>,
        tpu.vector_store %arg14[%parallel_loop3A_213, %parallel_loop3A_214], %parallel_loop3A_212 {strides = array<i32>} : memref<40x144xf32, #tpu.memory_space<vmem>>, vector<16xf32>,
        %parallel_loop3A_216 = arith.mulf %parallel_loop3A_199, %parallel_loop3A_143 : vector<16xf32>
        %parallel_loop3A_217 = arith.index_cast %parallel_loop3A_61 : i32 to index
        %parallel_loop3A_218 = arith.constant 64 : index
        %parallel_loop3A_219 = tpu.vector_load %arg14[%parallel_loop3A_217, %parallel_loop3A_218] {strides = array<i32>} : memref<40x144xf32, #tpu.memory_space<vmem>>, vector<16xf32>,
        tpu.vector_store %arg14[%parallel_loop3A_217, %parallel_loop3A_218], %parallel_loop3A_216 {strides = array<i32>} : memref<40x144xf32, #tpu.memory_space<vmem>>, vector<16xf32>,
        %parallel_loop3A_220 = arith.mulf %parallel_loop3A_199, %parallel_loop3A_159 : vector<16xf32>
        %parallel_loop3A_221 = arith.index_cast %parallel_loop3A_61 : i32 to index
        %parallel_loop3A_222 = arith.constant 80 : index
        %parallel_loop3A_223 = tpu.vector_load %arg14[%parallel_loop3A_221, %parallel_loop3A_222] {strides = array<i32>} : memref<40x144xf32, #tpu.memory_space<vmem>>, vector<16xf32>,
        tpu.vector_store %arg14[%parallel_loop3A_221, %parallel_loop3A_222], %parallel_loop3A_220 {strides = array<i32>} : memref<40x144xf32, #tpu.memory_space<vmem>>, vector<16xf32>,
        %parallel_loop3A_224 = arith.mulf %parallel_loop3A_199, %parallel_loop3A_175 : vector<16xf32>
        %parallel_loop3A_225 = arith.index_cast %parallel_loop3A_61 : i32 to index
        %parallel_loop3A_226 = arith.constant 96 : index
        %parallel_loop3A_227 = tpu.vector_load %arg14[%parallel_loop3A_225, %parallel_loop3A_226] {strides = array<i32>} : memref<40x144xf32, #tpu.memory_space<vmem>>, vector<16xf32>,
        tpu.vector_store %arg14[%parallel_loop3A_225, %parallel_loop3A_226], %parallel_loop3A_224 {strides = array<i32>} : memref<40x144xf32, #tpu.memory_space<vmem>>, vector<16xf32>,
        %parallel_loop3A_228 = arith.mulf %parallel_loop3A_199, %parallel_loop3A_191 : vector<16xf32>
        %parallel_loop3A_229 = arith.index_cast %parallel_loop3A_61 : i32 to index
        %parallel_loop3A_230 = arith.constant 112 : index
        %parallel_loop3A_231 = tpu.vector_load %arg14[%parallel_loop3A_229, %parallel_loop3A_230] {strides = array<i32>} : memref<40x144xf32, #tpu.memory_space<vmem>>, vector<16xf32>,
        tpu.vector_store %arg14[%parallel_loop3A_229, %parallel_loop3A_230], %parallel_loop3A_228 {strides = array<i32>} : memref<40x144xf32, #tpu.memory_space<vmem>>, vector<16xf32>,
        %parallel_loop3A_232 = tpu.iota {dimensions = array<i32: 0>} : vector<16xi32>
        %parallel_loop3A_233 = arith.constant 0 : i32
        %parallel_loop3A_234 = vector.broadcast %parallel_loop3A_233 : i32 to vector<16xi32>
        %parallel_loop3A_235 = arith.cmpi eq, %parallel_loop3A_232, %parallel_loop3A_234 : vector<16xi32>
        %parallel_loop3A_236 = arith.constant 0.000000e+00 : f32
        %parallel_loop3A_237 = vector.broadcast %parallel_loop3A_236 : f32 to vector<16xf32>
        %parallel_loop3A_238 = arith.select %parallel_loop3A_235, %parallel_loop3A_199, %parallel_loop3A_237 : vector<16xi1>, vector<16xf32>
        %parallel_loop3A_239 = arith.index_cast %parallel_loop3A_61 : i32 to index
        %parallel_loop3A_240 = arith.constant 128 : index
        %parallel_loop3A_241 = tpu.vector_load %arg14[%parallel_loop3A_239, %parallel_loop3A_240] {strides = array<i32>} : memref<40x144xf32, #tpu.memory_space<vmem>>, vector<16xf32>,
        tpu.vector_store %arg14[%parallel_loop3A_239, %parallel_loop3A_240], %parallel_loop3A_238 {strides = array<i32>} : memref<40x144xf32, #tpu.memory_space<vmem>>, vector<16xf32>,
      } {sc.loop_unroll_factor = 1 : i64, sc.parallel_access}
      "tpu.region"() ({
        %run_scoped3A = tpu.sem_alloc : memref<!tpu.dma_semaphore, #tpu.memory_space<semaphore_mem>>
        %dma_start3A_61 = arith.constant 0 : i32
        %dma_start3A_62 = tpu.memref_slice %arg10[%scan3A_25, %dma_start3A_61] : memref<125x40xi32, #tpu.memory_space<vmem>> -> memref<1x40xi32, #tpu.memory_space<vmem>>
        %dma_start3A_63 = tpu.memref_squeeze %dma_start3A_62 : memref<1x40xi32, #tpu.memory_space<vmem>> -> memref<40xi32, #tpu.memory_space<vmem>>
        %dma_start3A_64 = arith.constant 0 : i32
        %dma_start3A_65 = arith.constant 0 : i32
        %dma_start3A_66 = tpu.memref_slice %arg8[%dma_start3A_64, %dma_start3A_65] : memref<10240x144xf32, #tpu.memory_space<vmem_shared>> -> memref<10240x144xf32, #tpu.memory_space<vmem_shared>>
        tpu.enqueue_indirect_dma source(%arg14 : memref<40x144xf32, #tpu.memory_space<vmem>>) target(%dma_start3A_66 : memref<10240x144xf32, #tpu.memory_space<vmem_shared>>) offsets(%dma_start3A_63 : memref<40xi32, #tpu.memory_space<vmem>>) semaphore(%run_scoped3A : memref<!tpu.dma_semaphore, #tpu.memory_space<semaphore_mem>>) {add = true}
        %dma_wait3A_67 = arith.constant 0 : i32
        %dma_wait3A_68 = tpu.memref_slice %arg10[%scan3A_25, %dma_wait3A_67] : memref<125x40xi32, #tpu.memory_space<vmem>> -> memref<1x40xi32, #tpu.memory_space<vmem>>
        %dma_wait3A_69 = tpu.memref_squeeze %dma_wait3A_68 : memref<1x40xi32, #tpu.memory_space<vmem>> -> memref<40xi32, #tpu.memory_space<vmem>>
        %dma_wait3A_70 = arith.constant 0 : i32
        %dma_wait3A_71 = arith.constant 0 : i32
        %dma_wait3A_72 = tpu.memref_slice %arg8[%dma_wait3A_70, %dma_wait3A_71] : memref<10240x144xf32, #tpu.memory_space<vmem_shared>> -> memref<10240x144xf32, #tpu.memory_space<vmem_shared>>
        tpu.wait_indirect_dma semaphore(%run_scoped3A : memref<!tpu.dma_semaphore, #tpu.memory_space<semaphore_mem>>) src(%arg14 : memref<40x144xf32, #tpu.memory_space<vmem>>) dst(%dma_wait3A_72 : memref<10240x144xf32, #tpu.memory_space<vmem_shared>>)
        tpu.yield
      }) : () -> ()
    }
    %scan3A_19 = arith.constant 125 : i32
    %barrier3A_20 = arith.constant 0 : index
    tpu.barrier barrier_id(%barrier3A_20)
    %mul3A_21 = arith.constant 640 : i32
    %mul3A_22 = arith.muli %arg1, %mul3A_21 : i32
    %mul3A_23 = arith.constant 640 : i32
    %mul3A_24 = arith.muli %arg1, %mul3A_23 : i32
    "tpu.region"() ({
      %run_scoped3A = tpu.sem_alloc : memref<!tpu.dma_semaphore, #tpu.memory_space<semaphore_mem>>
      %dma_start3A = arith.constant 0 : i32
      %dma_start3A_25 = tpu.memref_slice %arg7[%arg0, %mul3A_24, %dma_start3A] : memref<2x10240x144xf32, #tpu.memory_space<hbm>> -> memref<1x640x144xf32, #tpu.memory_space<hbm>>
      %dma_start3A_26 = tpu.memref_squeeze %dma_start3A_25 : memref<1x640x144xf32, #tpu.memory_space<hbm>> -> memref<640x144xf32, #tpu.memory_space<hbm>>
      %dma_start3A_27 = arith.constant 0 : i32
      %dma_start3A_28 = tpu.memref_slice %arg8[%mul3A_22, %dma_start3A_27] : memref<10240x144xf32, #tpu.memory_space<vmem_shared>> -> memref<640x144xf32, #tpu.memory_space<vmem_shared>>
      tpu.enqueue_dma source(%dma_start3A_28 : memref<640x144xf32, #tpu.memory_space<vmem_shared>>) target(%dma_start3A_26 : memref<640x144xf32, #tpu.memory_space<hbm>>) target_semaphore(%run_scoped3A : memref<!tpu.dma_semaphore, #tpu.memory_space<semaphore_mem>>)
      %dma_wait3A = arith.constant 0 : i32
      %dma_wait3A_29 = tpu.memref_slice %arg7[%arg0, %mul3A_24, %dma_wait3A] : memref<2x10240x144xf32, #tpu.memory_space<hbm>> -> memref<1x640x144xf32, #tpu.memory_space<hbm>>
      %dma_wait3A_30 = tpu.memref_squeeze %dma_wait3A_29 : memref<1x640x144xf32, #tpu.memory_space<hbm>> -> memref<640x144xf32, #tpu.memory_space<hbm>>
      %dma_wait3A_31 = arith.constant 0 : i32
      %dma_wait3A_32 = tpu.memref_slice %arg8[%mul3A_22, %dma_wait3A_31] : memref<10240x144xf32, #tpu.memory_space<vmem_shared>> -> memref<640x144xf32, #tpu.memory_space<vmem_shared>>
      tpu.wait_dma2 semaphore(%run_scoped3A : memref<!tpu.dma_semaphore, #tpu.memory_space<semaphore_mem>>) src(%dma_wait3A_32 : memref<640x144xf32, #tpu.memory_space<vmem_shared>>) dst(%dma_wait3A_30 : memref<640x144xf32, #tpu.memory_space<hbm>>)
      tpu.yield
    }) : () -> ()
    return
  }
}

#map = affine_map<(d0, d1) -> (0, 0)>
#map1 = affine_map<(d0, d1) -> (0, 0, 0)>
module attributes {stable_mosaic.version = 14 : i64} {
  func.func @_sc_conv_body(%arg0: i32, %arg1: i32, %arg2: memref<10000x256xf32, #tpu.memory_space<hbm>>, %arg3: memref<10000x128xf32, #tpu.memory_space<hbm>>, %arg4: memref<160000x128xf32, #tpu.memory_space<hbm>>, %arg5: memref<32x125x40xi32, #tpu.memory_space<hbm>>, %arg6: memref<32x125x40xi32, #tpu.memory_space<hbm>>, %arg7: memref<2x10240x144xf32, #tpu.memory_space<hbm>>, %arg8: memref<10240x144xf32, #tpu.memory_space<vmem_shared>>, %arg9: memref<125x40xi32, #tpu.memory_space<vmem>>, %arg10: memref<125x40xi32, #tpu.memory_space<vmem>>, %arg11: memref<40x256xf32, #tpu.memory_space<vmem>>, %arg12: memref<40x128xf32, #tpu.memory_space<vmem>>, %arg13: memref<40x128xf32, #tpu.memory_space<vmem>>, %arg14: memref<40x144xf32, #tpu.memory_space<vmem>>, %arg15: memref<!tpu.dma_semaphore, #tpu.memory_space<semaphore_mem>>) attributes {dimension_semantics = [#tpu.dimension_semantics<core_parallel>, #tpu.dimension_semantics<subcore_parallel>], iteration_bounds = array<i64: 2, 16>, scalar_prefetch = 0 : i64, scratch_operands = 8 : i64, tpu.core_type = #tpu.core_type<sc_vector_subcore>, window_params = [{transform_indices = #map}, {transform_indices = #map}, {transform_indices = #map}, {transform_indices = #map1}, {transform_indices = #map1}, {transform_indices = #map1}]} {
    %mul3A = arith.constant 16 : i32
    %mul3A_0 = arith.muli %arg0, %mul3A : i32
    %add3A = arith.addi %mul3A_0, %arg1 : i32
    %scan3A = arith.constant 0 : i32
    %scan3A_1 = arith.constant 0 : i32
    %scan3A_2 = arith.constant 40 : i32
    %scan3A_3 = arith.addi %scan3A_1, %scan3A_2 : i32
    %scan3A_4 = arith.constant 1 : i32
    scf.for %scan3A_25 = %scan3A_1 to %scan3A_3 step %scan3A_4  : i32 {
      %broadcast_in_dim3A = arith.constant 0.000000e+00 : f32
      %broadcast_in_dim3A_26 = vector.broadcast %broadcast_in_dim3A : f32 to vector<16xf32>
      %swap3A = arith.index_cast %scan3A_25 : i32 to index
      %swap3A_27 = arith.constant 0 : index
      %swap3A_28 = tpu.vector_load %arg14[%swap3A, %swap3A_27] {strides = array<i32>} : memref<40x144xf32, #tpu.memory_space<vmem>>, vector<16xf32>,
      tpu.vector_store %arg14[%swap3A, %swap3A_27], %broadcast_in_dim3A_26 {strides = array<i32>} : memref<40x144xf32, #tpu.memory_space<vmem>>, vector<16xf32>,
      %broadcast_in_dim3A_29 = arith.constant 0.000000e+00 : f32
      %broadcast_in_dim3A_30 = vector.broadcast %broadcast_in_dim3A_29 : f32 to vector<16xf32>
      %swap3A_31 = arith.index_cast %scan3A_25 : i32 to index
      %swap3A_32 = arith.constant 16 : index
      %swap3A_33 = tpu.vector_load %arg14[%swap3A_31, %swap3A_32] {strides = array<i32>} : memref<40x144xf32, #tpu.memory_space<vmem>>, vector<16xf32>,
      tpu.vector_store %arg14[%swap3A_31, %swap3A_32], %broadcast_in_dim3A_30 {strides = array<i32>} : memref<40x144xf32, #tpu.memory_space<vmem>>, vector<16xf32>,
      %broadcast_in_dim3A_34 = arith.constant 0.000000e+00 : f32
      %broadcast_in_dim3A_35 = vector.broadcast %broadcast_in_dim3A_34 : f32 to vector<16xf32>
      %swap3A_36 = arith.index_cast %scan3A_25 : i32 to index
      %swap3A_37 = arith.constant 32 : index
      %swap3A_38 = tpu.vector_load %arg14[%swap3A_36, %swap3A_37] {strides = array<i32>} : memref<40x144xf32, #tpu.memory_space<vmem>>, vector<16xf32>,
      tpu.vector_store %arg14[%swap3A_36, %swap3A_37], %broadcast_in_dim3A_35 {strides = array<i32>} : memref<40x144xf32, #tpu.memory_space<vmem>>, vector<16xf32>,
      %broadcast_in_dim3A_39 = arith.constant 0.000000e+00 : f32
      %broadcast_in_dim3A_40 = vector.broadcast %broadcast_in_dim3A_39 : f32 to vector<16xf32>
      %swap3A_41 = arith.index_cast %scan3A_25 : i32 to index
      %swap3A_42 = arith.constant 48 : index
      %swap3A_43 = tpu.vector_load %arg14[%swap3A_41, %swap3A_42] {strides = array<i32>} : memref<40x144xf32, #tpu.memory_space<vmem>>, vector<16xf32>,
      tpu.vector_store %arg14[%swap3A_41, %swap3A_42], %broadcast_in_dim3A_40 {strides = array<i32>} : memref<40x144xf32, #tpu.memory_space<vmem>>, vector<16xf32>,
      %broadcast_in_dim3A_44 = arith.constant 0.000000e+00 : f32
      %broadcast_in_dim3A_45 = vector.broadcast %broadcast_in_dim3A_44 : f32 to vector<16xf32>
      %swap3A_46 = arith.index_cast %scan3A_25 : i32 to index
      %swap3A_47 = arith.constant 64 : index
      %swap3A_48 = tpu.vector_load %arg14[%swap3A_46, %swap3A_47] {strides = array<i32>} : memref<40x144xf32, #tpu.memory_space<vmem>>, vector<16xf32>,
      tpu.vector_store %arg14[%swap3A_46, %swap3A_47], %broadcast_in_dim3A_45 {strides = array<i32>} : memref<40x144xf32, #tpu.memory_space<vmem>>, vector<16xf32>,
      %broadcast_in_dim3A_49 = arith.constant 0.000000e+00 : f32
      %broadcast_in_dim3A_50 = vector.broadcast %broadcast_in_dim3A_49 : f32 to vector<16xf32>
      %swap3A_51 = arith.index_cast %scan3A_25 : i32 to index
      %swap3A_52 = arith.constant 80 : index
      %swap3A_53 = tpu.vector_load %arg14[%swap3A_51, %swap3A_52] {strides = array<i32>} : memref<40x144xf32, #tpu.memory_space<vmem>>, vector<16xf32>,
      tpu.vector_store %arg14[%swap3A_51, %swap3A_52], %broadcast_in_dim3A_50 {strides = array<i32>} : memref<40x144xf32, #tpu.memory_space<vmem>>, vector<16xf32>,
      %broadcast_in_dim3A_54 = arith.constant 0.000000e+00 : f32
      %broadcast_in_dim3A_55 = vector.broadcast %broadcast_in_dim3A_54 : f32 to vector<16xf32>
      %swap3A_56 = arith.index_cast %scan3A_25 : i32 to index
      %swap3A_57 = arith.constant 96 : index
      %swap3A_58 = tpu.vector_load %arg14[%swap3A_56, %swap3A_57] {strides = array<i32>} : memref<40x144xf32, #tpu.memory_space<vmem>>, vector<16xf32>,
      tpu.vector_store %arg14[%swap3A_56, %swap3A_57], %broadcast_in_dim3A_55 {strides = array<i32>} : memref<40x144xf32, #tpu.memory_space<vmem>>, vector<16xf32>,
      %broadcast_in_dim3A_59 = arith.constant 0.000000e+00 : f32
      %broadcast_in_dim3A_60 = vector.broadcast %broadcast_in_dim3A_59 : f32 to vector<16xf32>
      %swap3A_61 = arith.index_cast %scan3A_25 : i32 to index
      %swap3A_62 = arith.constant 112 : index
      %swap3A_63 = tpu.vector_load %arg14[%swap3A_61, %swap3A_62] {strides = array<i32>} : memref<40x144xf32, #tpu.memory_space<vmem>>, vector<16xf32>,
      tpu.vector_store %arg14[%swap3A_61, %swap3A_62], %broadcast_in_dim3A_60 {strides = array<i32>} : memref<40x144xf32, #tpu.memory_space<vmem>>, vector<16xf32>,
      %broadcast_in_dim3A_64 = arith.constant 0.000000e+00 : f32
      %broadcast_in_dim3A_65 = vector.broadcast %broadcast_in_dim3A_64 : f32 to vector<16xf32>
      %swap3A_66 = arith.index_cast %scan3A_25 : i32 to index
      %swap3A_67 = arith.constant 128 : index
      %swap3A_68 = tpu.vector_load %arg14[%swap3A_66, %swap3A_67] {strides = array<i32>} : memref<40x144xf32, #tpu.memory_space<vmem>>, vector<16xf32>,
      tpu.vector_store %arg14[%swap3A_66, %swap3A_67], %broadcast_in_dim3A_65 {strides = array<i32>} : memref<40x144xf32, #tpu.memory_space<vmem>>, vector<16xf32>,
    }
    %scan3A_5 = arith.constant 40 : i32
    %scan3A_6 = arith.constant 0 : i32
    %scan3A_7 = arith.constant 0 : i32
    %scan3A_8 = arith.constant 16 : i32
    %scan3A_9 = arith.addi %scan3A_7, %scan3A_8 : i32
    %scan3A_10 = arith.constant 1 : i32
    scf.for %scan3A_25 = %scan3A_7 to %scan3A_9 step %scan3A_10  : i32 {
      %mul3A_26 = arith.constant 640 : i32
      %mul3A_27 = arith.muli %arg1, %mul3A_26 : i32
      %mul3A_28 = arith.constant 40 : i32
      %mul3A_29 = arith.muli %scan3A_25, %mul3A_28 : i32
      %add3A_30 = arith.addi %mul3A_27, %mul3A_29 : i32
      "tpu.region"() ({
        %run_scoped3A = tpu.sem_alloc : memref<!tpu.dma_semaphore, #tpu.memory_space<semaphore_mem>>
        %dma_start3A = arith.constant 0 : i32
        %dma_start3A_31 = tpu.memref_slice %arg8[%add3A_30, %dma_start3A] : memref<10240x144xf32, #tpu.memory_space<vmem_shared>> -> memref<40x144xf32, #tpu.memory_space<vmem_shared>>
        %dma_start3A_32 = arith.constant 0 : i32
        %dma_start3A_33 = tpu.memref_slice %arg8[%add3A_30, %dma_start3A_32] : memref<10240x144xf32, #tpu.memory_space<vmem_shared>> -> memref<40x144xf32, #tpu.memory_space<vmem_shared>>
        tpu.enqueue_dma source(%arg14 : memref<40x144xf32, #tpu.memory_space<vmem>>) target(%dma_start3A_33 : memref<40x144xf32, #tpu.memory_space<vmem_shared>>) target_semaphore(%run_scoped3A : memref<!tpu.dma_semaphore, #tpu.memory_space<semaphore_mem>>)
        %dma_wait3A = arith.constant 0 : i32
        %dma_wait3A_34 = tpu.memref_slice %arg8[%add3A_30, %dma_wait3A] : memref<10240x144xf32, #tpu.memory_space<vmem_shared>> -> memref<40x144xf32, #tpu.memory_space<vmem_shared>>
        %dma_wait3A_35 = arith.constant 0 : i32
        %dma_wait3A_36 = tpu.memref_slice %arg8[%add3A_30, %dma_wait3A_35] : memref<10240x144xf32, #tpu.memory_space<vmem_shared>> -> memref<40x144xf32, #tpu.memory_space<vmem_shared>>
        tpu.wait_dma2 semaphore(%run_scoped3A : memref<!tpu.dma_semaphore, #tpu.memory_space<semaphore_mem>>) src(%arg14 : memref<40x144xf32, #tpu.memory_space<vmem>>) dst(%dma_wait3A_36 : memref<40x144xf32, #tpu.memory_space<vmem_shared>>)
        tpu.yield
      }) : () -> ()
    }
    %scan3A_11 = arith.constant 16 : i32
    "tpu.region"() ({
      %run_scoped3A = tpu.sem_alloc : memref<!tpu.dma_semaphore, #tpu.memory_space<semaphore_mem>>
      %dma_start3A = arith.constant 0 : i32
      %dma_start3A_25 = arith.constant 0 : i32
      %dma_start3A_26 = tpu.memref_slice %arg5[%add3A, %dma_start3A, %dma_start3A_25] : memref<32x125x40xi32, #tpu.memory_space<hbm>> -> memref<1x125x40xi32, #tpu.memory_space<hbm>>
      %dma_start3A_27 = tpu.memref_squeeze %dma_start3A_26 : memref<1x125x40xi32, #tpu.memory_space<hbm>> -> memref<125x40xi32, #tpu.memory_space<hbm>>
      %dma_start3A_28 = arith.constant 0 : i32
      %dma_start3A_29 = arith.constant 0 : i32
      %dma_start3A_30 = tpu.memref_slice %arg5[%add3A, %dma_start3A_28, %dma_start3A_29] : memref<32x125x40xi32, #tpu.memory_space<hbm>> -> memref<1x125x40xi32, #tpu.memory_space<hbm>>
      %dma_start3A_31 = tpu.memref_squeeze %dma_start3A_30 : memref<1x125x40xi32, #tpu.memory_space<hbm>> -> memref<125x40xi32, #tpu.memory_space<hbm>>
      tpu.enqueue_dma source(%dma_start3A_31 : memref<125x40xi32, #tpu.memory_space<hbm>>) target(%arg9 : memref<125x40xi32, #tpu.memory_space<vmem>>) target_semaphore(%run_scoped3A : memref<!tpu.dma_semaphore, #tpu.memory_space<semaphore_mem>>)
      %dma_wait3A = arith.constant 0 : i32
      %dma_wait3A_32 = arith.constant 0 : i32
      %dma_wait3A_33 = tpu.memref_slice %arg5[%add3A, %dma_wait3A, %dma_wait3A_32] : memref<32x125x40xi32, #tpu.memory_space<hbm>> -> memref<1x125x40xi32, #tpu.memory_space<hbm>>
      %dma_wait3A_34 = tpu.memref_squeeze %dma_wait3A_33 : memref<1x125x40xi32, #tpu.memory_space<hbm>> -> memref<125x40xi32, #tpu.memory_space<hbm>>
      %dma_wait3A_35 = arith.constant 0 : i32
      %dma_wait3A_36 = arith.constant 0 : i32
      %dma_wait3A_37 = tpu.memref_slice %arg5[%add3A, %dma_wait3A_35, %dma_wait3A_36] : memref<32x125x40xi32, #tpu.memory_space<hbm>> -> memref<1x125x40xi32, #tpu.memory_space<hbm>>
      %dma_wait3A_38 = tpu.memref_squeeze %dma_wait3A_37 : memref<1x125x40xi32, #tpu.memory_space<hbm>> -> memref<125x40xi32, #tpu.memory_space<hbm>>
      tpu.wait_dma2 semaphore(%run_scoped3A : memref<!tpu.dma_semaphore, #tpu.memory_space<semaphore_mem>>) src(%dma_wait3A_38 : memref<125x40xi32, #tpu.memory_space<hbm>>) dst(%arg9 : memref<125x40xi32, #tpu.memory_space<vmem>>)
      tpu.yield
    }) : () -> ()
    "tpu.region"() ({
      %run_scoped3A = tpu.sem_alloc : memref<!tpu.dma_semaphore, #tpu.memory_space<semaphore_mem>>
      %dma_start3A = arith.constant 0 : i32
      %dma_start3A_25 = arith.constant 0 : i32
      %dma_start3A_26 = tpu.memref_slice %arg6[%add3A, %dma_start3A, %dma_start3A_25] : memref<32x125x40xi32, #tpu.memory_space<hbm>> -> memref<1x125x40xi32, #tpu.memory_space<hbm>>
      %dma_start3A_27 = tpu.memref_squeeze %dma_start3A_26 : memref<1x125x40xi32, #tpu.memory_space<hbm>> -> memref<125x40xi32, #tpu.memory_space<hbm>>
      %dma_start3A_28 = arith.constant 0 : i32
      %dma_start3A_29 = arith.constant 0 : i32
      %dma_start3A_30 = tpu.memref_slice %arg6[%add3A, %dma_start3A_28, %dma_start3A_29] : memref<32x125x40xi32, #tpu.memory_space<hbm>> -> memref<1x125x40xi32, #tpu.memory_space<hbm>>
      %dma_start3A_31 = tpu.memref_squeeze %dma_start3A_30 : memref<1x125x40xi32, #tpu.memory_space<hbm>> -> memref<125x40xi32, #tpu.memory_space<hbm>>
      tpu.enqueue_dma source(%dma_start3A_31 : memref<125x40xi32, #tpu.memory_space<hbm>>) target(%arg10 : memref<125x40xi32, #tpu.memory_space<vmem>>) target_semaphore(%run_scoped3A : memref<!tpu.dma_semaphore, #tpu.memory_space<semaphore_mem>>)
      %dma_wait3A = arith.constant 0 : i32
      %dma_wait3A_32 = arith.constant 0 : i32
      %dma_wait3A_33 = tpu.memref_slice %arg6[%add3A, %dma_wait3A, %dma_wait3A_32] : memref<32x125x40xi32, #tpu.memory_space<hbm>> -> memref<1x125x40xi32, #tpu.memory_space<hbm>>
      %dma_wait3A_34 = tpu.memref_squeeze %dma_wait3A_33 : memref<1x125x40xi32, #tpu.memory_space<hbm>> -> memref<125x40xi32, #tpu.memory_space<hbm>>
      %dma_wait3A_35 = arith.constant 0 : i32
      %dma_wait3A_36 = arith.constant 0 : i32
      %dma_wait3A_37 = tpu.memref_slice %arg6[%add3A, %dma_wait3A_35, %dma_wait3A_36] : memref<32x125x40xi32, #tpu.memory_space<hbm>> -> memref<1x125x40xi32, #tpu.memory_space<hbm>>
      %dma_wait3A_38 = tpu.memref_squeeze %dma_wait3A_37 : memref<1x125x40xi32, #tpu.memory_space<hbm>> -> memref<125x40xi32, #tpu.memory_space<hbm>>
      tpu.wait_dma2 semaphore(%run_scoped3A : memref<!tpu.dma_semaphore, #tpu.memory_space<semaphore_mem>>) src(%dma_wait3A_38 : memref<125x40xi32, #tpu.memory_space<hbm>>) dst(%arg10 : memref<125x40xi32, #tpu.memory_space<vmem>>)
      tpu.yield
    }) : () -> ()
    %barrier3A = arith.constant 0 : index
    tpu.barrier barrier_id(%barrier3A)
    %mul3A_12 = arith.constant 5000 : i32
    %mul3A_13 = arith.muli %add3A, %mul3A_12 : i32
    %scan3A_14 = arith.constant 0 : i32
    %scan3A_15 = arith.constant 0 : i32
    %scan3A_16 = arith.constant 125 : i32
    %scan3A_17 = arith.addi %scan3A_15, %scan3A_16 : i32
    %scan3A_18 = arith.constant 1 : i32
    scf.for %scan3A_25 = %scan3A_15 to %scan3A_17 step %scan3A_18  : i32 {
      %mul3A_26 = arith.constant 40 : i32
      %mul3A_27 = arith.muli %scan3A_25, %mul3A_26 : i32
      %add3A_28 = arith.addi %mul3A_13, %mul3A_27 : i32
      %dma_start3A = arith.constant 0 : i32
      %dma_start3A_29 = tpu.memref_slice %arg9[%scan3A_25, %dma_start3A] : memref<125x40xi32, #tpu.memory_space<vmem>> -> memref<1x40xi32, #tpu.memory_space<vmem>>
      %dma_start3A_30 = tpu.memref_squeeze %dma_start3A_29 : memref<1x40xi32, #tpu.memory_space<vmem>> -> memref<40xi32, #tpu.memory_space<vmem>>
      %dma_start3A_31 = arith.constant 0 : i32
      %dma_start3A_32 = arith.constant 0 : i32
      %dma_start3A_33 = tpu.memref_slice %arg2[%dma_start3A_31, %dma_start3A_32] : memref<10000x256xf32, #tpu.memory_space<hbm>> -> memref<10000x256xf32, #tpu.memory_space<hbm>>
      tpu.enqueue_indirect_dma source(%dma_start3A_33 : memref<10000x256xf32, #tpu.memory_space<hbm>>) target(%arg11 : memref<40x256xf32, #tpu.memory_space<vmem>>) offsets(%dma_start3A_30 : memref<40xi32, #tpu.memory_space<vmem>>) semaphore(%arg15 : memref<!tpu.dma_semaphore, #tpu.memory_space<semaphore_mem>>)
      %dma_start3A_34 = arith.constant 0 : i32
      %dma_start3A_35 = tpu.memref_slice %arg10[%scan3A_25, %dma_start3A_34] : memref<125x40xi32, #tpu.memory_space<vmem>> -> memref<1x40xi32, #tpu.memory_space<vmem>>
      %dma_start3A_36 = tpu.memref_squeeze %dma_start3A_35 : memref<1x40xi32, #tpu.memory_space<vmem>> -> memref<40xi32, #tpu.memory_space<vmem>>
      %dma_start3A_37 = arith.constant 0 : i32
      %dma_start3A_38 = arith.constant 0 : i32
      %dma_start3A_39 = tpu.memref_slice %arg3[%dma_start3A_37, %dma_start3A_38] : memref<10000x128xf32, #tpu.memory_space<hbm>> -> memref<10000x128xf32, #tpu.memory_space<hbm>>
      tpu.enqueue_indirect_dma source(%dma_start3A_39 : memref<10000x128xf32, #tpu.memory_space<hbm>>) target(%arg12 : memref<40x128xf32, #tpu.memory_space<vmem>>) offsets(%dma_start3A_36 : memref<40xi32, #tpu.memory_space<vmem>>) semaphore(%arg15 : memref<!tpu.dma_semaphore, #tpu.memory_space<semaphore_mem>>)
      %dma_start3A_40 = arith.constant 0 : i32
      %dma_start3A_41 = tpu.memref_slice %arg4[%add3A_28, %dma_start3A_40] : memref<160000x128xf32, #tpu.memory_space<hbm>> -> memref<40x128xf32, #tpu.memory_space<hbm>>
      %dma_start3A_42 = arith.constant 0 : i32
      %dma_start3A_43 = tpu.memref_slice %arg4[%add3A_28, %dma_start3A_42] : memref<160000x128xf32, #tpu.memory_space<hbm>> -> memref<40x128xf32, #tpu.memory_space<hbm>>
      tpu.enqueue_dma source(%dma_start3A_43 : memref<40x128xf32, #tpu.memory_space<hbm>>) target(%arg13 : memref<40x128xf32, #tpu.memory_space<vmem>>) target_semaphore(%arg15 : memref<!tpu.dma_semaphore, #tpu.memory_space<semaphore_mem>>)
      %dma_wait3A = arith.constant 0 : i32
      %dma_wait3A_44 = tpu.memref_slice %arg9[%scan3A_25, %dma_wait3A] : memref<125x40xi32, #tpu.memory_space<vmem>> -> memref<1x40xi32, #tpu.memory_space<vmem>>
      %dma_wait3A_45 = tpu.memref_squeeze %dma_wait3A_44 : memref<1x40xi32, #tpu.memory_space<vmem>> -> memref<40xi32, #tpu.memory_space<vmem>>
      %dma_wait3A_46 = arith.constant 0 : i32
      %dma_wait3A_47 = arith.constant 0 : i32
      %dma_wait3A_48 = tpu.memref_slice %arg2[%dma_wait3A_46, %dma_wait3A_47] : memref<10000x256xf32, #tpu.memory_space<hbm>> -> memref<10000x256xf32, #tpu.memory_space<hbm>>
      tpu.wait_indirect_dma semaphore(%arg15 : memref<!tpu.dma_semaphore, #tpu.memory_space<semaphore_mem>>) src(%dma_wait3A_48 : memref<10000x256xf32, #tpu.memory_space<hbm>>) dst(%arg11 : memref<40x256xf32, #tpu.memory_space<vmem>>)
      %dma_wait3A_49 = arith.constant 0 : i32
      %dma_wait3A_50 = tpu.memref_slice %arg10[%scan3A_25, %dma_wait3A_49] : memref<125x40xi32, #tpu.memory_space<vmem>> -> memref<1x40xi32, #tpu.memory_space<vmem>>
      %dma_wait3A_51 = tpu.memref_squeeze %dma_wait3A_50 : memref<1x40xi32, #tpu.memory_space<vmem>> -> memref<40xi32, #tpu.memory_space<vmem>>
      %dma_wait3A_52 = arith.constant 0 : i32
      %dma_wait3A_53 = arith.constant 0 : i32
      %dma_wait3A_54 = tpu.memref_slice %arg3[%dma_wait3A_52, %dma_wait3A_53] : memref<10000x128xf32, #tpu.memory_space<hbm>> -> memref<10000x128xf32, #tpu.memory_space<hbm>>
      tpu.wait_indirect_dma semaphore(%arg15 : memref<!tpu.dma_semaphore, #tpu.memory_space<semaphore_mem>>) src(%dma_wait3A_54 : memref<10000x128xf32, #tpu.memory_space<hbm>>) dst(%arg12 : memref<40x128xf32, #tpu.memory_space<vmem>>)
      %dma_wait3A_55 = arith.constant 0 : i32
      %dma_wait3A_56 = tpu.memref_slice %arg4[%add3A_28, %dma_wait3A_55] : memref<160000x128xf32, #tpu.memory_space<hbm>> -> memref<40x128xf32, #tpu.memory_space<hbm>>
      %dma_wait3A_57 = arith.constant 0 : i32
      %dma_wait3A_58 = tpu.memref_slice %arg4[%add3A_28, %dma_wait3A_57] : memref<160000x128xf32, #tpu.memory_space<hbm>> -> memref<40x128xf32, #tpu.memory_space<hbm>>
      tpu.wait_dma2 semaphore(%arg15 : memref<!tpu.dma_semaphore, #tpu.memory_space<semaphore_mem>>) src(%dma_wait3A_58 : memref<40x128xf32, #tpu.memory_space<hbm>>) dst(%arg13 : memref<40x128xf32, #tpu.memory_space<vmem>>)
      %parallel_loop3A = arith.constant 0 : i32
      %parallel_loop3A_59 = arith.constant 40 : i32
      %parallel_loop3A_60 = arith.constant 1 : i32
      scf.for %parallel_loop3A_61 = %parallel_loop3A to %parallel_loop3A_59 step %parallel_loop3A_60  : i32 {
        %parallel_loop3A_62 = arith.constant 0.000000e+00 : f32
        %parallel_loop3A_63 = vector.broadcast %parallel_loop3A_62 : f32 to vector<16xf32>
        %parallel_loop3A_64 = arith.index_cast %parallel_loop3A_61 : i32 to index
        %parallel_loop3A_65 = arith.constant 0 : index
        %parallel_loop3A_66 = tpu.vector_load %arg13[%parallel_loop3A_64, %parallel_loop3A_65] {strides = array<i32>} : memref<40x128xf32, #tpu.memory_space<vmem>>, vector<16xf32>,
        %parallel_loop3A_67 = arith.index_cast %parallel_loop3A_61 : i32 to index
        %parallel_loop3A_68 = arith.constant 0 : index
        %parallel_loop3A_69 = tpu.vector_load %arg12[%parallel_loop3A_67, %parallel_loop3A_68] {strides = array<i32>} : memref<40x128xf32, #tpu.memory_space<vmem>>, vector<16xf32>,
        %parallel_loop3A_70 = arith.index_cast %parallel_loop3A_61 : i32 to index
        %parallel_loop3A_71 = arith.constant 0 : index
        %parallel_loop3A_72 = tpu.vector_load %arg11[%parallel_loop3A_70, %parallel_loop3A_71] {strides = array<i32>} : memref<40x256xf32, #tpu.memory_space<vmem>>, vector<16xf32>,
        %parallel_loop3A_73 = arith.addf %parallel_loop3A_72, %parallel_loop3A_66 : vector<16xf32>
        %parallel_loop3A_74 = arith.mulf %parallel_loop3A_69, %parallel_loop3A_73 : vector<16xf32>
        %parallel_loop3A_75 = arith.addf %parallel_loop3A_63, %parallel_loop3A_74 : vector<16xf32>
        %parallel_loop3A_76 = arith.index_cast %parallel_loop3A_61 : i32 to index
        %parallel_loop3A_77 = arith.constant 128 : index
        %parallel_loop3A_78 = tpu.vector_load %arg11[%parallel_loop3A_76, %parallel_loop3A_77] {strides = array<i32>} : memref<40x256xf32, #tpu.memory_space<vmem>>, vector<16xf32>,
        %parallel_loop3A_79 = arith.addf %parallel_loop3A_78, %parallel_loop3A_66 : vector<16xf32>
        %parallel_loop3A_80 = arith.index_cast %parallel_loop3A_61 : i32 to index
        %parallel_loop3A_81 = arith.constant 16 : index
        %parallel_loop3A_82 = tpu.vector_load %arg13[%parallel_loop3A_80, %parallel_loop3A_81] {strides = array<i32>} : memref<40x128xf32, #tpu.memory_space<vmem>>, vector<16xf32>,
        %parallel_loop3A_83 = arith.index_cast %parallel_loop3A_61 : i32 to index
        %parallel_loop3A_84 = arith.constant 16 : index
        %parallel_loop3A_85 = tpu.vector_load %arg12[%parallel_loop3A_83, %parallel_loop3A_84] {strides = array<i32>} : memref<40x128xf32, #tpu.memory_space<vmem>>, vector<16xf32>,
        %parallel_loop3A_86 = arith.index_cast %parallel_loop3A_61 : i32 to index
        %parallel_loop3A_87 = arith.constant 16 : index
        %parallel_loop3A_88 = tpu.vector_load %arg11[%parallel_loop3A_86, %parallel_loop3A_87] {strides = array<i32>} : memref<40x256xf32, #tpu.memory_space<vmem>>, vector<16xf32>,
        %parallel_loop3A_89 = arith.addf %parallel_loop3A_88, %parallel_loop3A_82 : vector<16xf32>
        %parallel_loop3A_90 = arith.mulf %parallel_loop3A_85, %parallel_loop3A_89 : vector<16xf32>
        %parallel_loop3A_91 = arith.addf %parallel_loop3A_75, %parallel_loop3A_90 : vector<16xf32>
        %parallel_loop3A_92 = arith.index_cast %parallel_loop3A_61 : i32 to index
        %parallel_loop3A_93 = arith.constant 144 : index
        %parallel_loop3A_94 = tpu.vector_load %arg11[%parallel_loop3A_92, %parallel_loop3A_93] {strides = array<i32>} : memref<40x256xf32, #tpu.memory_space<vmem>>, vector<16xf32>,
        %parallel_loop3A_95 = arith.addf %parallel_loop3A_94, %parallel_loop3A_82 : vector<16xf32>
        %parallel_loop3A_96 = arith.index_cast %parallel_loop3A_61 : i32 to index
        %parallel_loop3A_97 = arith.constant 32 : index
        %parallel_loop3A_98 = tpu.vector_load %arg13[%parallel_loop3A_96, %parallel_loop3A_97] {strides = array<i32>} : memref<40x128xf32, #tpu.memory_space<vmem>>, vector<16xf32>,
        %parallel_loop3A_99 = arith.index_cast %parallel_loop3A_61 : i32 to index
        %parallel_loop3A_100 = arith.constant 32 : index
        %parallel_loop3A_101 = tpu.vector_load %arg12[%parallel_loop3A_99, %parallel_loop3A_100] {strides = array<i32>} : memref<40x128xf32, #tpu.memory_space<vmem>>, vector<16xf32>,
        %parallel_loop3A_102 = arith.index_cast %parallel_loop3A_61 : i32 to index
        %parallel_loop3A_103 = arith.constant 32 : index
        %parallel_loop3A_104 = tpu.vector_load %arg11[%parallel_loop3A_102, %parallel_loop3A_103] {strides = array<i32>} : memref<40x256xf32, #tpu.memory_space<vmem>>, vector<16xf32>,
        %parallel_loop3A_105 = arith.addf %parallel_loop3A_104, %parallel_loop3A_98 : vector<16xf32>
        %parallel_loop3A_106 = arith.mulf %parallel_loop3A_101, %parallel_loop3A_105 : vector<16xf32>
        %parallel_loop3A_107 = arith.addf %parallel_loop3A_91, %parallel_loop3A_106 : vector<16xf32>
        %parallel_loop3A_108 = arith.index_cast %parallel_loop3A_61 : i32 to index
        %parallel_loop3A_109 = arith.constant 160 : index
        %parallel_loop3A_110 = tpu.vector_load %arg11[%parallel_loop3A_108, %parallel_loop3A_109] {strides = array<i32>} : memref<40x256xf32, #tpu.memory_space<vmem>>, vector<16xf32>,
        %parallel_loop3A_111 = arith.addf %parallel_loop3A_110, %parallel_loop3A_98 : vector<16xf32>
        %parallel_loop3A_112 = arith.index_cast %parallel_loop3A_61 : i32 to index
        %parallel_loop3A_113 = arith.constant 48 : index
        %parallel_loop3A_114 = tpu.vector_load %arg13[%parallel_loop3A_112, %parallel_loop3A_113] {strides = array<i32>} : memref<40x128xf32, #tpu.memory_space<vmem>>, vector<16xf32>,
        %parallel_loop3A_115 = arith.index_cast %parallel_loop3A_61 : i32 to index
        %parallel_loop3A_116 = arith.constant 48 : index
        %parallel_loop3A_117 = tpu.vector_load %arg12[%parallel_loop3A_115, %parallel_loop3A_116] {strides = array<i32>} : memref<40x128xf32, #tpu.memory_space<vmem>>, vector<16xf32>,
        %parallel_loop3A_118 = arith.index_cast %parallel_loop3A_61 : i32 to index
        %parallel_loop3A_119 = arith.constant 48 : index
        %parallel_loop3A_120 = tpu.vector_load %arg11[%parallel_loop3A_118, %parallel_loop3A_119] {strides = array<i32>} : memref<40x256xf32, #tpu.memory_space<vmem>>, vector<16xf32>,
        %parallel_loop3A_121 = arith.addf %parallel_loop3A_120, %parallel_loop3A_114 : vector<16xf32>
        %parallel_loop3A_122 = arith.mulf %parallel_loop3A_117, %parallel_loop3A_121 : vector<16xf32>
        %parallel_loop3A_123 = arith.addf %parallel_loop3A_107, %parallel_loop3A_122 : vector<16xf32>
        %parallel_loop3A_124 = arith.index_cast %parallel_loop3A_61 : i32 to index
        %parallel_loop3A_125 = arith.constant 176 : index
        %parallel_loop3A_126 = tpu.vector_load %arg11[%parallel_loop3A_124, %parallel_loop3A_125] {strides = array<i32>} : memref<40x256xf32, #tpu.memory_space<vmem>>, vector<16xf32>,
        %parallel_loop3A_127 = arith.addf %parallel_loop3A_126, %parallel_loop3A_114 : vector<16xf32>
        %parallel_loop3A_128 = arith.index_cast %parallel_loop3A_61 : i32 to index
        %parallel_loop3A_129 = arith.constant 64 : index
        %parallel_loop3A_130 = tpu.vector_load %arg13[%parallel_loop3A_128, %parallel_loop3A_129] {strides = array<i32>} : memref<40x128xf32, #tpu.memory_space<vmem>>, vector<16xf32>,
        %parallel_loop3A_131 = arith.index_cast %parallel_loop3A_61 : i32 to index
        %parallel_loop3A_132 = arith.constant 64 : index
        %parallel_loop3A_133 = tpu.vector_load %arg12[%parallel_loop3A_131, %parallel_loop3A_132] {strides = array<i32>} : memref<40x128xf32, #tpu.memory_space<vmem>>, vector<16xf32>,
        %parallel_loop3A_134 = arith.index_cast %parallel_loop3A_61 : i32 to index
        %parallel_loop3A_135 = arith.constant 64 : index
        %parallel_loop3A_136 = tpu.vector_load %arg11[%parallel_loop3A_134, %parallel_loop3A_135] {strides = array<i32>} : memref<40x256xf32, #tpu.memory_space<vmem>>, vector<16xf32>,
        %parallel_loop3A_137 = arith.addf %parallel_loop3A_136, %parallel_loop3A_130 : vector<16xf32>
        %parallel_loop3A_138 = arith.mulf %parallel_loop3A_133, %parallel_loop3A_137 : vector<16xf32>
        %parallel_loop3A_139 = arith.addf %parallel_loop3A_123, %parallel_loop3A_138 : vector<16xf32>
        %parallel_loop3A_140 = arith.index_cast %parallel_loop3A_61 : i32 to index
        %parallel_loop3A_141 = arith.constant 192 : index
        %parallel_loop3A_142 = tpu.vector_load %arg11[%parallel_loop3A_140, %parallel_loop3A_141] {strides = array<i32>} : memref<40x256xf32, #tpu.memory_space<vmem>>, vector<16xf32>,
        %parallel_loop3A_143 = arith.addf %parallel_loop3A_142, %parallel_loop3A_130 : vector<16xf32>
        %parallel_loop3A_144 = arith.index_cast %parallel_loop3A_61 : i32 to index
        %parallel_loop3A_145 = arith.constant 80 : index
        %parallel_loop3A_146 = tpu.vector_load %arg13[%parallel_loop3A_144, %parallel_loop3A_145] {strides = array<i32>} : memref<40x128xf32, #tpu.memory_space<vmem>>, vector<16xf32>,
        %parallel_loop3A_147 = arith.index_cast %parallel_loop3A_61 : i32 to index
        %parallel_loop3A_148 = arith.constant 80 : index
        %parallel_loop3A_149 = tpu.vector_load %arg12[%parallel_loop3A_147, %parallel_loop3A_148] {strides = array<i32>} : memref<40x128xf32, #tpu.memory_space<vmem>>, vector<16xf32>,
        %parallel_loop3A_150 = arith.index_cast %parallel_loop3A_61 : i32 to index
        %parallel_loop3A_151 = arith.constant 80 : index
        %parallel_loop3A_152 = tpu.vector_load %arg11[%parallel_loop3A_150, %parallel_loop3A_151] {strides = array<i32>} : memref<40x256xf32, #tpu.memory_space<vmem>>, vector<16xf32>,
        %parallel_loop3A_153 = arith.addf %parallel_loop3A_152, %parallel_loop3A_146 : vector<16xf32>
        %parallel_loop3A_154 = arith.mulf %parallel_loop3A_149, %parallel_loop3A_153 : vector<16xf32>
        %parallel_loop3A_155 = arith.addf %parallel_loop3A_139, %parallel_loop3A_154 : vector<16xf32>
        %parallel_loop3A_156 = arith.index_cast %parallel_loop3A_61 : i32 to index
        %parallel_loop3A_157 = arith.constant 208 : index
        %parallel_loop3A_158 = tpu.vector_load %arg11[%parallel_loop3A_156, %parallel_loop3A_157] {strides = array<i32>} : memref<40x256xf32, #tpu.memory_space<vmem>>, vector<16xf32>,
        %parallel_loop3A_159 = arith.addf %parallel_loop3A_158, %parallel_loop3A_146 : vector<16xf32>
        %parallel_loop3A_160 = arith.index_cast %parallel_loop3A_61 : i32 to index
        %parallel_loop3A_161 = arith.constant 96 : index
        %parallel_loop3A_162 = tpu.vector_load %arg13[%parallel_loop3A_160, %parallel_loop3A_161] {strides = array<i32>} : memref<40x128xf32, #tpu.memory_space<vmem>>, vector<16xf32>,
        %parallel_loop3A_163 = arith.index_cast %parallel_loop3A_61 : i32 to index
        %parallel_loop3A_164 = arith.constant 96 : index
        %parallel_loop3A_165 = tpu.vector_load %arg12[%parallel_loop3A_163, %parallel_loop3A_164] {strides = array<i32>} : memref<40x128xf32, #tpu.memory_space<vmem>>, vector<16xf32>,
        %parallel_loop3A_166 = arith.index_cast %parallel_loop3A_61 : i32 to index
        %parallel_loop3A_167 = arith.constant 96 : index
        %parallel_loop3A_168 = tpu.vector_load %arg11[%parallel_loop3A_166, %parallel_loop3A_167] {strides = array<i32>} : memref<40x256xf32, #tpu.memory_space<vmem>>, vector<16xf32>,
        %parallel_loop3A_169 = arith.addf %parallel_loop3A_168, %parallel_loop3A_162 : vector<16xf32>
        %parallel_loop3A_170 = arith.mulf %parallel_loop3A_165, %parallel_loop3A_169 : vector<16xf32>
        %parallel_loop3A_171 = arith.addf %parallel_loop3A_155, %parallel_loop3A_170 : vector<16xf32>
        %parallel_loop3A_172 = arith.index_cast %parallel_loop3A_61 : i32 to index
        %parallel_loop3A_173 = arith.constant 224 : index
        %parallel_loop3A_174 = tpu.vector_load %arg11[%parallel_loop3A_172, %parallel_loop3A_173] {strides = array<i32>} : memref<40x256xf32, #tpu.memory_space<vmem>>, vector<16xf32>,
        %parallel_loop3A_175 = arith.addf %parallel_loop3A_174, %parallel_loop3A_162 : vector<16xf32>
        %parallel_loop3A_176 = arith.index_cast %parallel_loop3A_61 : i32 to index
        %parallel_loop3A_177 = arith.constant 112 : index
        %parallel_loop3A_178 = tpu.vector_load %arg13[%parallel_loop3A_176, %parallel_loop3A_177] {strides = array<i32>} : memref<40x128xf32, #tpu.memory_space<vmem>>, vector<16xf32>,
        %parallel_loop3A_179 = arith.index_cast %parallel_loop3A_61 : i32 to index
        %parallel_loop3A_180 = arith.constant 112 : index
        %parallel_loop3A_181 = tpu.vector_load %arg12[%parallel_loop3A_179, %parallel_loop3A_180] {strides = array<i32>} : memref<40x128xf32, #tpu.memory_space<vmem>>, vector<16xf32>,
        %parallel_loop3A_182 = arith.index_cast %parallel_loop3A_61 : i32 to index
        %parallel_loop3A_183 = arith.constant 112 : index
        %parallel_loop3A_184 = tpu.vector_load %arg11[%parallel_loop3A_182, %parallel_loop3A_183] {strides = array<i32>} : memref<40x256xf32, #tpu.memory_space<vmem>>, vector<16xf32>,
        %parallel_loop3A_185 = arith.addf %parallel_loop3A_184, %parallel_loop3A_178 : vector<16xf32>
        %parallel_loop3A_186 = arith.mulf %parallel_loop3A_181, %parallel_loop3A_185 : vector<16xf32>
        %parallel_loop3A_187 = arith.addf %parallel_loop3A_171, %parallel_loop3A_186 : vector<16xf32>
        %parallel_loop3A_188 = arith.index_cast %parallel_loop3A_61 : i32 to index
        %parallel_loop3A_189 = arith.constant 240 : index
        %parallel_loop3A_190 = tpu.vector_load %arg11[%parallel_loop3A_188, %parallel_loop3A_189] {strides = array<i32>} : memref<40x256xf32, #tpu.memory_space<vmem>>, vector<16xf32>,
        %parallel_loop3A_191 = arith.addf %parallel_loop3A_190, %parallel_loop3A_178 : vector<16xf32>
        %parallel_loop3A_192 = arith.constant true
        %parallel_loop3A_193 = vector.broadcast %parallel_loop3A_192 : i1 to vector<16xi1>
        %parallel_loop3A_194 = tpu.scan <sum>, %parallel_loop3A_187 masked %parallel_loop3A_193 : vector<16xf32>, vector<16xi1> -> vector<16xf32>
        %parallel_loop3A_195 = vector.extract %parallel_loop3A_194[15] : f32 from vector<16xf32>
        %parallel_loop3A_196 = arith.constant 0.0883883461 : f32
        %parallel_loop3A_197 = arith.mulf %parallel_loop3A_195, %parallel_loop3A_196 : f32
        %parallel_loop3A_198 = vector.broadcast %parallel_loop3A_197 : f32 to vector<16xf32>
        %parallel_loop3A_199 = math.exp %parallel_loop3A_198 : vector<16xf32>
        %parallel_loop3A_200 = arith.mulf %parallel_loop3A_199, %parallel_loop3A_79 : vector<16xf32>
        %parallel_loop3A_201 = arith.index_cast %parallel_loop3A_61 : i32 to index
        %parallel_loop3A_202 = arith.constant 0 : index
        %parallel_loop3A_203 = tpu.vector_load %arg14[%parallel_loop3A_201, %parallel_loop3A_202] {strides = array<i32>} : memref<40x144xf32, #tpu.memory_space<vmem>>, vector<16xf32>,
        tpu.vector_store %arg14[%parallel_loop3A_201, %parallel_loop3A_202], %parallel_loop3A_200 {strides = array<i32>} : memref<40x144xf32, #tpu.memory_space<vmem>>, vector<16xf32>,
        %parallel_loop3A_204 = arith.mulf %parallel_loop3A_199, %parallel_loop3A_95 : vector<16xf32>
        %parallel_loop3A_205 = arith.index_cast %parallel_loop3A_61 : i32 to index
        %parallel_loop3A_206 = arith.constant 16 : index
        %parallel_loop3A_207 = tpu.vector_load %arg14[%parallel_loop3A_205, %parallel_loop3A_206] {strides = array<i32>} : memref<40x144xf32, #tpu.memory_space<vmem>>, vector<16xf32>,
        tpu.vector_store %arg14[%parallel_loop3A_205, %parallel_loop3A_206], %parallel_loop3A_204 {strides = array<i32>} : memref<40x144xf32, #tpu.memory_space<vmem>>, vector<16xf32>,
        %parallel_loop3A_208 = arith.mulf %parallel_loop3A_199, %parallel_loop3A_111 : vector<16xf32>
        %parallel_loop3A_209 = arith.index_cast %parallel_loop3A_61 : i32 to index
        %parallel_loop3A_210 = arith.constant 32 : index
        %parallel_loop3A_211 = tpu.vector_load %arg14[%parallel_loop3A_209, %parallel_loop3A_210] {strides = array<i32>} : memref<40x144xf32, #tpu.memory_space<vmem>>, vector<16xf32>,
        tpu.vector_store %arg14[%parallel_loop3A_209, %parallel_loop3A_210], %parallel_loop3A_208 {strides = array<i32>} : memref<40x144xf32, #tpu.memory_space<vmem>>, vector<16xf32>,
        %parallel_loop3A_212 = arith.mulf %parallel_loop3A_199, %parallel_loop3A_127 : vector<16xf32>
        %parallel_loop3A_213 = arith.index_cast %parallel_loop3A_61 : i32 to index
        %parallel_loop3A_214 = arith.constant 48 : index
        %parallel_loop3A_215 = tpu.vector_load %arg14[%parallel_loop3A_213, %parallel_loop3A_214] {strides = array<i32>} : memref<40x144xf32, #tpu.memory_space<vmem>>, vector<16xf32>,
        tpu.vector_store %arg14[%parallel_loop3A_213, %parallel_loop3A_214], %parallel_loop3A_212 {strides = array<i32>} : memref<40x144xf32, #tpu.memory_space<vmem>>, vector<16xf32>,
        %parallel_loop3A_216 = arith.mulf %parallel_loop3A_199, %parallel_loop3A_143 : vector<16xf32>
        %parallel_loop3A_217 = arith.index_cast %parallel_loop3A_61 : i32 to index
        %parallel_loop3A_218 = arith.constant 64 : index
        %parallel_loop3A_219 = tpu.vector_load %arg14[%parallel_loop3A_217, %parallel_loop3A_218] {strides = array<i32>} : memref<40x144xf32, #tpu.memory_space<vmem>>, vector<16xf32>,
        tpu.vector_store %arg14[%parallel_loop3A_217, %parallel_loop3A_218], %parallel_loop3A_216 {strides = array<i32>} : memref<40x144xf32, #tpu.memory_space<vmem>>, vector<16xf32>,
        %parallel_loop3A_220 = arith.mulf %parallel_loop3A_199, %parallel_loop3A_159 : vector<16xf32>
        %parallel_loop3A_221 = arith.index_cast %parallel_loop3A_61 : i32 to index
        %parallel_loop3A_222 = arith.constant 80 : index
        %parallel_loop3A_223 = tpu.vector_load %arg14[%parallel_loop3A_221, %parallel_loop3A_222] {strides = array<i32>} : memref<40x144xf32, #tpu.memory_space<vmem>>, vector<16xf32>,
        tpu.vector_store %arg14[%parallel_loop3A_221, %parallel_loop3A_222], %parallel_loop3A_220 {strides = array<i32>} : memref<40x144xf32, #tpu.memory_space<vmem>>, vector<16xf32>,
        %parallel_loop3A_224 = arith.mulf %parallel_loop3A_199, %parallel_loop3A_175 : vector<16xf32>
        %parallel_loop3A_225 = arith.index_cast %parallel_loop3A_61 : i32 to index
        %parallel_loop3A_226 = arith.constant 96 : index
        %parallel_loop3A_227 = tpu.vector_load %arg14[%parallel_loop3A_225, %parallel_loop3A_226] {strides = array<i32>} : memref<40x144xf32, #tpu.memory_space<vmem>>, vector<16xf32>,
        tpu.vector_store %arg14[%parallel_loop3A_225, %parallel_loop3A_226], %parallel_loop3A_224 {strides = array<i32>} : memref<40x144xf32, #tpu.memory_space<vmem>>, vector<16xf32>,
        %parallel_loop3A_228 = arith.mulf %parallel_loop3A_199, %parallel_loop3A_191 : vector<16xf32>
        %parallel_loop3A_229 = arith.index_cast %parallel_loop3A_61 : i32 to index
        %parallel_loop3A_230 = arith.constant 112 : index
        %parallel_loop3A_231 = tpu.vector_load %arg14[%parallel_loop3A_229, %parallel_loop3A_230] {strides = array<i32>} : memref<40x144xf32, #tpu.memory_space<vmem>>, vector<16xf32>,
        tpu.vector_store %arg14[%parallel_loop3A_229, %parallel_loop3A_230], %parallel_loop3A_228 {strides = array<i32>} : memref<40x144xf32, #tpu.memory_space<vmem>>, vector<16xf32>,
        %parallel_loop3A_232 = tpu.iota {dimensions = array<i32: 0>} : vector<16xi32>
        %parallel_loop3A_233 = arith.constant 0 : i32
        %parallel_loop3A_234 = vector.broadcast %parallel_loop3A_233 : i32 to vector<16xi32>
        %parallel_loop3A_235 = arith.cmpi eq, %parallel_loop3A_232, %parallel_loop3A_234 : vector<16xi32>
        %parallel_loop3A_236 = arith.constant 0.000000e+00 : f32
        %parallel_loop3A_237 = vector.broadcast %parallel_loop3A_236 : f32 to vector<16xf32>
        %parallel_loop3A_238 = arith.select %parallel_loop3A_235, %parallel_loop3A_199, %parallel_loop3A_237 : vector<16xi1>, vector<16xf32>
        %parallel_loop3A_239 = arith.index_cast %parallel_loop3A_61 : i32 to index
        %parallel_loop3A_240 = arith.constant 128 : index
        %parallel_loop3A_241 = tpu.vector_load %arg14[%parallel_loop3A_239, %parallel_loop3A_240] {strides = array<i32>} : memref<40x144xf32, #tpu.memory_space<vmem>>, vector<16xf32>,
        tpu.vector_store %arg14[%parallel_loop3A_239, %parallel_loop3A_240], %parallel_loop3A_238 {strides = array<i32>} : memref<40x144xf32, #tpu.memory_space<vmem>>, vector<16xf32>,
      } {sc.loop_unroll_factor = 1 : i64, sc.parallel_access}
      "tpu.region"() ({
        %run_scoped3A = tpu.sem_alloc : memref<!tpu.dma_semaphore, #tpu.memory_space<semaphore_mem>>
        %dma_start3A_61 = arith.constant 0 : i32
        %dma_start3A_62 = tpu.memref_slice %arg10[%scan3A_25, %dma_start3A_61] : memref<125x40xi32, #tpu.memory_space<vmem>> -> memref<1x40xi32, #tpu.memory_space<vmem>>
        %dma_start3A_63 = tpu.memref_squeeze %dma_start3A_62 : memref<1x40xi32, #tpu.memory_space<vmem>> -> memref<40xi32, #tpu.memory_space<vmem>>
        %dma_start3A_64 = arith.constant 0 : i32
        %dma_start3A_65 = arith.constant 0 : i32
        %dma_start3A_66 = tpu.memref_slice %arg8[%dma_start3A_64, %dma_start3A_65] : memref<10240x144xf32, #tpu.memory_space<vmem_shared>> -> memref<10240x144xf32, #tpu.memory_space<vmem_shared>>
        tpu.enqueue_indirect_dma source(%arg14 : memref<40x144xf32, #tpu.memory_space<vmem>>) target(%dma_start3A_66 : memref<10240x144xf32, #tpu.memory_space<vmem_shared>>) offsets(%dma_start3A_63 : memref<40xi32, #tpu.memory_space<vmem>>) semaphore(%run_scoped3A : memref<!tpu.dma_semaphore, #tpu.memory_space<semaphore_mem>>) {add = true}
        %dma_wait3A_67 = arith.constant 0 : i32
        %dma_wait3A_68 = tpu.memref_slice %arg10[%scan3A_25, %dma_wait3A_67] : memref<125x40xi32, #tpu.memory_space<vmem>> -> memref<1x40xi32, #tpu.memory_space<vmem>>
        %dma_wait3A_69 = tpu.memref_squeeze %dma_wait3A_68 : memref<1x40xi32, #tpu.memory_space<vmem>> -> memref<40xi32, #tpu.memory_space<vmem>>
        %dma_wait3A_70 = arith.constant 0 : i32
        %dma_wait3A_71 = arith.constant 0 : i32
        %dma_wait3A_72 = tpu.memref_slice %arg8[%dma_wait3A_70, %dma_wait3A_71] : memref<10240x144xf32, #tpu.memory_space<vmem_shared>> -> memref<10240x144xf32, #tpu.memory_space<vmem_shared>>
        tpu.wait_indirect_dma semaphore(%run_scoped3A : memref<!tpu.dma_semaphore, #tpu.memory_space<semaphore_mem>>) src(%arg14 : memref<40x144xf32, #tpu.memory_space<vmem>>) dst(%dma_wait3A_72 : memref<10240x144xf32, #tpu.memory_space<vmem_shared>>)
        tpu.yield
      }) : () -> ()
    }
    %scan3A_19 = arith.constant 125 : i32
    %barrier3A_20 = arith.constant 0 : index
    tpu.barrier barrier_id(%barrier3A_20)
    %mul3A_21 = arith.constant 640 : i32
    %mul3A_22 = arith.muli %arg1, %mul3A_21 : i32
    %mul3A_23 = arith.constant 640 : i32
    %mul3A_24 = arith.muli %arg1, %mul3A_23 : i32
    "tpu.region"() ({
      %run_scoped3A = tpu.sem_alloc : memref<!tpu.dma_semaphore, #tpu.memory_space<semaphore_mem>>
      %dma_start3A = arith.constant 0 : i32
      %dma_start3A_25 = tpu.memref_slice %arg7[%arg0, %mul3A_24, %dma_start3A] : memref<2x10240x144xf32, #tpu.memory_space<hbm>> -> memref<1x640x144xf32, #tpu.memory_space<hbm>>
      %dma_start3A_26 = tpu.memref_squeeze %dma_start3A_25 : memref<1x640x144xf32, #tpu.memory_space<hbm>> -> memref<640x144xf32, #tpu.memory_space<hbm>>
      %dma_start3A_27 = arith.constant 0 : i32
      %dma_start3A_28 = tpu.memref_slice %arg8[%mul3A_22, %dma_start3A_27] : memref<10240x144xf32, #tpu.memory_space<vmem_shared>> -> memref<640x144xf32, #tpu.memory_space<vmem_shared>>
      tpu.enqueue_dma source(%dma_start3A_28 : memref<640x144xf32, #tpu.memory_space<vmem_shared>>) target(%dma_start3A_26 : memref<640x144xf32, #tpu.memory_space<hbm>>) target_semaphore(%run_scoped3A : memref<!tpu.dma_semaphore, #tpu.memory_space<semaphore_mem>>)
      %dma_wait3A = arith.constant 0 : i32
      %dma_wait3A_29 = tpu.memref_slice %arg7[%arg0, %mul3A_24, %dma_wait3A] : memref<2x10240x144xf32, #tpu.memory_space<hbm>> -> memref<1x640x144xf32, #tpu.memory_space<hbm>>
      %dma_wait3A_30 = tpu.memref_squeeze %dma_wait3A_29 : memref<1x640x144xf32, #tpu.memory_space<hbm>> -> memref<640x144xf32, #tpu.memory_space<hbm>>
      %dma_wait3A_31 = arith.constant 0 : i32
      %dma_wait3A_32 = tpu.memref_slice %arg8[%mul3A_22, %dma_wait3A_31] : memref<10240x144xf32, #tpu.memory_space<vmem_shared>> -> memref<640x144xf32, #tpu.memory_space<vmem_shared>>
      tpu.wait_dma2 semaphore(%run_scoped3A : memref<!tpu.dma_semaphore, #tpu.memory_space<semaphore_mem>>) src(%dma_wait3A_32 : memref<640x144xf32, #tpu.memory_space<vmem_shared>>) dst(%dma_wait3A_30 : memref<640x144xf32, #tpu.memory_space<hbm>>)
      tpu.yield
    }) : () -> ()
    return
  }
}

module attributes {stable_mosaic.version = 14 : i64} {
  func.func @_node0_kernel(%arg0: i32, %arg1: memref<2000x92xf32, #tpu.memory_space<vmem>>, %arg2: memref<92x128xf32, #tpu.memory_space<vmem>>, %arg3: memref<1x128xf32, #tpu.memory_space<vmem>>, %arg4: memref<128x384xf32, #tpu.memory_space<vmem>>, %arg5: memref<2000x128xf32, #tpu.memory_space<vmem>>, %arg6: memref<2000x384xf32, #tpu.memory_space<vmem>>) attributes {dimension_semantics = [#tpu.dimension_semantics<arbitrary>], iteration_bounds = array<i64: 5>, scalar_prefetch = 0 : i64, scratch_operands = 0 : i64, tpu.core_type = #tpu.core_type<tc>, window_params = [{transform_indices = @transform_0, window_bounds = array<i64: 2000, 92>}, {pipeline_mode = #tpu.pipeline_mode<synchronous>, transform_indices = @transform_1, window_bounds = array<i64: 92, 128>}, {pipeline_mode = #tpu.pipeline_mode<synchronous>, transform_indices = @transform_2, window_bounds = array<i64: 1, 128>}, {pipeline_mode = #tpu.pipeline_mode<synchronous>, transform_indices = @transform_3, window_bounds = array<i64: 128, 384>}, {transform_indices = @transform_4, window_bounds = array<i64: 2000, 128>}, {transform_indices = @transform_5, window_bounds = array<i64: 2000, 384>}]} {
    %get3A = arith.constant 0 : index
    %get3A_0 = arith.constant 0 : index
    %get3A_1 = vector.load %arg1[%get3A, %get3A_0] : memref<2000x92xf32, #tpu.memory_space<vmem>>, vector<2000x92xf32>
    %get3A_2 = arith.constant 0 : index
    %get3A_3 = arith.constant 0 : index
    %get3A_4 = vector.load %arg2[%get3A_2, %get3A_3] : memref<92x128xf32, #tpu.memory_space<vmem>>, vector<92x128xf32>
    %dot_general3A = arith.constant dense<0.000000e+00> : vector<2000x128xf32>
    %dot_general3A_5 = tpu.matmul %get3A_1, %get3A_4, %dot_general3A {dimension_numbers = #tpu.dot_dimension_numbers<[1], [0], [0], [1], [0, 0, 1, 1], [], []>, transpose_lhs_hint = false} : vector<2000x92xf32>, vector<92x128xf32>, vector<2000x128xf32> -> vector<2000x128xf32>
    %get3A_6 = arith.constant 0 : index
    %get3A_7 = arith.constant 0 : index
    %get3A_8 = vector.load %arg3[%get3A_6, %get3A_7] : memref<1x128xf32, #tpu.memory_space<vmem>>, vector<1x128xf32>
    %add3A = vector.broadcast %get3A_8 : vector<1x128xf32> to vector<2000x128xf32>
    %add3A_9 = arith.addf %dot_general3A_5, %add3A : vector<2000x128xf32>
    %swap3A = arith.constant 0 : index
    %swap3A_10 = arith.constant 0 : index
    %swap3A_11 = vector.load %arg5[%swap3A, %swap3A_10] : memref<2000x128xf32, #tpu.memory_space<vmem>>, vector<2000x128xf32>
    tpu.vector_store %arg5[%swap3A, %swap3A_10], %add3A_9 {strides = array<i32>} : memref<2000x128xf32, #tpu.memory_space<vmem>>, vector<2000x128xf32>,
    %get3A_12 = arith.constant 0 : index
    %get3A_13 = arith.constant 0 : index
    %get3A_14 = vector.load %arg4[%get3A_12, %get3A_13] : memref<128x384xf32, #tpu.memory_space<vmem>>, vector<128x384xf32>
    %dot_general3A_15 = arith.constant dense<0.000000e+00> : vector<2000x384xf32>
    %dot_general3A_16 = tpu.matmul %add3A_9, %get3A_14, %dot_general3A_15 {dimension_numbers = #tpu.dot_dimension_numbers<[1], [0], [0], [1], [0, 0, 1, 1], [], []>, transpose_lhs_hint = false} : vector<2000x128xf32>, vector<128x384xf32>, vector<2000x384xf32> -> vector<2000x384xf32>
    %swap3A_17 = arith.constant 0 : index
    %swap3A_18 = arith.constant 0 : index
    %swap3A_19 = vector.load %arg6[%swap3A_17, %swap3A_18] : memref<2000x384xf32, #tpu.memory_space<vmem>>, vector<2000x384xf32>
    tpu.vector_store %arg6[%swap3A_17, %swap3A_18], %dot_general3A_16 {strides = array<i32>} : memref<2000x384xf32, #tpu.memory_space<vmem>>, vector<2000x384xf32>,
    return
  }
  func.func @transform_0(%arg0: i32) -> (i32, i32) {
    %c0_i32 = arith.constant 0 : i32
    %c0_i32_0 = arith.constant 0 : i32
    return %arg0, %c0_i32 : i32, i32
  }
  func.func @transform_1(%arg0: i32) -> (i32, i32) {
    %c0_i32 = arith.constant 0 : i32
    %c0_i32_0 = arith.constant 0 : i32
    %c0_i32_1 = arith.constant 0 : i32
    return %c0_i32, %c0_i32_0 : i32, i32
  }
  func.func @transform_2(%arg0: i32) -> (i32, i32) {
    %c0_i32 = arith.constant 0 : i32
    %c0_i32_0 = arith.constant 0 : i32
    %c0_i32_1 = arith.constant 0 : i32
    return %c0_i32, %c0_i32_0 : i32, i32
  }
  func.func @transform_3(%arg0: i32) -> (i32, i32) {
    %c0_i32 = arith.constant 0 : i32
    %c0_i32_0 = arith.constant 0 : i32
    %c0_i32_1 = arith.constant 0 : i32
    return %c0_i32, %c0_i32_0 : i32, i32
  }
  func.func @transform_4(%arg0: i32) -> (i32, i32) {
    %c0_i32 = arith.constant 0 : i32
    %c0_i32_0 = arith.constant 0 : i32
    return %arg0, %c0_i32 : i32, i32
  }
  func.func @transform_5(%arg0: i32) -> (i32, i32) {
    %c0_i32 = arith.constant 0 : i32
    %c0_i32_0 = arith.constant 0 : i32
    return %arg0, %c0_i32 : i32, i32
  }
}

module attributes {stable_mosaic.version = 14 : i64} {
  func.func @_edge_kernel(%arg0: i32, %arg1: memref<2000x3xf32, #tpu.memory_space<vmem>>, %arg2: memref<2000x3xf32, #tpu.memory_space<vmem>>, %arg3: memref<2000x3xf32, #tpu.memory_space<vmem>>, %arg4: memref<256x256xf32, #tpu.memory_space<vmem>>, %arg5: memref<1x256xf32, #tpu.memory_space<vmem>>, %arg6: memref<2x128x384xf32, #tpu.memory_space<vmem>>, %arg7: memref<2x256x256xf32, #tpu.memory_space<vmem>>, %arg8: memref<2x128x128xf32, #tpu.memory_space<vmem>>, %arg9: memref<2000x128xf32, #tpu.memory_space<vmem>>, %arg10: memref<2000x128xf32, #tpu.memory_space<vmem>>) attributes {dimension_semantics = [#tpu.dimension_semantics<arbitrary>], iteration_bounds = array<i64: 80>, scalar_prefetch = 0 : i64, scratch_operands = 0 : i64, tpu.core_type = #tpu.core_type<tc>, window_params = [{transform_indices = @transform_0, window_bounds = array<i64: 2000, 3>}, {transform_indices = @transform_1, window_bounds = array<i64: 2000, 3>}, {transform_indices = @transform_2, window_bounds = array<i64: 2000, 3>}, {pipeline_mode = #tpu.pipeline_mode<synchronous>, transform_indices = @transform_3, window_bounds = array<i64: 256, 256>}, {pipeline_mode = #tpu.pipeline_mode<synchronous>, transform_indices = @transform_4, window_bounds = array<i64: 1, 256>}, {pipeline_mode = #tpu.pipeline_mode<synchronous>, transform_indices = @transform_5, window_bounds = array<i64: 2, 128, 384>}, {pipeline_mode = #tpu.pipeline_mode<synchronous>, transform_indices = @transform_6, window_bounds = array<i64: 2, 256, 256>}, {pipeline_mode = #tpu.pipeline_mode<synchronous>, transform_indices = @transform_7, window_bounds = array<i64: 2, 128, 128>}, {transform_indices = @transform_8, window_bounds = array<i64: 2000, 128>}, {transform_indices = @transform_9, window_bounds = array<i64: 2000, 128>}]} {
    %get3A = arith.constant 0 : index
    %get3A_0 = arith.constant 0 : index
    %get3A_1 = vector.load %arg1[%get3A, %get3A_0] : memref<2000x3xf32, #tpu.memory_space<vmem>>, vector<2000x3xf32>
    %mul3A = arith.mulf %get3A_1, %get3A_1 : vector<2000x3xf32>
    %reduce_sum3A = arith.constant dense<0.000000e+00> : vector<2000xf32>
    %reduce_sum3A_2 = vector.multi_reduction <add>, %mul3A, %reduce_sum3A [1] : vector<2000x3xf32> to vector<2000xf32>
    %broadcast_in_dim3A = vector.shape_cast %reduce_sum3A_2 : vector<2000xf32> to vector<2000x1xf32>
    %sqrt3A = math.sqrt %broadcast_in_dim3A : vector<2000x1xf32>
    %div3A = arith.constant -7.500000e-01 : f32
    %div3A_3 = vector.broadcast %div3A : f32 to vector<2000x1xf32>
    %div3A_4 = arith.divf %div3A_3, %sqrt3A : vector<2000x1xf32>
    %iota3A = tpu.iota {dimensions = array<i32: 1>} : vector<1x128xi32>
    %convert_element_type3A = arith.sitofp %iota3A : vector<1x128xi32> to vector<1x128xf32>
    %mul3A_5 = arith.constant 0.0629921257 : f32
    %mul3A_6 = vector.broadcast %mul3A_5 : f32 to vector<1x128xf32>
    %mul3A_7 = arith.mulf %mul3A_6, %convert_element_type3A : vector<1x128xf32>
    %add3A = arith.constant -4.000000e+00 : f32
    %add3A_8 = vector.broadcast %add3A : f32 to vector<1x128xf32>
    %add3A_9 = arith.addf %add3A_8, %mul3A_7 : vector<1x128xf32>
    %sub3A = vector.broadcast %div3A_4 : vector<2000x1xf32> to vector<2000x128xf32>
    %sub3A_10 = vector.broadcast %add3A_9 : vector<1x128xf32> to vector<2000x128xf32>
    %sub3A_11 = arith.subf %sub3A, %sub3A_10 : vector<2000x128xf32>
    %mul3A_12 = arith.constant -252.015625 : f32
    %mul3A_13 = vector.broadcast %mul3A_12 : f32 to vector<2000x128xf32>
    %mul3A_14 = arith.mulf %mul3A_13, %sub3A_11 : vector<2000x128xf32>
    %mul3A_15 = arith.mulf %mul3A_14, %sub3A_11 : vector<2000x128xf32>
    %exp3A = math.exp %mul3A_15 : vector<2000x128xf32>
    %get3A_16 = arith.constant 0 : index
    %get3A_17 = arith.constant 0 : index
    %get3A_18 = vector.load %arg4[%get3A_16, %get3A_17] : memref<256x256xf32, #tpu.memory_space<vmem>>, vector<128x128xf32>
    %dot_general3A = arith.constant dense<0.000000e+00> : vector<2000x128xf32>
    %dot_general3A_19 = tpu.matmul %exp3A, %get3A_18, %dot_general3A {dimension_numbers = #tpu.dot_dimension_numbers<[1], [0], [0], [1], [0, 0, 1, 1], [], []>, transpose_lhs_hint = false} : vector<2000x128xf32>, vector<128x128xf32>, vector<2000x128xf32> -> vector<2000x128xf32>
    %get3A_20 = arith.constant 0 : index
    %get3A_21 = arith.constant 0 : index
    %get3A_22 = vector.load %arg5[%get3A_20, %get3A_21] : memref<1x256xf32, #tpu.memory_space<vmem>>, vector<1x128xf32>
    %add3A_23 = vector.broadcast %get3A_22 : vector<1x128xf32> to vector<2000x128xf32>
    %add3A_24 = arith.addf %dot_general3A_19, %add3A_23 : vector<2000x128xf32>
    %exp3A_25 = math.exp %add3A_24 : vector<2000x128xf32>
    %log1p3A = math.log1p %exp3A_25 : vector<2000x128xf32>
    %get3A_26 = arith.constant 0 : index
    %get3A_27 = arith.constant 0 : index
    %get3A_28 = vector.load %arg2[%get3A_26, %get3A_27] : memref<2000x3xf32, #tpu.memory_space<vmem>>, vector<2000x1xf32>
    %iota3A_29 = tpu.iota {dimensions = array<i32: 1>} : vector<1x128xi32>
    %convert_element_type3A_30 = arith.sitofp %iota3A_29 : vector<1x128xi32> to vector<1x128xf32>
    %mul3A_31 = arith.constant 0.0629921257 : f32
    %mul3A_32 = vector.broadcast %mul3A_31 : f32 to vector<1x128xf32>
    %mul3A_33 = arith.mulf %mul3A_32, %convert_element_type3A_30 : vector<1x128xf32>
    %add3A_34 = arith.constant -4.000000e+00 : f32
    %add3A_35 = vector.broadcast %add3A_34 : f32 to vector<1x128xf32>
    %add3A_36 = arith.addf %add3A_35, %mul3A_33 : vector<1x128xf32>
    %sub3A_37 = vector.broadcast %get3A_28 : vector<2000x1xf32> to vector<2000x128xf32>
    %sub3A_38 = vector.broadcast %add3A_36 : vector<1x128xf32> to vector<2000x128xf32>
    %sub3A_39 = arith.subf %sub3A_37, %sub3A_38 : vector<2000x128xf32>
    %mul3A_40 = arith.constant -252.015625 : f32
    %mul3A_41 = vector.broadcast %mul3A_40 : f32 to vector<2000x128xf32>
    %mul3A_42 = arith.mulf %mul3A_41, %sub3A_39 : vector<2000x128xf32>
    %mul3A_43 = arith.mulf %mul3A_42, %sub3A_39 : vector<2000x128xf32>
    %exp3A_44 = math.exp %mul3A_43 : vector<2000x128xf32>
    %get3A_45 = arith.constant 0 : index
    %get3A_46 = arith.constant 0 : index
    %get3A_47 = vector.load %arg3[%get3A_45, %get3A_46] : memref<2000x3xf32, #tpu.memory_space<vmem>>, vector<2000x1xf32>
    %iota3A_48 = tpu.iota {dimensions = array<i32: 1>} : vector<1x128xi32>
    %convert_element_type3A_49 = arith.sitofp %iota3A_48 : vector<1x128xi32> to vector<1x128xf32>
    %mul3A_50 = arith.constant 0.0157480314 : f32
    %mul3A_51 = vector.broadcast %mul3A_50 : f32 to vector<1x128xf32>
    %mul3A_52 = arith.mulf %mul3A_51, %convert_element_type3A_49 : vector<1x128xf32>
    %add3A_53 = arith.constant -1.000000e+00 : f32
    %add3A_54 = vector.broadcast %add3A_53 : f32 to vector<1x128xf32>
    %add3A_55 = arith.addf %add3A_54, %mul3A_52 : vector<1x128xf32>
    %sub3A_56 = vector.broadcast %get3A_47 : vector<2000x1xf32> to vector<2000x128xf32>
    %sub3A_57 = vector.broadcast %add3A_55 : vector<1x128xf32> to vector<2000x128xf32>
    %sub3A_58 = arith.subf %sub3A_56, %sub3A_57 : vector<2000x128xf32>
    %mul3A_59 = arith.constant -4.032250e+03 : f32
    %mul3A_60 = vector.broadcast %mul3A_59 : f32 to vector<2000x128xf32>
    %mul3A_61 = arith.mulf %mul3A_60, %sub3A_58 : vector<2000x128xf32>
    %mul3A_62 = arith.mulf %mul3A_61, %sub3A_58 : vector<2000x128xf32>
    %exp3A_63 = math.exp %mul3A_62 : vector<2000x128xf32>
    %concatenate3A = tpu.concatenate %exp3A_44, %exp3A_63 in 1 : vector<2000x128xf32>, vector<2000x128xf32> -> vector<2000x256xf32>
    %get3A_64 = arith.constant 0 : index
    %get3A_65 = arith.constant 0 : index
    %get3A_66 = vector.load %arg4[%get3A_64, %get3A_65] : memref<256x256xf32, #tpu.memory_space<vmem>>, vector<256x256xf32>
    %dot_general3A_67 = arith.constant dense<0.000000e+00> : vector<2000x256xf32>
    %dot_general3A_68 = tpu.matmul %concatenate3A, %get3A_66, %dot_general3A_67 {dimension_numbers = #tpu.dot_dimension_numbers<[1], [0], [0], [1], [0, 0, 1, 1], [], []>, transpose_lhs_hint = false} : vector<2000x256xf32>, vector<256x256xf32>, vector<2000x256xf32> -> vector<2000x256xf32>
    %get3A_69 = arith.constant 0 : index
    %get3A_70 = arith.constant 0 : index
    %get3A_71 = vector.load %arg5[%get3A_69, %get3A_70] : memref<1x256xf32, #tpu.memory_space<vmem>>, vector<1x256xf32>
    %add3A_72 = vector.broadcast %get3A_71 : vector<1x256xf32> to vector<2000x256xf32>
    %add3A_73 = arith.addf %dot_general3A_68, %add3A_72 : vector<2000x256xf32>
    %exp3A_74 = math.exp %add3A_73 : vector<2000x256xf32>
    %log1p3A_75 = math.log1p %exp3A_74 : vector<2000x256xf32>
    %get3A_76 = arith.constant 0 : index
    %get3A_77 = arith.constant 1 : index
    %get3A_78 = vector.load %arg2[%get3A_76, %get3A_77] : memref<2000x3xf32, #tpu.memory_space<vmem>>, vector<2000x1xf32>
    %iota3A_79 = tpu.iota {dimensions = array<i32: 1>} : vector<1x128xi32>
    %convert_element_type3A_80 = arith.sitofp %iota3A_79 : vector<1x128xi32> to vector<1x128xf32>
    %mul3A_81 = arith.constant 0.0629921257 : f32
    %mul3A_82 = vector.broadcast %mul3A_81 : f32 to vector<1x128xf32>
    %mul3A_83 = arith.mulf %mul3A_82, %convert_element_type3A_80 : vector<1x128xf32>
    %add3A_84 = arith.constant -4.000000e+00 : f32
    %add3A_85 = vector.broadcast %add3A_84 : f32 to vector<1x128xf32>
    %add3A_86 = arith.addf %add3A_85, %mul3A_83 : vector<1x128xf32>
    %sub3A_87 = vector.broadcast %get3A_78 : vector<2000x1xf32> to vector<2000x128xf32>
    %sub3A_88 = vector.broadcast %add3A_86 : vector<1x128xf32> to vector<2000x128xf32>
    %sub3A_89 = arith.subf %sub3A_87, %sub3A_88 : vector<2000x128xf32>
    %mul3A_90 = arith.constant -252.015625 : f32
    %mul3A_91 = vector.broadcast %mul3A_90 : f32 to vector<2000x128xf32>
    %mul3A_92 = arith.mulf %mul3A_91, %sub3A_89 : vector<2000x128xf32>
    %mul3A_93 = arith.mulf %mul3A_92, %sub3A_89 : vector<2000x128xf32>
    %exp3A_94 = math.exp %mul3A_93 : vector<2000x128xf32>
    %get3A_95 = arith.constant 0 : index
    %get3A_96 = arith.constant 1 : index
    %get3A_97 = vector.load %arg3[%get3A_95, %get3A_96] : memref<2000x3xf32, #tpu.memory_space<vmem>>, vector<2000x1xf32>
    %iota3A_98 = tpu.iota {dimensions = array<i32: 1>} : vector<1x128xi32>
    %convert_element_type3A_99 = arith.sitofp %iota3A_98 : vector<1x128xi32> to vector<1x128xf32>
    %mul3A_100 = arith.constant 0.0157480314 : f32
    %mul3A_101 = vector.broadcast %mul3A_100 : f32 to vector<1x128xf32>
    %mul3A_102 = arith.mulf %mul3A_101, %convert_element_type3A_99 : vector<1x128xf32>
    %add3A_103 = arith.constant -1.000000e+00 : f32
    %add3A_104 = vector.broadcast %add3A_103 : f32 to vector<1x128xf32>
    %add3A_105 = arith.addf %add3A_104, %mul3A_102 : vector<1x128xf32>
    %sub3A_106 = vector.broadcast %get3A_97 : vector<2000x1xf32> to vector<2000x128xf32>
    %sub3A_107 = vector.broadcast %add3A_105 : vector<1x128xf32> to vector<2000x128xf32>
    %sub3A_108 = arith.subf %sub3A_106, %sub3A_107 : vector<2000x128xf32>
    %mul3A_109 = arith.constant -4.032250e+03 : f32
    %mul3A_110 = vector.broadcast %mul3A_109 : f32 to vector<2000x128xf32>
    %mul3A_111 = arith.mulf %mul3A_110, %sub3A_108 : vector<2000x128xf32>
    %mul3A_112 = arith.mulf %mul3A_111, %sub3A_108 : vector<2000x128xf32>
    %exp3A_113 = math.exp %mul3A_112 : vector<2000x128xf32>
    %concatenate3A_114 = tpu.concatenate %exp3A_94, %exp3A_113 in 1 : vector<2000x128xf32>, vector<2000x128xf32> -> vector<2000x256xf32>
    %get3A_115 = arith.constant 0 : index
    %get3A_116 = arith.constant 0 : index
    %get3A_117 = vector.load %arg4[%get3A_115, %get3A_116] : memref<256x256xf32, #tpu.memory_space<vmem>>, vector<256x256xf32>
    %dot_general3A_118 = arith.constant dense<0.000000e+00> : vector<2000x256xf32>
    %dot_general3A_119 = tpu.matmul %concatenate3A_114, %get3A_117, %dot_general3A_118 {dimension_numbers = #tpu.dot_dimension_numbers<[1], [0], [0], [1], [0, 0, 1, 1], [], []>, transpose_lhs_hint = false} : vector<2000x256xf32>, vector<256x256xf32>, vector<2000x256xf32> -> vector<2000x256xf32>
    %get3A_120 = arith.constant 0 : index
    %get3A_121 = arith.constant 0 : index
    %get3A_122 = vector.load %arg5[%get3A_120, %get3A_121] : memref<1x256xf32, #tpu.memory_space<vmem>>, vector<1x256xf32>
    %add3A_123 = vector.broadcast %get3A_122 : vector<1x256xf32> to vector<2000x256xf32>
    %add3A_124 = arith.addf %dot_general3A_119, %add3A_123 : vector<2000x256xf32>
    %exp3A_125 = math.exp %add3A_124 : vector<2000x256xf32>
    %log1p3A_126 = math.log1p %exp3A_125 : vector<2000x256xf32>
    %get3A_127 = arith.constant 0 : index
    %get3A_128 = arith.constant 2 : index
    %get3A_129 = vector.load %arg2[%get3A_127, %get3A_128] : memref<2000x3xf32, #tpu.memory_space<vmem>>, vector<2000x1xf32>
    %iota3A_130 = tpu.iota {dimensions = array<i32: 1>} : vector<1x128xi32>
    %convert_element_type3A_131 = arith.sitofp %iota3A_130 : vector<1x128xi32> to vector<1x128xf32>
    %mul3A_132 = arith.constant 0.0629921257 : f32
    %mul3A_133 = vector.broadcast %mul3A_132 : f32 to vector<1x128xf32>
    %mul3A_134 = arith.mulf %mul3A_133, %convert_element_type3A_131 : vector<1x128xf32>
    %add3A_135 = arith.constant -4.000000e+00 : f32
    %add3A_136 = vector.broadcast %add3A_135 : f32 to vector<1x128xf32>
    %add3A_137 = arith.addf %add3A_136, %mul3A_134 : vector<1x128xf32>
    %sub3A_138 = vector.broadcast %get3A_129 : vector<2000x1xf32> to vector<2000x128xf32>
    %sub3A_139 = vector.broadcast %add3A_137 : vector<1x128xf32> to vector<2000x128xf32>
    %sub3A_140 = arith.subf %sub3A_138, %sub3A_139 : vector<2000x128xf32>
    %mul3A_141 = arith.constant -252.015625 : f32
    %mul3A_142 = vector.broadcast %mul3A_141 : f32 to vector<2000x128xf32>
    %mul3A_143 = arith.mulf %mul3A_142, %sub3A_140 : vector<2000x128xf32>
    %mul3A_144 = arith.mulf %mul3A_143, %sub3A_140 : vector<2000x128xf32>
    %exp3A_145 = math.exp %mul3A_144 : vector<2000x128xf32>
    %get3A_146 = arith.constant 0 : index
    %get3A_147 = arith.constant 2 : index
    %get3A_148 = vector.load %arg3[%get3A_146, %get3A_147] : memref<2000x3xf32, #tpu.memory_space<vmem>>, vector<2000x1xf32>
    %iota3A_149 = tpu.iota {dimensions = array<i32: 1>} : vector<1x128xi32>
    %convert_element_type3A_150 = arith.sitofp %iota3A_149 : vector<1x128xi32> to vector<1x128xf32>
    %mul3A_151 = arith.constant 0.0157480314 : f32
    %mul3A_152 = vector.broadcast %mul3A_151 : f32 to vector<1x128xf32>
    %mul3A_153 = arith.mulf %mul3A_152, %convert_element_type3A_150 : vector<1x128xf32>
    %add3A_154 = arith.constant -1.000000e+00 : f32
    %add3A_155 = vector.broadcast %add3A_154 : f32 to vector<1x128xf32>
    %add3A_156 = arith.addf %add3A_155, %mul3A_153 : vector<1x128xf32>
    %sub3A_157 = vector.broadcast %get3A_148 : vector<2000x1xf32> to vector<2000x128xf32>
    %sub3A_158 = vector.broadcast %add3A_156 : vector<1x128xf32> to vector<2000x128xf32>
    %sub3A_159 = arith.subf %sub3A_157, %sub3A_158 : vector<2000x128xf32>
    %mul3A_160 = arith.constant -4.032250e+03 : f32
    %mul3A_161 = vector.broadcast %mul3A_160 : f32 to vector<2000x128xf32>
    %mul3A_162 = arith.mulf %mul3A_161, %sub3A_159 : vector<2000x128xf32>
    %mul3A_163 = arith.mulf %mul3A_162, %sub3A_159 : vector<2000x128xf32>
    %exp3A_164 = math.exp %mul3A_163 : vector<2000x128xf32>
    %concatenate3A_165 = tpu.concatenate %exp3A_145, %exp3A_164 in 1 : vector<2000x128xf32>, vector<2000x128xf32> -> vector<2000x256xf32>
    %get3A_166 = arith.constant 0 : index
    %get3A_167 = arith.constant 0 : index
    %get3A_168 = vector.load %arg4[%get3A_166, %get3A_167] : memref<256x256xf32, #tpu.memory_space<vmem>>, vector<256x256xf32>
    %dot_general3A_169 = arith.constant dense<0.000000e+00> : vector<2000x256xf32>
    %dot_general3A_170 = tpu.matmul %concatenate3A_165, %get3A_168, %dot_general3A_169 {dimension_numbers = #tpu.dot_dimension_numbers<[1], [0], [0], [1], [0, 0, 1, 1], [], []>, transpose_lhs_hint = false} : vector<2000x256xf32>, vector<256x256xf32>, vector<2000x256xf32> -> vector<2000x256xf32>
    %get3A_171 = arith.constant 0 : index
    %get3A_172 = arith.constant 0 : index
    %get3A_173 = vector.load %arg5[%get3A_171, %get3A_172] : memref<1x256xf32, #tpu.memory_space<vmem>>, vector<1x256xf32>
    %add3A_174 = vector.broadcast %get3A_173 : vector<1x256xf32> to vector<2000x256xf32>
    %add3A_175 = arith.addf %dot_general3A_170, %add3A_174 : vector<2000x256xf32>
    %exp3A_176 = math.exp %add3A_175 : vector<2000x256xf32>
    %log1p3A_177 = math.log1p %exp3A_176 : vector<2000x256xf32>
    %get3A_178 = arith.constant 0 : index
    %get3A_179 = arith.constant 0 : index
    %get3A_180 = arith.constant 0 : index
    %get3A_181 = vector.load %arg6[%get3A_178, %get3A_179, %get3A_180] : memref<2x128x384xf32, #tpu.memory_space<vmem>>, vector<1x128x384xf32>
    %get3A_182 = vector.shape_cast %get3A_181 : vector<1x128x384xf32> to vector<128x384xf32>
    %dot_general3A_183 = arith.constant dense<0.000000e+00> : vector<2000x384xf32>
    %dot_general3A_184 = tpu.matmul %log1p3A, %get3A_182, %dot_general3A_183 {dimension_numbers = #tpu.dot_dimension_numbers<[1], [0], [0], [1], [0, 0, 1, 1], [], []>, transpose_lhs_hint = false} : vector<2000x128xf32>, vector<128x384xf32>, vector<2000x384xf32> -> vector<2000x384xf32>
    %slice3A = vector.extract_strided_slice %dot_general3A_184 {offsets = [0, 0], sizes = [2000, 128], strides = [1, 1]} : vector<2000x384xf32> to vector<2000x128xf32>
    %slice3A_185 = vector.extract_strided_slice %dot_general3A_184 {offsets = [0, 128], sizes = [2000, 128], strides = [1, 1]} : vector<2000x384xf32> to vector<2000x128xf32>
    %slice3A_186 = vector.extract_strided_slice %dot_general3A_184 {offsets = [0, 256], sizes = [2000, 128], strides = [1, 1]} : vector<2000x384xf32> to vector<2000x128xf32>
    %get3A_187 = arith.constant 0 : index
    %get3A_188 = arith.constant 0 : index
    %get3A_189 = arith.constant 0 : index
    %get3A_190 = vector.load %arg7[%get3A_187, %get3A_188, %get3A_189] : memref<2x256x256xf32, #tpu.memory_space<vmem>>, vector<1x256x256xf32>
    %get3A_191 = vector.shape_cast %get3A_190 : vector<1x256x256xf32> to vector<256x256xf32>
    %dot_general3A_192 = arith.constant dense<0.000000e+00> : vector<2000x256xf32>
    %dot_general3A_193 = tpu.matmul %log1p3A_75, %get3A_191, %dot_general3A_192 {dimension_numbers = #tpu.dot_dimension_numbers<[1], [0], [0], [1], [0, 0, 1, 1], [], []>, transpose_lhs_hint = false} : vector<2000x256xf32>, vector<256x256xf32>, vector<2000x256xf32> -> vector<2000x256xf32>
    %slice3A_194 = vector.extract_strided_slice %dot_general3A_193 {offsets = [0, 0], sizes = [2000, 128], strides = [1, 1]} : vector<2000x256xf32> to vector<2000x128xf32>
    %add3A_195 = arith.addf %slice3A_185, %slice3A_194 : vector<2000x128xf32>
    %mul3A_196 = arith.mulf %slice3A, %add3A_195 : vector<2000x128xf32>
    %reduce_sum3A_197 = arith.constant dense<0.000000e+00> : vector<2000xf32>
    %reduce_sum3A_198 = vector.multi_reduction <add>, %mul3A_196, %reduce_sum3A_197 [1] : vector<2000x128xf32> to vector<2000xf32>
    %broadcast_in_dim3A_199 = vector.shape_cast %reduce_sum3A_198 : vector<2000xf32> to vector<2000x1xf32>
    %slice3A_200 = vector.extract_strided_slice %dot_general3A_193 {offsets = [0, 128], sizes = [2000, 128], strides = [1, 1]} : vector<2000x256xf32> to vector<2000x128xf32>
    %add3A_201 = arith.addf %slice3A_186, %slice3A_200 : vector<2000x128xf32>
    %get3A_202 = arith.constant 0 : index
    %get3A_203 = arith.constant 0 : index
    %get3A_204 = arith.constant 0 : index
    %get3A_205 = vector.load %arg7[%get3A_202, %get3A_203, %get3A_204] : memref<2x256x256xf32, #tpu.memory_space<vmem>>, vector<1x256x256xf32>
    %get3A_206 = vector.shape_cast %get3A_205 : vector<1x256x256xf32> to vector<256x256xf32>
    %dot_general3A_207 = arith.constant dense<0.000000e+00> : vector<2000x256xf32>
    %dot_general3A_208 = tpu.matmul %log1p3A_126, %get3A_206, %dot_general3A_207 {dimension_numbers = #tpu.dot_dimension_numbers<[1], [0], [0], [1], [0, 0, 1, 1], [], []>, transpose_lhs_hint = false} : vector<2000x256xf32>, vector<256x256xf32>, vector<2000x256xf32> -> vector<2000x256xf32>
    %slice3A_209 = vector.extract_strided_slice %dot_general3A_208 {offsets = [0, 0], sizes = [2000, 128], strides = [1, 1]} : vector<2000x256xf32> to vector<2000x128xf32>
    %add3A_210 = arith.addf %slice3A_185, %slice3A_209 : vector<2000x128xf32>
    %mul3A_211 = arith.mulf %slice3A, %add3A_210 : vector<2000x128xf32>
    %reduce_sum3A_212 = arith.constant dense<0.000000e+00> : vector<2000xf32>
    %reduce_sum3A_213 = vector.multi_reduction <add>, %mul3A_211, %reduce_sum3A_212 [1] : vector<2000x128xf32> to vector<2000xf32>
    %broadcast_in_dim3A_214 = vector.shape_cast %reduce_sum3A_213 : vector<2000xf32> to vector<2000x1xf32>
    %slice3A_215 = vector.extract_strided_slice %dot_general3A_208 {offsets = [0, 128], sizes = [2000, 128], strides = [1, 1]} : vector<2000x256xf32> to vector<2000x128xf32>
    %add3A_216 = arith.addf %slice3A_186, %slice3A_215 : vector<2000x128xf32>
    %get3A_217 = arith.constant 0 : index
    %get3A_218 = arith.constant 0 : index
    %get3A_219 = arith.constant 0 : index
    %get3A_220 = vector.load %arg7[%get3A_217, %get3A_218, %get3A_219] : memref<2x256x256xf32, #tpu.memory_space<vmem>>, vector<1x256x256xf32>
    %get3A_221 = vector.shape_cast %get3A_220 : vector<1x256x256xf32> to vector<256x256xf32>
    %dot_general3A_222 = arith.constant dense<0.000000e+00> : vector<2000x256xf32>
    %dot_general3A_223 = tpu.matmul %log1p3A_177, %get3A_221, %dot_general3A_222 {dimension_numbers = #tpu.dot_dimension_numbers<[1], [0], [0], [1], [0, 0, 1, 1], [], []>, transpose_lhs_hint = false} : vector<2000x256xf32>, vector<256x256xf32>, vector<2000x256xf32> -> vector<2000x256xf32>
    %slice3A_224 = vector.extract_strided_slice %dot_general3A_223 {offsets = [0, 0], sizes = [2000, 128], strides = [1, 1]} : vector<2000x256xf32> to vector<2000x128xf32>
    %add3A_225 = arith.addf %slice3A_185, %slice3A_224 : vector<2000x128xf32>
    %mul3A_226 = arith.mulf %slice3A, %add3A_225 : vector<2000x128xf32>
    %reduce_sum3A_227 = arith.constant dense<0.000000e+00> : vector<2000xf32>
    %reduce_sum3A_228 = vector.multi_reduction <add>, %mul3A_226, %reduce_sum3A_227 [1] : vector<2000x128xf32> to vector<2000xf32>
    %broadcast_in_dim3A_229 = vector.shape_cast %reduce_sum3A_228 : vector<2000xf32> to vector<2000x1xf32>
    %slice3A_230 = vector.extract_strided_slice %dot_general3A_223 {offsets = [0, 128], sizes = [2000, 128], strides = [1, 1]} : vector<2000x256xf32> to vector<2000x128xf32>
    %add3A_231 = arith.addf %slice3A_186, %slice3A_230 : vector<2000x128xf32>
    %exp3A_232 = math.exp %broadcast_in_dim3A_199 : vector<2000x1xf32>
    %exp3A_233 = math.exp %broadcast_in_dim3A_214 : vector<2000x1xf32>
    %exp3A_234 = math.exp %broadcast_in_dim3A_229 : vector<2000x1xf32>
    %add3A_235 = arith.addf %exp3A_232, %exp3A_233 : vector<2000x1xf32>
    %add3A_236 = arith.addf %add3A_235, %exp3A_234 : vector<2000x1xf32>
    %div3A_237 = arith.constant 1.000000e+00 : f32
    %div3A_238 = vector.broadcast %div3A_237 : f32 to vector<2000x1xf32>
    %div3A_239 = arith.divf %div3A_238, %add3A_236 : vector<2000x1xf32>
    %mul3A_240 = arith.mulf %exp3A_232, %div3A_239 : vector<2000x1xf32>
    %mul3A_241 = arith.mulf %exp3A_233, %div3A_239 : vector<2000x1xf32>
    %mul3A_242 = arith.mulf %exp3A_234, %div3A_239 : vector<2000x1xf32>
    %mul3A_243 = vector.broadcast %mul3A_240 : vector<2000x1xf32> to vector<2000x128xf32>
    %mul3A_244 = arith.mulf %mul3A_243, %add3A_201 : vector<2000x128xf32>
    %mul3A_245 = vector.broadcast %mul3A_241 : vector<2000x1xf32> to vector<2000x128xf32>
    %mul3A_246 = arith.mulf %mul3A_245, %add3A_216 : vector<2000x128xf32>
    %add3A_247 = arith.addf %mul3A_244, %mul3A_246 : vector<2000x128xf32>
    %mul3A_248 = vector.broadcast %mul3A_242 : vector<2000x1xf32> to vector<2000x128xf32>
    %mul3A_249 = arith.mulf %mul3A_248, %add3A_231 : vector<2000x128xf32>
    %add3A_250 = arith.addf %add3A_247, %mul3A_249 : vector<2000x128xf32>
    %add3A_251 = arith.addf %log1p3A, %add3A_250 : vector<2000x128xf32>
    %get3A_252 = arith.constant 0 : index
    %get3A_253 = arith.constant 0 : index
    %get3A_254 = arith.constant 0 : index
    %get3A_255 = vector.load %arg8[%get3A_252, %get3A_253, %get3A_254] : memref<2x128x128xf32, #tpu.memory_space<vmem>>, vector<1x128x128xf32>
    %get3A_256 = vector.shape_cast %get3A_255 : vector<1x128x128xf32> to vector<128x128xf32>
    %dot_general3A_257 = arith.constant dense<0.000000e+00> : vector<2000x128xf32>
    %dot_general3A_258 = tpu.matmul %add3A_251, %get3A_256, %dot_general3A_257 {dimension_numbers = #tpu.dot_dimension_numbers<[1], [0], [0], [1], [0, 0, 1, 1], [], []>, transpose_lhs_hint = false} : vector<2000x128xf32>, vector<128x128xf32>, vector<2000x128xf32> -> vector<2000x128xf32>
    %swap3A = arith.constant 0 : index
    %swap3A_259 = arith.constant 0 : index
    %swap3A_260 = vector.load %arg9[%swap3A, %swap3A_259] : memref<2000x128xf32, #tpu.memory_space<vmem>>, vector<2000x128xf32>
    tpu.vector_store %arg9[%swap3A, %swap3A_259], %dot_general3A_258 {strides = array<i32>} : memref<2000x128xf32, #tpu.memory_space<vmem>>, vector<2000x128xf32>,
    %get3A_261 = arith.constant 1 : index
    %get3A_262 = arith.constant 0 : index
    %get3A_263 = arith.constant 0 : index
    %get3A_264 = vector.load %arg6[%get3A_261, %get3A_262, %get3A_263] : memref<2x128x384xf32, #tpu.memory_space<vmem>>, vector<1x128x384xf32>
    %get3A_265 = vector.shape_cast %get3A_264 : vector<1x128x384xf32> to vector<128x384xf32>
    %dot_general3A_266 = arith.constant dense<0.000000e+00> : vector<2000x384xf32>
    %dot_general3A_267 = tpu.matmul %add3A_251, %get3A_265, %dot_general3A_266 {dimension_numbers = #tpu.dot_dimension_numbers<[1], [0], [0], [1], [0, 0, 1, 1], [], []>, transpose_lhs_hint = false} : vector<2000x128xf32>, vector<128x384xf32>, vector<2000x384xf32> -> vector<2000x384xf32>
    %slice3A_268 = vector.extract_strided_slice %dot_general3A_267 {offsets = [0, 0], sizes = [2000, 128], strides = [1, 1]} : vector<2000x384xf32> to vector<2000x128xf32>
    %slice3A_269 = vector.extract_strided_slice %dot_general3A_267 {offsets = [0, 128], sizes = [2000, 128], strides = [1, 1]} : vector<2000x384xf32> to vector<2000x128xf32>
    %slice3A_270 = vector.extract_strided_slice %dot_general3A_267 {offsets = [0, 256], sizes = [2000, 128], strides = [1, 1]} : vector<2000x384xf32> to vector<2000x128xf32>
    %get3A_271 = arith.constant 1 : index
    %get3A_272 = arith.constant 0 : index
    %get3A_273 = arith.constant 0 : index
    %get3A_274 = vector.load %arg7[%get3A_271, %get3A_272, %get3A_273] : memref<2x256x256xf32, #tpu.memory_space<vmem>>, vector<1x256x256xf32>
    %get3A_275 = vector.shape_cast %get3A_274 : vector<1x256x256xf32> to vector<256x256xf32>
    %dot_general3A_276 = arith.constant dense<0.000000e+00> : vector<2000x256xf32>
    %dot_general3A_277 = tpu.matmul %log1p3A_75, %get3A_275, %dot_general3A_276 {dimension_numbers = #tpu.dot_dimension_numbers<[1], [0], [0], [1], [0, 0, 1, 1], [], []>, transpose_lhs_hint = false} : vector<2000x256xf32>, vector<256x256xf32>, vector<2000x256xf32> -> vector<2000x256xf32>
    %slice3A_278 = vector.extract_strided_slice %dot_general3A_277 {offsets = [0, 0], sizes = [2000, 128], strides = [1, 1]} : vector<2000x256xf32> to vector<2000x128xf32>
    %add3A_279 = arith.addf %slice3A_269, %slice3A_278 : vector<2000x128xf32>
    %mul3A_280 = arith.mulf %slice3A_268, %add3A_279 : vector<2000x128xf32>
    %reduce_sum3A_281 = arith.constant dense<0.000000e+00> : vector<2000xf32>
    %reduce_sum3A_282 = vector.multi_reduction <add>, %mul3A_280, %reduce_sum3A_281 [1] : vector<2000x128xf32> to vector<2000xf32>
    %broadcast_in_dim3A_283 = vector.shape_cast %reduce_sum3A_282 : vector<2000xf32> to vector<2000x1xf32>
    %slice3A_284 = vector.extract_strided_slice %dot_general3A_277 {offsets = [0, 128], sizes = [2000, 128], strides = [1, 1]} : vector<2000x256xf32> to vector<2000x128xf32>
    %add3A_285 = arith.addf %slice3A_270, %slice3A_284 : vector<2000x128xf32>
    %get3A_286 = arith.constant 1 : index
    %get3A_287 = arith.constant 0 : index
    %get3A_288 = arith.constant 0 : index
    %get3A_289 = vector.load %arg7[%get3A_286, %get3A_287, %get3A_288] : memref<2x256x256xf32, #tpu.memory_space<vmem>>, vector<1x256x256xf32>
    %get3A_290 = vector.shape_cast %get3A_289 : vector<1x256x256xf32> to vector<256x256xf32>
    %dot_general3A_291 = arith.constant dense<0.000000e+00> : vector<2000x256xf32>
    %dot_general3A_292 = tpu.matmul %log1p3A_126, %get3A_290, %dot_general3A_291 {dimension_numbers = #tpu.dot_dimension_numbers<[1], [0], [0], [1], [0, 0, 1, 1], [], []>, transpose_lhs_hint = false} : vector<2000x256xf32>, vector<256x256xf32>, vector<2000x256xf32> -> vector<2000x256xf32>
    %slice3A_293 = vector.extract_strided_slice %dot_general3A_292 {offsets = [0, 0], sizes = [2000, 128], strides = [1, 1]} : vector<2000x256xf32> to vector<2000x128xf32>
    %add3A_294 = arith.addf %slice3A_269, %slice3A_293 : vector<2000x128xf32>
    %mul3A_295 = arith.mulf %slice3A_268, %add3A_294 : vector<2000x128xf32>
    %reduce_sum3A_296 = arith.constant dense<0.000000e+00> : vector<2000xf32>
    %reduce_sum3A_297 = vector.multi_reduction <add>, %mul3A_295, %reduce_sum3A_296 [1] : vector<2000x128xf32> to vector<2000xf32>
    %broadcast_in_dim3A_298 = vector.shape_cast %reduce_sum3A_297 : vector<2000xf32> to vector<2000x1xf32>
    %slice3A_299 = vector.extract_strided_slice %dot_general3A_292 {offsets = [0, 128], sizes = [2000, 128], strides = [1, 1]} : vector<2000x256xf32> to vector<2000x128xf32>
    %add3A_300 = arith.addf %slice3A_270, %slice3A_299 : vector<2000x128xf32>
    %get3A_301 = arith.constant 1 : index
    %get3A_302 = arith.constant 0 : index
    %get3A_303 = arith.constant 0 : index
    %get3A_304 = vector.load %arg7[%get3A_301, %get3A_302, %get3A_303] : memref<2x256x256xf32, #tpu.memory_space<vmem>>, vector<1x256x256xf32>
    %get3A_305 = vector.shape_cast %get3A_304 : vector<1x256x256xf32> to vector<256x256xf32>
    %dot_general3A_306 = arith.constant dense<0.000000e+00> : vector<2000x256xf32>
    %dot_general3A_307 = tpu.matmul %log1p3A_177, %get3A_305, %dot_general3A_306 {dimension_numbers = #tpu.dot_dimension_numbers<[1], [0], [0], [1], [0, 0, 1, 1], [], []>, transpose_lhs_hint = false} : vector<2000x256xf32>, vector<256x256xf32>, vector<2000x256xf32> -> vector<2000x256xf32>
    %slice3A_308 = vector.extract_strided_slice %dot_general3A_307 {offsets = [0, 0], sizes = [2000, 128], strides = [1, 1]} : vector<2000x256xf32> to vector<2000x128xf32>
    %add3A_309 = arith.addf %slice3A_269, %slice3A_308 : vector<2000x128xf32>
    %mul3A_310 = arith.mulf %slice3A_268, %add3A_309 : vector<2000x128xf32>
    %reduce_sum3A_311 = arith.constant dense<0.000000e+00> : vector<2000xf32>
    %reduce_sum3A_312 = vector.multi_reduction <add>, %mul3A_310, %reduce_sum3A_311 [1] : vector<2000x128xf32> to vector<2000xf32>
    %broadcast_in_dim3A_313 = vector.shape_cast %reduce_sum3A_312 : vector<2000xf32> to vector<2000x1xf32>
    %slice3A_314 = vector.extract_strided_slice %dot_general3A_307 {offsets = [0, 128], sizes = [2000, 128], strides = [1, 1]} : vector<2000x256xf32> to vector<2000x128xf32>
    %add3A_315 = arith.addf %slice3A_270, %slice3A_314 : vector<2000x128xf32>
    %exp3A_316 = math.exp %broadcast_in_dim3A_283 : vector<2000x1xf32>
    %exp3A_317 = math.exp %broadcast_in_dim3A_298 : vector<2000x1xf32>
    %exp3A_318 = math.exp %broadcast_in_dim3A_313 : vector<2000x1xf32>
    %add3A_319 = arith.addf %exp3A_316, %exp3A_317 : vector<2000x1xf32>
    %add3A_320 = arith.addf %add3A_319, %exp3A_318 : vector<2000x1xf32>
    %div3A_321 = arith.constant 1.000000e+00 : f32
    %div3A_322 = vector.broadcast %div3A_321 : f32 to vector<2000x1xf32>
    %div3A_323 = arith.divf %div3A_322, %add3A_320 : vector<2000x1xf32>
    %mul3A_324 = arith.mulf %exp3A_316, %div3A_323 : vector<2000x1xf32>
    %mul3A_325 = arith.mulf %exp3A_317, %div3A_323 : vector<2000x1xf32>
    %mul3A_326 = arith.mulf %exp3A_318, %div3A_323 : vector<2000x1xf32>
    %mul3A_327 = vector.broadcast %mul3A_324 : vector<2000x1xf32> to vector<2000x128xf32>
    %mul3A_328 = arith.mulf %mul3A_327, %add3A_285 : vector<2000x128xf32>
    %mul3A_329 = vector.broadcast %mul3A_325 : vector<2000x1xf32> to vector<2000x128xf32>
    %mul3A_330 = arith.mulf %mul3A_329, %add3A_300 : vector<2000x128xf32>
    %add3A_331 = arith.addf %mul3A_328, %mul3A_330 : vector<2000x128xf32>
    %mul3A_332 = vector.broadcast %mul3A_326 : vector<2000x1xf32> to vector<2000x128xf32>
    %mul3A_333 = arith.mulf %mul3A_332, %add3A_315 : vector<2000x128xf32>
    %add3A_334 = arith.addf %add3A_331, %mul3A_333 : vector<2000x128xf32>
    %add3A_335 = arith.addf %add3A_251, %add3A_334 : vector<2000x128xf32>
    %get3A_336 = arith.constant 1 : index
    %get3A_337 = arith.constant 0 : index
    %get3A_338 = arith.constant 0 : index
    %get3A_339 = vector.load %arg8[%get3A_336, %get3A_337, %get3A_338] : memref<2x128x128xf32, #tpu.memory_space<vmem>>, vector<1x128x128xf32>
    %get3A_340 = vector.shape_cast %get3A_339 : vector<1x128x128xf32> to vector<128x128xf32>
    %dot_general3A_341 = arith.constant dense<0.000000e+00> : vector<2000x128xf32>
    %dot_general3A_342 = tpu.matmul %add3A_335, %get3A_340, %dot_general3A_341 {dimension_numbers = #tpu.dot_dimension_numbers<[1], [0], [0], [1], [0, 0, 1, 1], [], []>, transpose_lhs_hint = false} : vector<2000x128xf32>, vector<128x128xf32>, vector<2000x128xf32> -> vector<2000x128xf32>
    %swap3A_343 = arith.constant 0 : index
    %swap3A_344 = arith.constant 0 : index
    %swap3A_345 = vector.load %arg10[%swap3A_343, %swap3A_344] : memref<2000x128xf32, #tpu.memory_space<vmem>>, vector<2000x128xf32>
    tpu.vector_store %arg10[%swap3A_343, %swap3A_344], %dot_general3A_342 {strides = array<i32>} : memref<2000x128xf32, #tpu.memory_space<vmem>>, vector<2000x128xf32>,
    return
  }
  func.func @transform_0(%arg0: i32) -> (i32, i32) {
    %c0_i32 = arith.constant 0 : i32
    %c0_i32_0 = arith.constant 0 : i32
    return %arg0, %c0_i32 : i32, i32
  }
  func.func @transform_1(%arg0: i32) -> (i32, i32) {
    %c0_i32 = arith.constant 0 : i32
    %c0_i32_0 = arith.constant 0 : i32
    return %arg0, %c0_i32 : i32, i32
  }
  func.func @transform_2(%arg0: i32) -> (i32, i32) {
    %c0_i32 = arith.constant 0 : i32
    %c0_i32_0 = arith.constant 0 : i32
    return %arg0, %c0_i32 : i32, i32
  }
  func.func @transform_3(%arg0: i32) -> (i32, i32) {
    %c0_i32 = arith.constant 0 : i32
    %c0_i32_0 = arith.constant 0 : i32
    %c0_i32_1 = arith.constant 0 : i32
    return %c0_i32, %c0_i32_0 : i32, i32
  }
  func.func @transform_4(%arg0: i32) -> (i32, i32) {
    %c0_i32 = arith.constant 0 : i32
    %c0_i32_0 = arith.constant 0 : i32
    %c0_i32_1 = arith.constant 0 : i32
    return %c0_i32, %c0_i32_0 : i32, i32
  }
  func.func @transform_5(%arg0: i32) -> (i32, i32, i32) {
    %c0_i32 = arith.constant 0 : i32
    %c0_i32_0 = arith.constant 0 : i32
    %c0_i32_1 = arith.constant 0 : i32
    %c0_i32_2 = arith.constant 0 : i32
    return %c0_i32, %c0_i32_0, %c0_i32_1 : i32, i32, i32
  }
  func.func @transform_6(%arg0: i32) -> (i32, i32, i32) {
    %c0_i32 = arith.constant 0 : i32
    %c0_i32_0 = arith.constant 0 : i32
    %c0_i32_1 = arith.constant 0 : i32
    %c0_i32_2 = arith.constant 0 : i32
    return %c0_i32, %c0_i32_0, %c0_i32_1 : i32, i32, i32
  }
  func.func @transform_7(%arg0: i32) -> (i32, i32, i32) {
    %c0_i32 = arith.constant 0 : i32
    %c0_i32_0 = arith.constant 0 : i32
    %c0_i32_1 = arith.constant 0 : i32
    %c0_i32_2 = arith.constant 0 : i32
    return %c0_i32, %c0_i32_0, %c0_i32_1 : i32, i32, i32
  }
  func.func @transform_8(%arg0: i32) -> (i32, i32) {
    %c0_i32 = arith.constant 0 : i32
    %c0_i32_0 = arith.constant 0 : i32
    return %arg0, %c0_i32 : i32, i32
  }
  func.func @transform_9(%arg0: i32) -> (i32, i32) {
    %c0_i32 = arith.constant 0 : i32
    %c0_i32_0 = arith.constant 0 : i32
    return %arg0, %c0_i32 : i32, i32
  }
}

module attributes {stable_mosaic.version = 14 : i64} {
  func.func @_upd_kernel(%arg0: i32, %arg1: memref<2x2000x144xf32, #tpu.memory_space<vmem>>, %arg2: memref<2000x128xf32, #tpu.memory_space<vmem>>, %arg3: memref<128x384xf32, #tpu.memory_space<vmem>>, %arg4: memref<2000x128xf32, #tpu.memory_space<vmem>>, %arg5: memref<2000x384xf32, #tpu.memory_space<vmem>>) attributes {dimension_semantics = [#tpu.dimension_semantics<arbitrary>], iteration_bounds = array<i64: 5>, scalar_prefetch = 0 : i64, scratch_operands = 0 : i64, tpu.core_type = #tpu.core_type<tc>, window_params = [{transform_indices = @transform_0, window_bounds = array<i64: 2, 2000, 144>}, {transform_indices = @transform_1, window_bounds = array<i64: 2000, 128>}, {pipeline_mode = #tpu.pipeline_mode<synchronous>, transform_indices = @transform_2, window_bounds = array<i64: 128, 384>}, {transform_indices = @transform_3, window_bounds = array<i64: 2000, 128>}, {transform_indices = @transform_4, window_bounds = array<i64: 2000, 384>}]} {
    %get3A = arith.constant 0 : index
    %get3A_0 = arith.constant 0 : index
    %get3A_1 = arith.constant 0 : index
    %get3A_2 = vector.load %arg1[%get3A, %get3A_0, %get3A_1] : memref<2x2000x144xf32, #tpu.memory_space<vmem>>, vector<1x2000x144xf32>
    %get3A_3 = vector.shape_cast %get3A_2 : vector<1x2000x144xf32> to vector<2000x144xf32>
    %get3A_4 = arith.constant 1 : index
    %get3A_5 = arith.constant 0 : index
    %get3A_6 = arith.constant 0 : index
    %get3A_7 = vector.load %arg1[%get3A_4, %get3A_5, %get3A_6] : memref<2x2000x144xf32, #tpu.memory_space<vmem>>, vector<1x2000x144xf32>
    %get3A_8 = vector.shape_cast %get3A_7 : vector<1x2000x144xf32> to vector<2000x144xf32>
    %add3A = arith.addf %get3A_3, %get3A_8 : vector<2000x144xf32>
    %slice3A = vector.extract_strided_slice %add3A {offsets = [0, 128], sizes = [2000, 1], strides = [1, 1]} : vector<2000x144xf32> to vector<2000x1xf32>
    %add3A_9 = arith.constant 1.000000e-16 : f32
    %add3A_10 = vector.broadcast %add3A_9 : f32 to vector<2000x1xf32>
    %add3A_11 = arith.addf %slice3A, %add3A_10 : vector<2000x1xf32>
    %div3A = arith.constant 1.000000e+00 : f32
    %div3A_12 = vector.broadcast %div3A : f32 to vector<2000x1xf32>
    %div3A_13 = arith.divf %div3A_12, %add3A_11 : vector<2000x1xf32>
    %get3A_14 = arith.constant 0 : index
    %get3A_15 = arith.constant 0 : index
    %get3A_16 = vector.load %arg2[%get3A_14, %get3A_15] : memref<2000x128xf32, #tpu.memory_space<vmem>>, vector<2000x128xf32>
    %slice3A_17 = vector.extract_strided_slice %add3A {offsets = [0, 0], sizes = [2000, 128], strides = [1, 1]} : vector<2000x144xf32> to vector<2000x128xf32>
    %mul3A = vector.broadcast %div3A_13 : vector<2000x1xf32> to vector<2000x128xf32>
    %mul3A_18 = arith.mulf %slice3A_17, %mul3A : vector<2000x128xf32>
    %add3A_19 = arith.addf %get3A_16, %mul3A_18 : vector<2000x128xf32>
    %swap3A = arith.constant 0 : index
    %swap3A_20 = arith.constant 0 : index
    %swap3A_21 = vector.load %arg4[%swap3A, %swap3A_20] : memref<2000x128xf32, #tpu.memory_space<vmem>>, vector<2000x128xf32>
    tpu.vector_store %arg4[%swap3A, %swap3A_20], %add3A_19 {strides = array<i32>} : memref<2000x128xf32, #tpu.memory_space<vmem>>, vector<2000x128xf32>,
    %get3A_22 = arith.constant 0 : index
    %get3A_23 = arith.constant 0 : index
    %get3A_24 = vector.load %arg3[%get3A_22, %get3A_23] : memref<128x384xf32, #tpu.memory_space<vmem>>, vector<128x384xf32>
    %dot_general3A = arith.constant dense<0.000000e+00> : vector<2000x384xf32>
    %dot_general3A_25 = tpu.matmul %add3A_19, %get3A_24, %dot_general3A {dimension_numbers = #tpu.dot_dimension_numbers<[1], [0], [0], [1], [0, 0, 1, 1], [], []>, transpose_lhs_hint = false} : vector<2000x128xf32>, vector<128x384xf32>, vector<2000x384xf32> -> vector<2000x384xf32>
    %swap3A_26 = arith.constant 0 : index
    %swap3A_27 = arith.constant 0 : index
    %swap3A_28 = vector.load %arg5[%swap3A_26, %swap3A_27] : memref<2000x384xf32, #tpu.memory_space<vmem>>, vector<2000x384xf32>
    tpu.vector_store %arg5[%swap3A_26, %swap3A_27], %dot_general3A_25 {strides = array<i32>} : memref<2000x384xf32, #tpu.memory_space<vmem>>, vector<2000x384xf32>,
    return
  }
  func.func @transform_0(%arg0: i32) -> (i32, i32, i32) {
    %c0_i32 = arith.constant 0 : i32
    %c0_i32_0 = arith.constant 0 : i32
    %c0_i32_1 = arith.constant 0 : i32
    return %c0_i32, %arg0, %c0_i32_0 : i32, i32, i32
  }
  func.func @transform_1(%arg0: i32) -> (i32, i32) {
    %c0_i32 = arith.constant 0 : i32
    %c0_i32_0 = arith.constant 0 : i32
    return %arg0, %c0_i32 : i32, i32
  }
  func.func @transform_2(%arg0: i32) -> (i32, i32) {
    %c0_i32 = arith.constant 0 : i32
    %c0_i32_0 = arith.constant 0 : i32
    %c0_i32_1 = arith.constant 0 : i32
    return %c0_i32, %c0_i32_0 : i32, i32
  }
  func.func @transform_3(%arg0: i32) -> (i32, i32) {
    %c0_i32 = arith.constant 0 : i32
    %c0_i32_0 = arith.constant 0 : i32
    return %arg0, %c0_i32 : i32, i32
  }
  func.func @transform_4(%arg0: i32) -> (i32, i32) {
    %c0_i32 = arith.constant 0 : i32
    %c0_i32_0 = arith.constant 0 : i32
    return %arg0, %c0_i32 : i32, i32
  }
}

module attributes {stable_mosaic.version = 14 : i64} {
  func.func @_pool_kernel(%arg0: i32, %arg1: memref<2x10000x144xf32, #tpu.memory_space<vmem>>, %arg2: memref<10000x128xf32, #tpu.memory_space<vmem>>, %arg3: memref<1x10000xf32, #tpu.memory_space<vmem>>, %arg4: memref<64x128xf32, #tpu.memory_space<vmem>>) attributes {dimension_semantics = [#tpu.dimension_semantics<arbitrary>], iteration_bounds = array<i64: 1>, scalar_prefetch = 0 : i64, scratch_operands = 0 : i64, tpu.core_type = #tpu.core_type<tc>, window_params = [{transform_indices = @transform_0, window_bounds = array<i64: 2, 10000, 144>}, {pipeline_mode = #tpu.pipeline_mode<synchronous>, transform_indices = @transform_1, window_bounds = array<i64: 10000, 128>}, {pipeline_mode = #tpu.pipeline_mode<synchronous>, transform_indices = @transform_2, window_bounds = array<i64: 1, 10000>}, {pipeline_mode = #tpu.pipeline_mode<synchronous>, transform_indices = @transform_3, window_bounds = array<i64: 64, 128>}]} {
    %get3A = arith.constant 0 : index
    %get3A_0 = arith.constant 0 : index
    %get3A_1 = arith.constant 0 : index
    %get3A_2 = vector.load %arg1[%get3A, %get3A_0, %get3A_1] : memref<2x10000x144xf32, #tpu.memory_space<vmem>>, vector<1x10000x144xf32>
    %get3A_3 = vector.shape_cast %get3A_2 : vector<1x10000x144xf32> to vector<10000x144xf32>
    %get3A_4 = arith.constant 1 : index
    %get3A_5 = arith.constant 0 : index
    %get3A_6 = arith.constant 0 : index
    %get3A_7 = vector.load %arg1[%get3A_4, %get3A_5, %get3A_6] : memref<2x10000x144xf32, #tpu.memory_space<vmem>>, vector<1x10000x144xf32>
    %get3A_8 = vector.shape_cast %get3A_7 : vector<1x10000x144xf32> to vector<10000x144xf32>
    %add3A = arith.addf %get3A_3, %get3A_8 : vector<10000x144xf32>
    %slice3A = vector.extract_strided_slice %add3A {offsets = [0, 128], sizes = [10000, 1], strides = [1, 1]} : vector<10000x144xf32> to vector<10000x1xf32>
    %add3A_9 = arith.constant 1.000000e-16 : f32
    %add3A_10 = vector.broadcast %add3A_9 : f32 to vector<10000x1xf32>
    %add3A_11 = arith.addf %slice3A, %add3A_10 : vector<10000x1xf32>
    %div3A = arith.constant 1.000000e+00 : f32
    %div3A_12 = vector.broadcast %div3A : f32 to vector<10000x1xf32>
    %div3A_13 = arith.divf %div3A_12, %add3A_11 : vector<10000x1xf32>
    %get3A_14 = arith.constant 0 : index
    %get3A_15 = arith.constant 0 : index
    %get3A_16 = vector.load %arg2[%get3A_14, %get3A_15] : memref<10000x128xf32, #tpu.memory_space<vmem>>, vector<10000x128xf32>
    %slice3A_17 = vector.extract_strided_slice %add3A {offsets = [0, 0], sizes = [10000, 128], strides = [1, 1]} : vector<10000x144xf32> to vector<10000x128xf32>
    %mul3A = vector.broadcast %div3A_13 : vector<10000x1xf32> to vector<10000x128xf32>
    %mul3A_18 = arith.mulf %slice3A_17, %mul3A : vector<10000x128xf32>
    %add3A_19 = arith.addf %get3A_16, %mul3A_18 : vector<10000x128xf32>
    %iota3A = tpu.iota {dimensions = array<i32: 0>} : vector<64x1xi32>
    %convert_element_type3A = arith.sitofp %iota3A : vector<64x1xi32> to vector<64x1xf32>
    %get3A_20 = arith.constant 0 : index
    %get3A_21 = arith.constant 0 : index
    %get3A_22 = vector.load %arg3[%get3A_20, %get3A_21] : memref<1x10000xf32, #tpu.memory_space<vmem>>, vector<1x10000xf32>
    %eq3A = vector.broadcast %get3A_22 : vector<1x10000xf32> to vector<64x10000xf32>
    %eq3A_23 = vector.broadcast %convert_element_type3A : vector<64x1xf32> to vector<64x10000xf32>
    %eq3A_24 = arith.cmpf oeq, %eq3A, %eq3A_23 : vector<64x10000xf32>
    %jit3A = arith.constant 1.000000e+00 : f32
    %jit3A_25 = arith.constant 0.000000e+00 : f32
    %broadcast_in_dim3A = vector.broadcast %jit3A : f32 to vector<64x10000xf32>
    %broadcast_in_dim3A_26 = vector.broadcast %jit3A_25 : f32 to vector<64x10000xf32>
    %select_n3A = arith.select %eq3A_24, %broadcast_in_dim3A, %broadcast_in_dim3A_26 : vector<64x10000xi1>, vector<64x10000xf32>
    %dot_general3A = arith.constant dense<0.000000e+00> : vector<64x128xf32>
    %dot_general3A_27 = tpu.matmul %select_n3A, %add3A_19, %dot_general3A {dimension_numbers = #tpu.dot_dimension_numbers<[1], [0], [0], [1], [0, 0, 1, 1], [], []>, transpose_lhs_hint = false} : vector<64x10000xf32>, vector<10000x128xf32>, vector<64x128xf32> -> vector<64x128xf32>
    %reduce_sum3A = arith.constant dense<0.000000e+00> : vector<64xf32>
    %reduce_sum3A_28 = vector.multi_reduction <add>, %select_n3A, %reduce_sum3A [1] : vector<64x10000xf32> to vector<64xf32>
    %broadcast_in_dim3A_29 = vector.shape_cast %reduce_sum3A_28 : vector<64xf32> to vector<64x1xf32>
    %max3A = arith.constant 1.000000e+00 : f32
    %max3A_30 = vector.broadcast %max3A : f32 to vector<64x1xf32>
    %max3A_31 = arith.maximumf %broadcast_in_dim3A_29, %max3A_30 : vector<64x1xf32>
    %div3A_32 = vector.broadcast %max3A_31 : vector<64x1xf32> to vector<64x128xf32>
    %div3A_33 = arith.divf %dot_general3A_27, %div3A_32 : vector<64x128xf32>
    %swap3A = arith.constant 0 : index
    %swap3A_34 = arith.constant 0 : index
    %swap3A_35 = vector.load %arg4[%swap3A, %swap3A_34] : memref<64x128xf32, #tpu.memory_space<vmem>>, vector<64x128xf32>
    tpu.vector_store %arg4[%swap3A, %swap3A_34], %div3A_33 {strides = array<i32>} : memref<64x128xf32, #tpu.memory_space<vmem>>, vector<64x128xf32>,
    return
  }
  func.func @transform_0(%arg0: i32) -> (i32, i32, i32) {
    %c0_i32 = arith.constant 0 : i32
    %c0_i32_0 = arith.constant 0 : i32
    %c0_i32_1 = arith.constant 0 : i32
    %c0_i32_2 = arith.constant 0 : i32
    return %c0_i32, %c0_i32_0, %c0_i32_1 : i32, i32, i32
  }
  func.func @transform_1(%arg0: i32) -> (i32, i32) {
    %c0_i32 = arith.constant 0 : i32
    %c0_i32_0 = arith.constant 0 : i32
    %c0_i32_1 = arith.constant 0 : i32
    return %c0_i32, %c0_i32_0 : i32, i32
  }
  func.func @transform_2(%arg0: i32) -> (i32, i32) {
    %c0_i32 = arith.constant 0 : i32
    %c0_i32_0 = arith.constant 0 : i32
    %c0_i32_1 = arith.constant 0 : i32
    return %c0_i32, %c0_i32_0 : i32, i32
  }
  func.func @transform_3(%arg0: i32) -> (i32, i32) {
    %c0_i32 = arith.constant 0 : i32
    %c0_i32_0 = arith.constant 0 : i32
    %c0_i32_1 = arith.constant 0 : i32
    return %c0_i32, %c0_i32_0 : i32, i32
  }
}

</mosaic_0001>

<sc_bundles>
// kernel: kernel.11.cloned.1.call-start
scs
__scs_entry_jumppad:
0x0: {  	(pc) =	sbr.rel $0x88, $3  }
0x1: {  	(tag) =	ssettag $0x0;
	lr =	simm.s32 $0x1  }
0x2: {  	[smem:$0x3F8A] =	sst lr;
	_ =	strace $0xD0000000  }
0x3: {  	_ = 	snop  }
0x4: {  	_ = 	snop  }
0x5: {  	_ = 	snop  }
0x6: {  	_ = 	snop  }
0x7: {  	_ = 	snop  }
__scs_overlays_trampoline_lowered:
0x8: {  	[smem:$0x3F99] =	sst s0  }
0x9: {  	[smem:$0x3F9A] =	sst s1  }
0xa: {  	[smem:$0x3F9B] =	sst s2  }
0xb: {  	[smem:$0x3F9C] =	sst s3  }
0xc: {  	[smem:$0x3F9D] =	sst s4  }
0xd: {  	[smem:$0x3F9E] =	sst s5  }
0xe: {  	[smem:$0x3F9F] =	sst s6  }
0xf: {  	[smem:$0x3FA0] =	sst s7  }
0x10: {  	[smem:$0x3FA1] =	sst s8  }
0x11: {  	[smem:$0x3FA2] =	sst s9;
	s0 =	simm.s32 @!p0 $0x0  }
0x12: {  	s1 =	sld [smem:$0x3F88];
	s0 =	simm.s32 @p0 $0x1  }
0x13: {  	[smem:$0x3FA3] =	sst s0;
	s0 =	simm.s32 @!p1 $0x0  }
0x14: {  	s2 =	sld [smem:$0x3F87];
	s0 =	simm.s32 @p1 $0x1  }
0x15: {  	[smem:$0x3FA4] =	sst s0;
	s0 =	simm.s32 @!p2 $0x0  }
0x16: {  	s3 =	sld [smem:$0x3FDB];
	s0 =	simm.s32 @p2 $0x1  }
0x17: {  	s4 =	simm.s32 $0x1BF5;
	[smem:$0x3FA6] =	sst s0  }
0x18: {  	s0 =	sld [smem:$0x3F89];
	_ =	swait.ge [sflag:s4], $0x0  }
0x19: {  	s7 =	sld [smem:$0x3F8A]  }
0x1a: {  	s8 =	sadd.s32 $0xFFFFE003, lr  }
0x1b: {  	s9 =	sadd.s32 $0xFFFFFEF7, lr;
	s5 =	simm.s32 $0xFFFFFFFF;
	p2 =	slt.u32 s8, $0xFFFFF086  }
0x1c: {  	p1 =	slt.u32 s9, $0xF7A;
	s5 =	simm.s32 @!p2 $0x0  }
0x1d: {  	s5 =	simm.s32 @p1 $0x1;
	p0 =	seq.s32 s7, s2  }
0x1e: {  	s7 =	smul.u32 @!p0 $0xF7A, s2;
	p2 =	seq.s32 @!p0 s5, $0x0  }
0x1f: {  	s9 =	smul.u32 $0xF7A, s1;
	s8 =	simm.s32 @!p0 $0x1BF5;
	p2 =	por !p2, p0  }
0x20: {  	[sflag:s8] =	ssyncset.s32 @!p0 $0xFFFFF086;
	s6 =	sadd.s32 @!p0 s3, s7;
	s7 =	simm.s32 @!p0 $0x108  }
0x21: {  	s3 =	sadd.s32 s3, s9;
	s6 =	sadd.s32 @!p0 $0x88, s6;
	s7 =	simm.s32 @p2 $0x1082  }
0x22: {  	[simem:s7], [sflag:s8] =	dma.local @!p0 [hbm:s6], $0xF7A  }
0x23: {  	s9 =	sor.u32 $0xD0000000, s2;
	s6 =	simm.s32 $0x108;
	_ =	swait.ge @!p0 [sflag:s8], $0x0  }
0x24: {  	s3 =	sadd.s32 $0x88, s3;
	s6 =	simm.s32 @!p1 $0x1082;
	[sflag:s4] =	ssyncset.s32 $0xFFFFF086  }
0x25: {  	[simem:s6], [sflag:s4] =	dma.local [hbm:s3], $0xF7A  }
0x26: {  	[smem:$0x3F8A] =	sst s1;
	(tag) =	ssettag s2;
	_ =	strace s9  }
0x27: {  	s1 =	sld [smem:$0x3F9A]  }
0x28: {  	s2 =	sld [smem:$0x3F9B]  }
0x29: {  	s4 =	sld [smem:$0x3F9D]  }
0x2a: {  	p0 =	seq.s32 s5, $0x0;
	s5 =	sld [smem:$0x3F9E]  }
0x2b: {  	s6 =	sld [smem:$0x3F9F]  }
0x2c: {  	s7 =	sld [smem:$0x3FA0]  }
0x2d: {  	s3 =	simm.s32 $0x108;
	s8 =	sld [smem:$0x3FA1]  }
0x2e: {  	s3 =	simm.s32 @!p0 $0x1082;
	s9 =	sld [smem:$0x3FA2]  }
0x2f: {  	lr =	sadd.s32 s0, s3;
	s0 =	sld [smem:$0x3F99]  }
0x30: {  	s3 =	sld [smem:$0x3F9C]  }
0x31: {  	[smem:$0x3FA5] =	sst s10  }
0x32: {  	s10 =	sld [smem:$0x3FA3];
	_ =	sdelay $0x3  }
0x33: {  	p0 =	seq.s32 s10, $0x1;
	s10 =	sld [smem:$0x3FA5];
	_ =	sdelay $0x3  }
0x34: {  	[smem:$0x3FA5] =	sst s10  }
0x35: {  	s10 =	sld [smem:$0x3FA4];
	_ =	sdelay $0x3  }
0x36: {  	p1 =	seq.s32 s10, $0x1;
	s10 =	sld [smem:$0x3FA5];
	_ =	sdelay $0x3  }
0x37: {  	[smem:$0x3FA5] =	sst s10  }
0x38: {  	s10 =	sld [smem:$0x3FA6]  }
0x39: {  	_ = 	snop;
	(pc) =	sbr.ind lr, $3  }
0x3a: {  	_ = 	snop  }
0x3b: {  	_ = 	snop  }
0x3c: {  	p2 =	seq.s32 s10, $0x1;
	s10 =	sld [smem:$0x3FA5]  }
0x3d: {  	_ =	shalt  }
0x3e: {  	_ =	shalt  }
0x3f: {  	_ =	shalt  }
0x40: {  	_ =	shalt  }
0x41: {  	_ =	shalt  }
0x42: {  	_ =	shalt  }
0x43: {  	_ =	shalt  }
0x44: {  	_ =	shalt  }
0x45: {  	_ =	shalt  }
0x46: {  	_ =	shalt  }
0x47: {  	_ =	shalt  }
0x48: {  	_ =	shalt  }
0x49: {  	_ =	shalt  }
0x4a: {  	_ =	shalt  }
0x4b: {  	_ =	shalt  }
0x4c: {  	_ =	shalt  }
0x4d: {  	_ =	shalt  }
0x4e: {  	_ =	shalt  }
0x4f: {  	_ =	shalt  }
0x50: {  	_ =	shalt  }
0x51: {  	_ =	shalt  }
0x52: {  	_ =	shalt  }
0x53: {  	_ =	shalt  }
0x54: {  	_ =	shalt  }
0x55: {  	_ =	shalt  }
0x56: {  	_ =	shalt  }
0x57: {  	_ =	shalt  }
0x58: {  	_ =	shalt  }
0x59: {  	_ =	shalt  }
0x5a: {  	_ =	shalt  }
0x5b: {  	_ =	shalt  }
0x5c: {  	_ =	shalt  }
0x5d: {  	_ =	shalt  }
0x5e: {  	_ =	shalt  }
0x5f: {  	_ =	shalt  }
0x60: {  	_ =	shalt  }
0x61: {  	_ =	shalt  }
0x62: {  	_ =	shalt  }
0x63: {  	_ =	shalt  }
0x64: {  	_ =	shalt  }
0x65: {  	_ =	shalt  }
0x66: {  	_ =	shalt  }
0x67: {  	_ =	shalt  }
0x68: {  	_ =	shalt  }
0x69: {  	_ =	shalt  }
0x6a: {  	_ =	shalt  }
0x6b: {  	_ =	shalt  }
0x6c: {  	_ =	shalt  }
0x6d: {  	_ =	shalt  }
0x6e: {  	_ =	shalt  }
0x6f: {  	_ =	shalt  }
0x70: {  	_ =	shalt  }
0x71: {  	_ =	shalt  }
0x72: {  	_ =	shalt  }
0x73: {  	_ =	shalt  }
0x74: {  	_ =	shalt  }
0x75: {  	_ =	shalt  }
0x76: {  	_ =	shalt  }
0x77: {  	_ =	shalt  }
0x78: {  	_ =	shalt  }
0x79: {  	_ =	shalt  }
0x7a: {  	_ =	shalt  }
0x7b: {  	_ =	shalt  }
0x7c: {  	_ =	shalt  }
0x7d: {  	_ =	shalt  }
0x7e: {  	_ =	shalt  }
0x7f: {  	_ =	shalt  }
0x80: {  	_ =	shalt  }
0x81: {  	_ =	shalt  }
0x82: {  	_ =	shalt  }
0x83: {  	_ =	shalt  }
0x84: {  	_ =	shalt  }
0x85: {  	_ =	shalt  }
0x86: {  	_ =	shalt  }
0x87: {  	_ =	shalt  }
.Lfunc_end0:
.L_simem_size_0:
called_computation.1_lowered:
.L_overlay_start_0:
0x88: {  	s2 =	sld [smem:$0x3FD9]  }
0x89: {  	s3 =	sld [smem:$0x3FFE];
	_ =	sdelay $0x1  }
0x8a: {  	s1 =	srdreg.scid  }
0x8b: {  	s0 =	sand.u32 $0x1, s1  }
0x8c: {  	s16 =	sshll.u32 s0, $0xA;
	s2 =	sadd.s32 s3, s2  }
0x8d: {  	s2 =	sadd.s32 s2, s16  }
0x8e: {  	[smem:$0x3FB1] =	sst s2  }
0x8f: {  	_ = 	snop  }
0x90: {  	(tm) =	ssettm $0x1  }
0x91: {  	s17 =	sld [smem:$0x3FFB];
	_ =	sdelay $0x3  }
0x92: {  	_ =	strace s17  }
0x93: {  	s2 =	sld [smem:$0x3FFC];
	_ =	sdelay $0x3  }
0x94: {  	_ =	strace s2  }
0x95: {  	s2 =	sld [smem:$0x3FFD];
	_ =	sdelay $0x3  }
0x96: {  	_ =	strace s2  }
0x97: {  	_ =	strace $0x8FFFFFFF  }
0x98: {  	s18 =	sld [smem:$0x3FDB];
	_ =	sdelay $0x1  }
0x99: {  	s19 =	simm.s32 $_scs_section_size  }
0x9a: {  	s4 =	simm.s32 $_size__tile_overlayer_lowered;
	s5 =	simm.s32 $_tile_overlayer_lowered  }
0x9b: {  	s22 =	simm.s32 $0x1BFF;
	s21 =	sshll.u32 s5, $0x1;
	s2 =	sadd.s32 s19, s18  }
0x9c: {  	s6 =	simm.s32 $0x0;
	s20 =	sshll.u32 s4, $0x1;
	s4 =	sadd.s32 s21, s2  }
0x9d: {  	[timem:s6], [sflag:s22] =	dma.local [hbm:s4], s20  }
0x9e: {  	_ =	swait.ge [sflag:s22], s20  }
0x9f: {  	s3 =	ssub.s32 $0x0, s20;
	[sflag:s22] =	ssyncset.done $0x0  }
0xa0: {  	[sflag:s22] =	ssyncadd.s32 s3;
	_ =	sdelay $0x1  }
0xa1: {  	s23 =	simm.s32 $0x1B8B  }
0xa2: {  	_ =	swait.ge [sflag:s23], $0x1  }
0xa3: {  	[sflag:s23] =	ssyncset.done $0x0  }
0xa4: {  	s25 =	simm.s32 $0x1B8E;
	s24 =	sld [smem:$0x3FFE];
	[sflag:s23] =	ssyncadd.s32 $0xFFFFFFFF  }
0xa5: {  	s26 =	simm.s32 $execute0_lowered;
	[smem:$0x3FD2] =	sst s25  }
0xa6: {  	s4 =	sshll.u32 s26, $0x1;
	_ =	strace $0x80000049;
	[dreg:$0x1] =	wrdreg $0xFFFFFFFF  }
0xa7: {  	s28 =	simm.s32 $_size_execute0_lowered;
	s2 =	sadd.s32 s2, s4;
	[dreg:$0x0] =	wrdreg $0x0  }
0xa8: {  	s4 =	sshll.u32 s28, $0x1;
	[dreg:$0x2] =	wrdreg s2  }
0xa9: {  	[dreg:$0x3] =	wrdreg s4  }
0xaa: {  	[dreg:$0x4] =	wrdreg $0xC0  }
0xab: {  	_ =	task [dreg:s6], $0x5FFFF  }
0xac: {  	[dreg:$0x1] =	wrdreg $0xFFFFFFFF  }
0xad: {  	[dreg:$0x0] =	wrdreg $0x60  }
0xae: {  	[dreg:$0x2] =	wrdreg s24  }
0xaf: {  	[dreg:$0x3] =	wrdreg $0x0  }
0xb0: {  	[dreg:$0x4] =	wrdreg $0x9  }
0xb1: {  	_ =	task.clear_ibuf [dreg:s6], $0x5FFFF;
	_ =	strace $0x90000049  }
0xb2: {  	s29 =	simm.s32 $0x9;
	_ =	strace $0x8000004B  }
0xb3: {  	_ =	swait.ge [sflag:s29], $0x1  }
0xb4: {  	[sflag:s29] =	ssyncadd.s32 $0xFFFFFFFF  }
0xb5: {  	_ =	strace $0x9000004B  }
0xb6: {  	_ =	sfence  }
0xb7: {  	s30 =	sld [smem:$0x0];
	_ =	sdelay $0x2  }
0xb8: {  	s31 =	sshll.u32 s1, $0xD;
	s1 =	sshrl.u32 s1, $0x2  }
0xb9: {  	s3 =	sand.u32 $0x4000, s31;
	s1 =	sadd.s32 s1, s30  }
0xba: {  	s0 =	sor.u32 s3, s0;
	s1 =	sshll.u32 s1, $0x11  }
0xbb: {  	s0 =	sor.u32 s1, s0  }
0xbc: {  	s0 =	sadd.s32 $0x8F2B, s0  }
0xbd: {  	[sflag:s0] =	ssyncadd.remote.s32 $0x1  }
0xbe: {  	_ =	sfence.sel $0xFFFF  }
0xbf: {  	[dreg:$0x0] =	wrdreg $0xFFFFFFFF;
	(pc) =	sbr.abs _section_cstart, $3  }
0xc0: {  	[dreg:$0x1] =	wrdreg $0xFFFFFFFF  }
0xc1: {  	_ =	task.clear_ibuf [dreg:s6], $0x2FFFF;
	_ =	strace $0x9FFFFFFF  }
0xc2: {  	(tm) =	ssettm $0x7FFFFFFF  }
0xc3: {  	_ =	shalt  }
tec
execute0_lowered:
.L_overlay_start_1:
0x0: {  	(tag) =	ssettag $0x1  }
0x1: {  	s0 =	srdreg.scid  }
0x2: {  	s11 =	stileid.u32;
	s8 =	rddreg [dreg:$0x0]  }
0x3: {  	s2 =	rddreg [dreg:$0x1];
	s4 =	simm.s32 $0x0;
	s30 =	simm.s32 $0x1DF10  }
0x4: {  	s31 =	simm.s32 $0x2;
	s0 =	sand.u32 $0x1, s0;
	[smem:$0x7FF] =	sst s4  }
0x5: {  	s9 =	smul.u32 $0x16800, s11;
	s5 =	sadd.s32 $0x5CE00, s8;
	s6 =	sadd.s32 $0x3400, s8  }
0x6: {  	s7 =	sadd.s32 $0xA8C400, s8;
	s1 =	sshll.u32 s0, $0x4;
	s15 =	smul.u32 $0x168000, s0  }
0x7: {  	_ =	strace $0x8000004A;
	s0 =	ssub.s32 $0x2, s0;
	s1 =	sor.u32 s11, s1  }
0x8: {  	s11 =	smul.u32 $0x5A000, s11;
	s16 =	sshrl.u32 s0, $0x1;
	s19 =	sadd.s32 s9, s2  }
0x9: {  	s3 =	smul.u32 $0x1388, s1;
	s1 =	sadd.s32 s9, s15;
	s0 =	ssub.s32 s0, s16  }
0xa: {  	s9 =	simm.s32 $0x1CB10;
	s1 =	sshrl.u32 s1, $0x3;
	s18 =	sshrl.u32 s11, $0x2  }
0xb: {  	s0 =	smax.u32 s0, $0x1;
	s10 =	sshrl.u32 s3, $0x3;
	s1 =	sadd.s32 s1, s8  }
0xc: {  	s11 =	sadd.s32 s18, s2;
	[dreg:$0x6] =	wrdreg s0;
	s1 =	sadd.s32 $0xAB000, s1  }
0xd: {  	s0 =	simm.s32 $0x18F10;
	s20 =	sadd.s32 $0x1680, s11;
	[dreg:$0x5] =	wrdreg s1  }
0xe: {  	s10 =	sadd.s32 s10, s8;
	s21 =	sadd.s32 $0x2D00, s11;
	[dreg:$0x7] =	wrdreg s20  }
0xf: {  	s22 =	sadd.s32 $0x4380, s11;
	s23 =	sadd.s32 $0x5A00, s11;
	[dreg:$0x8] =	wrdreg s21  }
0x10: {  	s24 =	sadd.s32 $0x7080, s11;
	s25 =	sadd.s32 $0x8700, s11;
	[dreg:$0x9] =	wrdreg s22  }
0x11: {  	s26 =	sadd.s32 $0x9D80, s11;
	s28 =	sadd.s32 $0x13B00, s11;
	[dreg:$0xa] =	wrdreg s23  }
0x12: {  	s29 =	sadd.s32 $0x15180, s11;
	s8 =	simm.s32 $0x1B710;
	[dreg:$0xb] =	wrdreg s24  }
0x13: {  	s17 =	sadd.s32 $0x57E00, s10;
	s10 =	sadd.s32 $0x52E00, s10;
	[dreg:$0xc] =	wrdreg s25  }
0x14: {  	[dreg:$0xd] =	wrdreg s26;
	s20 =	sadd.s32 $0xB400, s11;
	s21 =	sadd.s32 $0xCA80, s11  }
0x15: {  	s22 =	sadd.s32 $0xE100, s11;
	s23 =	sadd.s32 $0xF780, s11;
	s24 =	sadd.s32 $0x10E00, s11  }
0x16: {  	s25 =	sshrl.u32 s19, $0x3;
	s26 =	sadd.s32 $0x12480, s11;
	[dreg:$0x3] =	wrdreg s17  }
0x17: {  	v0 =	vimm.f32 $0.0e+00;
	vm0 =	vmmov $0x1;
	s1 =	simm.s32 $0x28;
	[dreg:$0x4] =	wrdreg s10;
	s10 =	simm.s32 $0x1  }
.LBB2_1:
0x18: {  	s12 =	simm.s32 $0x0;
	s13 =	simm.s32 $0x240  }
.LBB2_2:
0x19: {  	p0 =	sne.s32 s13, $0x57C0;
	[tilespmem:s12+$0x1DF90] =	vst v0  }
0x1a: {  	[tilespmem:s12+$0x1DF10] =	vst v0  }
0x1b: {  	[tilespmem:s12+$0x1DF20] =	vst v0  }
0x1c: {  	[tilespmem:s12+$0x1DF30] =	vst v0  }
.Ltmp0:
0x1d: {  	[tilespmem:s12+$0x1DF40] =	vst v0;
	(pc) =	sbr.rel @p0 .LBB2_2-.Ltmp0, $4  }
0x1e: {  	[tilespmem:s12+$0x1DF50] =	vst v0  }
0x1f: {  	[tilespmem:s12+$0x1DF60] =	vst v0  }
0x20: {  	[tilespmem:s12+$0x1DF70] =	vst v0  }
0x21: {  	[tilespmem:s12+$0x1DF80] =	vst v0;
	s12 =	sshra.s32 s13, $0x2;
	s13 =	sadd.s32 $0x240, s13  }
0x22: {  	[tilespmem:s12+$0x1DF90] =	vst v0  }
0x23: {  	[tilespmem:s12+$0x1DF10] =	vst v0  }
0x24: {  	[tilespmem:s12+$0x1DF20] =	vst v0  }
0x25: {  	[tilespmem:s12+$0x1DF30] =	vst v0  }
0x26: {  	[tilespmem:s12+$0x1DF40] =	vst v0  }
0x27: {  	[tilespmem:s12+$0x1DF50] =	vst v0  }
0x28: {  	[tilespmem:s12+$0x1DF60] =	vst v0  }
0x29: {  	[tilespmem:s12+$0x1DF70] =	vst v0  }
0x2a: {  	[tilespmem:s12+$0x1DF80] =	vst v0  }
0x2b: {  	[spmem:s11] =	stream.linear.scatter [tilespmem:s30], [sflag:$0x2], $0x1680, $0x38;
	[tilespmem:$0x1F590] =	vst v63  }
0x2c: {  	_ =	swait.ge [sflag:s31], $0x1680  }
0x2d: {  	[sflag:s31] =	ssyncset.done $0x0  }
0x2e: {  	s18 =	rddreg [dreg:$0x7];
	[sflag:s31] =	ssyncadd.s32 $0xFFFFE980  }
0x2f: {  	[spmem:s18] =	stream.linear.scatter [tilespmem:s30], [sflag:$0x2], $0x1680, $0x38;
	[tilespmem:$0x1F590] =	vst v63  }
0x30: {  	_ =	swait.ge [sflag:s31], $0x1680  }
0x31: {  	[sflag:s31] =	ssyncset.done $0x0  }
0x32: {  	s19 =	rddreg [dreg:$0x8];
	[sflag:s31] =	ssyncadd.s32 $0xFFFFE980  }
0x33: {  	[spmem:s19] =	stream.linear.scatter [tilespmem:s30], [sflag:$0x2], $0x1680, $0x38;
	[tilespmem:$0x1F590] =	vst v63  }
0x34: {  	_ =	swait.ge [sflag:s31], $0x1680  }
0x35: {  	[sflag:s31] =	ssyncset.done $0x0  }
0x36: {  	s13 =	rddreg [dreg:$0x9];
	[sflag:s31] =	ssyncadd.s32 $0xFFFFE980  }
0x37: {  	[spmem:s13] =	stream.linear.scatter [tilespmem:s30], [sflag:$0x2], $0x1680, $0x38;
	[tilespmem:$0x1F590] =	vst v63  }
0x38: {  	_ =	swait.ge [sflag:s31], $0x1680  }
0x39: {  	[sflag:s31] =	ssyncset.done $0x0  }
0x3a: {  	s14 =	rddreg [dreg:$0xa];
	[sflag:s31] =	ssyncadd.s32 $0xFFFFE980  }
0x3b: {  	[spmem:s14] =	stream.linear.scatter [tilespmem:s30], [sflag:$0x2], $0x1680, $0x38;
	[tilespmem:$0x1F590] =	vst v63  }
0x3c: {  	_ =	swait.ge [sflag:s31], $0x1680  }
0x3d: {  	[sflag:s31] =	ssyncset.done $0x0  }
0x3e: {  	s15 =	rddreg [dreg:$0xb];
	[sflag:s31] =	ssyncadd.s32 $0xFFFFE980  }
0x3f: {  	[spmem:s15] =	stream.linear.scatter [tilespmem:s30], [sflag:$0x2], $0x1680, $0x38;
	[tilespmem:$0x1F590] =	vst v63  }
0x40: {  	_ =	swait.ge [sflag:s31], $0x1680  }
0x41: {  	[sflag:s31] =	ssyncset.done $0x0  }
0x42: {  	s16 =	rddreg [dreg:$0xc];
	[sflag:s31] =	ssyncadd.s32 $0xFFFFE980  }
0x43: {  	[spmem:s16] =	stream.linear.scatter [tilespmem:s30], [sflag:$0x2], $0x1680, $0x38;
	[tilespmem:$0x1F590] =	vst v63  }
0x44: {  	_ =	swait.ge [sflag:s31], $0x1680  }
0x45: {  	[sflag:s31] =	ssyncset.done $0x0  }
0x46: {  	s17 =	rddreg [dreg:$0xd];
	[sflag:s31] =	ssyncadd.s32 $0xFFFFE980  }
0x47: {  	[spmem:s17] =	stream.linear.scatter [tilespmem:s30], [sflag:$0x2], $0x1680, $0x38;
	[tilespmem:$0x1F590] =	vst v63  }
0x48: {  	_ =	swait.ge [sflag:s31], $0x1680  }
0x49: {  	[sflag:s31] =	ssyncset.done $0x0  }
0x4a: {  	[sflag:s31] =	ssyncadd.s32 $0xFFFFE980  }
0x4b: {  	[spmem:s20] =	stream.linear.scatter [tilespmem:s30], [sflag:$0x2], $0x1680, $0x38;
	[tilespmem:$0x1F590] =	vst v63  }
0x4c: {  	_ =	swait.ge [sflag:s31], $0x1680  }
0x4d: {  	[sflag:s31] =	ssyncset.done $0x0  }
0x4e: {  	[sflag:s31] =	ssyncadd.s32 $0xFFFFE980  }
0x4f: {  	[spmem:s21] =	stream.linear.scatter [tilespmem:s30], [sflag:$0x2], $0x1680, $0x38;
	[tilespmem:$0x1F590] =	vst v63  }
0x50: {  	_ =	swait.ge [sflag:s31], $0x1680  }
0x51: {  	[sflag:s31] =	ssyncset.done $0x0  }
0x52: {  	[sflag:s31] =	ssyncadd.s32 $0xFFFFE980  }
0x53: {  	[spmem:s22] =	stream.linear.scatter [tilespmem:s30], [sflag:$0x2], $0x1680, $0x38;
	[tilespmem:$0x1F590] =	vst v63  }
0x54: {  	_ =	swait.ge [sflag:s31], $0x1680  }
0x55: {  	[sflag:s31] =	ssyncset.done $0x0  }
0x56: {  	[sflag:s31] =	ssyncadd.s32 $0xFFFFE980  }
0x57: {  	[spmem:s23] =	stream.linear.scatter [tilespmem:s30], [sflag:$0x2], $0x1680, $0x38;
	[tilespmem:$0x1F590] =	vst v63  }
0x58: {  	_ =	swait.ge [sflag:s31], $0x1680  }
0x59: {  	[sflag:s31] =	ssyncset.done $0x0  }
0x5a: {  	[sflag:s31] =	ssyncadd.s32 $0xFFFFE980  }
0x5b: {  	[spmem:s24] =	stream.linear.scatter [tilespmem:s30], [sflag:$0x2], $0x1680, $0x38;
	[tilespmem:$0x1F590] =	vst v63  }
0x5c: {  	_ =	swait.ge [sflag:s31], $0x1680  }
0x5d: {  	[sflag:s31] =	ssyncset.done $0x0  }
0x5e: {  	[sflag:s31] =	ssyncadd.s32 $0xFFFFE980  }
0x5f: {  	[spmem:s26] =	stream.linear.scatter [tilespmem:s30], [sflag:$0x2], $0x1680, $0x38;
	[tilespmem:$0x1F590] =	vst v63  }
0x60: {  	_ =	swait.ge [sflag:s31], $0x1680  }
0x61: {  	[sflag:s31] =	ssyncset.done $0x0  }
0x62: {  	[sflag:s31] =	ssyncadd.s32 $0xFFFFE980  }
0x63: {  	[spmem:s28] =	stream.linear.scatter [tilespmem:s30], [sflag:$0x2], $0x1680, $0x38;
	[tilespmem:$0x1F590] =	vst v63  }
0x64: {  	_ =	swait.ge [sflag:s31], $0x1680  }
0x65: {  	[sflag:s31] =	ssyncset.done $0x0  }
0x66: {  	[sflag:s31] =	ssyncadd.s32 $0xFFFFE980  }
0x67: {  	[spmem:s29] =	stream.linear.scatter [tilespmem:s30], [sflag:$0x2], $0x1680, $0x38;
	[tilespmem:$0x1F590] =	vst v63  }
0x68: {  	_ =	swait.ge [sflag:s31], $0x1680  }
0x69: {  	s12 =	simm.s32 $0x0;
	[sflag:s31] =	ssyncset.done $0x0  }
0x6a: {  	s14 =	simm.s32 $0x16800;
	s13 =	rddreg [dreg:$0x3];
	[sflag:s31] =	ssyncadd.s32 $0xFFFFE980  }
0x6b: {  	[tilespmem:s14], [sflag:$0x2] =	stream.linear.gather [hbm4b:s13+s12], $0x1388, $0x38;
	[tilespmem:$0x1F590] =	vst v63  }
0x6c: {  	_ =	swait.ge [sflag:s31], $0x1388  }
0x6d: {  	[sflag:s31] =	ssyncset.done $0x0  }
0x6e: {  	s19 =	simm.s32 $0x17B88;
	s18 =	rddreg [dreg:$0x4];
	[sflag:s31] =	ssyncadd.s32 $0xFFFFEC78  }
0x6f: {  	[tilespmem:s19], [sflag:$0x2] =	stream.linear.gather [hbm4b:s18+s12], $0x1388, $0x38;
	[tilespmem:$0x1F590] =	vst v63  }
0x70: {  	_ =	swait.ge [sflag:s31], $0x1388  }
0x71: {  	[sflag:s31] =	ssyncset.done $0x0  }
0x72: {  	[sflag:s31] =	ssyncadd.s32 $0xFFFFEC78  }
0x73: {  	s13 =	simm.s32 $0x0;
	[bflag:$0x0] =	sbarrier.arrive $0xFFFF  }
.LBB2_4:
0x74: {  	s15 =	smul.u32 $0x28, s13;
	_ =	sdelay $0x1  }
0x75: {  	s14 =	sadd.s32 $0x16800, s15  }
0x76: {  	[tilespmem:s0], [sflag:$0x1] =	stream.indirect.gather [hbm4b:s5+s1], $0x100, s14, s1, $0xb8;
	[tilespmem:$0x1F590] =	vst v63  }
0x77: {  	s14 =	sadd.s32 $0x17B88, s15;
	s15 =	sadd.s32 s3, s15  }
0x78: {  	s15 =	sshll.u32 s15, $0x4  }
0x79: {  	[tilespmem:s8], [sflag:$0x1] =	stream.indirect.gather [hbm4b:s6+s1], $0x80, s14, s1, $0xb8;
	[tilespmem:$0x1F590] =	vst v63  }
0x7a: {  	s15 =	sadd.s32 s7, s15  }
0x7b: {  	[tilespmem:s9], [sflag:$0x1] =	stream.linear.gather [hbm4b:s15+s12], $0x1400, $0x38;
	[tilespmem:$0x1F590] =	vst v63  }
0x7c: {  	_ =	swait.ge [sflag:s10], $0x2800  }
0x7d: {  	[sflag:s10] =	ssyncset.done $0x0  }
0x7e: {  	[sflag:s10] =	ssyncadd.s32 $0xFFFFD800  }
0x7f: {  	_ =	swait.ge [sflag:s10], $0x1400  }
0x80: {  	[sflag:s10] =	ssyncset.done $0x0  }
0x81: {  	[sflag:s10] =	ssyncadd.s32 $0xFFFFEC00  }
0x82: {  	_ =	swait.ge [sflag:s10], $0x1400  }
0x83: {  	[sflag:s10] =	ssyncset.done $0x0  }
0x84: {  	s16 =	simm.s32 $0x18F90;
	[sflag:s10] =	ssyncadd.s32 $0xFFFFEC00  }
0x85: {  	v1 =	vld [tilespmem:s16+$0xFFFFFFF0]  }
0x86: {  	v2 =	vld [tilespmem:s16+$0xFFFFFFE0]  }
0x87: {  	v3 =	vld [tilespmem:s16+$0xFFFFFFD0]  }
0x88: {  	v4 =	vld [tilespmem:s16+$0xFFFFFFC0]  }
0x89: {  	v5 =	vld [tilespmem:s16+$0xFFFFFFB0]  }
0x8a: {  	v6 =	vld [tilespmem:s16+$0xFFFFFFA0]  }
0x8b: {  	v7 =	vld [tilespmem:s16+$0xFFFFFF90]  }
0x8c: {  	s19 =	simm.s32 $0x0;
	v8 =	vld [tilespmem:s16+$0xFFFFFF80]  }
0x8d: {  	v23 =	vld [tilespmem:s19+$0x1CB10]  }
0x8e: {  	v9 =	vld [tilespmem:s19+$0x1B710]  }
0x8f: {  	v22 =	vld [tilespmem:s19+$0x1CB20]  }
0x90: {  	v12 =	vld [tilespmem:s19+$0x1B720]  }
0x91: {  	v19 =	vld [tilespmem:s19+$0x1CB30]  }
0x92: {  	v14 =	vld [tilespmem:s19+$0x1B730]  }
0x93: {  	v21 =	vld [tilespmem:s19+$0x1CB40];
	v8 =	vadd.f32 v8, v23  }
0x94: {  	v15 =	vld [tilespmem:s19+$0x1B740]  }
0x95: {  	v13 =	vld [tilespmem:s19+$0x1CB50];
	v7 =	vadd.f32 v7, v22;
	v8 =	vmul.f32 v8, v9  }
0x96: {  	v16 =	vld [tilespmem:s19+$0x1B750]  }
0x97: {  	v11 =	vld [tilespmem:s19+$0x1CB60];
	v6 =	vadd.f32 v6, v19;
	v7 =	vmul.f32 v7, v12;
	v8 =	vadd.f32 $0.0e+00, v8  }
0x98: {  	v17 =	vld [tilespmem:s19+$0x1B760]  }
0x99: {  	v10 =	vld [tilespmem:s19+$0x1CB70];
	v5 =	vadd.f32 v5, v21;
	v6 =	vmul.f32 v6, v14;
	v7 =	vadd.f32 v7, v8  }
0x9a: {  	v24 =	vld [tilespmem:s19+$0x1CB80]  }
0x9b: {  	v18 =	vld [tilespmem:s19+$0x1B780];
	v4 =	vadd.f32 v4, v13;
	v5 =	vmul.f32 v5, v15;
	v6 =	vadd.f32 v6, v7  }
0x9c: {  	s18 =	simm.s32 $0x19090;
	v9 =	vld [tilespmem:s19+$0x1B770]  }
0x9d: {  	v25 =	vld [tilespmem:s18+$0xFFFFFFF0];
	v3 =	vadd.f32 v3, v11;
	v4 =	vmul.f32 v4, v16;
	v5 =	vadd.f32 v5, v6  }
0x9e: {  	v26 =	vld [tilespmem:s18+$0xFFFFFFD0]  }
0x9f: {  	v27 =	vld [tilespmem:s18+$0xFFFFFFB0];
	v2 =	vadd.f32 v2, v10;
	v3 =	vmul.f32 v3, v17;
	v4 =	vadd.f32 v4, v5  }
0xa0: {  	s17 =	simm.s32 $0x80;
	v20 =	vld [tilespmem:s18+$0xFFFFFF90]  }
0xa1: {  	v28 =	vld [tilespmem:s17+$0x1B760];
	v1 =	vadd.f32 v1, v24;
	v2 =	vmul.f32 v2, v9;
	v3 =	vadd.f32 v3, v4  }
0xa2: {  	v12 =	vld [tilespmem:s17+$0x1CB10]  }
0xa3: {  	v15 =	vld [tilespmem:s17+$0x1CB20];
	v1 =	vmul.f32 v1, v18;
	v2 =	vadd.f32 v2, v3  }
0xa4: {  	v5 =	vld [tilespmem:s18+$0xFFFFFF80]  }
0xa5: {  	v16 =	vld [tilespmem:s17+$0x1CB30];
	v1 =	vadd.f32 v1, v2  }
0xa6: {  	v4 =	vld [tilespmem:s17+$0x1B710]  }
0xa7: {  	v6 =	vld [tilespmem:s18+$0xFFFFFFA0];
	(xrf2) =	vadd.scan.msk.f32 $0xffff, v1  }
0xa8: {  	v3 =	vld [tilespmem:s17+$0x1B720]  }
0xa9: {  	v14 =	vld [tilespmem:s17+$0x1CB40];
	v1 =	vadd.f32 v5, v12  }
0xaa: {  	v2 =	vld [tilespmem:s17+$0x1B730]  }
0xab: {  	v17 =	vld [tilespmem:s17+$0x1CB50];
	v1 =	vmul.f32 v1, v4;
	v4 =	vadd.f32 v20, v15  }
0xac: {  	v9 =	vld [tilespmem:s17+$0x1B740]  }
0xad: {  	v7 =	vld [tilespmem:s18+$0xFFFFFFC0];
	v29 =	vadd.f32 $0.0e+00, v1;
	v3 =	vmul.f32 v4, v3;
	v4 =	vadd.f32 v6, v16  }
0xae: {  	v18 =	vld [tilespmem:s17+$0x1CB60]  }
0xaf: {  	v5 =	vld [tilespmem:s17+$0x1B750];
	v3 =	vadd.f32 v3, v29;
	v2 =	vmul.f32 v4, v2  }
0xb0: {  	v8 =	vld [tilespmem:s18+$0xFFFFFFE0];
	v4 =	vadd.f32 v27, v14  }
0xb1: {  	v20 =	vld [tilespmem:s17+$0x1CB70];
	v2 =	vadd.f32 v2, v3;
	v30, _, _ =	vpop (xrf2)  }
0xb2: {  	v6 =	vld [tilespmem:s17+$0x1B770];
	v3 =	vmul.f32 v4, v9;
	v4 =	vadd.f32 v7, v17;
	(v2sf) =	vpush v30, $0xF  }
0xb3: {  	v1 =	vld [tilespmem:s17+$0x1CB80]  }
0xb4: {  	v57 =	vld [tilespmem:s17+$0x1B780];
	v2 =	vadd.f32 v3, v2;
	v3 =	vmul.f32 v4, v5;
	v4 =	vadd.f32 v26, v18  }
0xb5: {  	v31 =	vld [tilespmem:s16+$0x10]  }
0xb6: {  	v58 =	vld [tilespmem:s16+$0x20];
	v2 =	vadd.f32 v3, v2;
	v3 =	vmul.f32 v4, v28;
	v4 =	vadd.f32 v8, v20  }
0xb7: {  	v32 =	vld [tilespmem:s16+$0x40]  }
0xb8: {  	v59 =	vld [tilespmem:s16+$0x50];
	v2 =	vadd.f32 v3, v2;
	v3 =	vmul.f32 v4, v6;
	v4 =	vadd.f32 v25, v1  }
0xb9: {  	s15 =	simm.s32 $0x19190;
	v33 =	vld [tilespmem:s16+$0x60]  }
0xba: {  	v34 =	vld [tilespmem:s15+$0xFFFFFFF0];
	v2 =	vadd.f32 v3, v2;
	v3 =	vmul.f32 v4, v57  }
0xbb: {  	v60 =	vld [tilespmem:s15+$0xFFFFFFE0]  }
0xbc: {  	v35 =	vld [tilespmem:s15+$0xFFFFFFD0];
	v2 =	vadd.f32 v3, v2  }
0xbd: {  	v36 =	vld [tilespmem:s15+$0xFFFFFFC0]  }
0xbe: {  	v37 =	vld [tilespmem:s15+$0xFFFFFFB0];
	s19 =	simm.s32 $0x100;
	(xrf2) =	vadd.scan.msk.f32 $0xffff, v2  }
0xbf: {  	v38 =	vld [tilespmem:s19+$0x1B710]  }
0xc0: {  	v39 =	vld [tilespmem:s19+$0x1B720]  }
0xc1: {  	v40 =	vld [tilespmem:s19+$0x1B730];
	s17 =	spop (v2sf)  }
0xc2: {  	v42 =	vld [tilespmem:s19+$0x1B740];
	s17 =	smul.f32 $8.838834610e-02, s17  }
0xc3: {  	v27 =	vld [tilespmem:s16+$0x0]  }
0xc4: {  	v8 =	vld [tilespmem:s19+$0x1CB10];
	v2 =	vmov s17  }
0xc5: {  	v4 =	vld [tilespmem:s15+$0xFFFFFF80];
	v6 =	vmul.f32 $1.442695020e+00, v2  }
0xc6: {  	v7 =	vld [tilespmem:s15+$0xFFFFFF90]  }
0xc7: {  	v5 =	vld [tilespmem:s19+$0x1CB20];
	v43 =	vbroadcast v6, $0x0  }
0xc8: {  	v9 =	vld [tilespmem:s15+$0xFFFFFFA0];
	v41, _, _ =	vpop (xrf2)  }
0xc9: {  	v3 =	vld [tilespmem:s19+$0x1CB30];
	(v2sf) =	vpush v41, $0xF;
	(erf) = vpow2.f32 v43  }
0xca: {  	v26 =	vld [tilespmem:s16+$0x30];
	v62 =	vadd.f32 v4, v8  }
0xcb: {  	v2 =	vld [tilespmem:s19+$0x1CB40]  }
0xcc: {  	v25 =	vld [tilespmem:s16+$0x70];
	v63 =	vadd.f32 v7, v5;
	v38 =	vmul.f32 v62, v38  }
0xcd: {  	v6 =	vld [tilespmem:s19+$0x1CB50]  }
0xce: {  	v39 =	vmul.f32 v63, v39;
	v4 =	vld [tilespmem:s19+$0x1CB60];
	v48 =	vadd.f32 v9, v3;
	v38 =	vadd.f32 $0.0e+00, v38  }
0xcf: {  	v22 =	vadd.f32 v31, v22;
	v61 =	vld [tilespmem:s19+$0x1B750];
	v23 =	vadd.f32 v27, v23  }
0xd0: {  	v7 =	vld [tilespmem:s19+$0x1CB70];
	v49 =	vmul.f32 v48, v40;
	v38 =	vadd.f32 v39, v38;
	v37 =	vadd.f32 v37, v2  }
0xd1: {  	v44 =	vld [tilespmem:s19+$0x1B760];
	v21 =	vadd.f32 v26, v21;
	v24 =	vadd.f32 v25, v24  }
0xd2: {  	v45 =	vld [tilespmem:s19+$0x1B770];
	v51 =	vadd.f32 v49, v38;
	v37 =	vmul.f32 v37, v42;
	v36 =	vadd.f32 v36, v6;
	v26 =	vpop (erf)  }
0xd3: {  	v19 =	vadd.f32 v58, v19;
	v9 =	vld [tilespmem:s19+$0x1CB80];
	v55 =	vadd.f32 v35, v4;
	v24 =	vmul.f32 v26, v24  }
0xd4: {  	v52 =	vld [tilespmem:s18+$0x20];
	s17 =	simm.s32 $0x1DF50;
	v31 =	vadd.f32 v37, v51;
	v36 =	vmul.f32 v36, v61;
	v23 =	vmul.f32 v26, v23  }
0xd5: {  	v50 =	vld [tilespmem:s19+$0x1B780];
	v28 =	vadd.f32 v59, v11;
	v29 =	vadd.f32 v60, v7;
	v11 =	vmul.f32 v26, v22;
	[tilespmem:s17+$0x30] =	vst v24  }
0xd6: {  	v53 =	vld [tilespmem:s18+$0x30];
	v22 =	vadd.f32 v36, v31;
	[tilespmem:s17+$0xFFFFFFC0] =	vst v23;
	v23 =	vmul.f32 v26, v19;
	v24 =	vmul.f32 v55, v44  }
0xd7: {  	v27 =	vld [tilespmem:s18+$0x0]  }
0xd8: {  	v25 =	vld [tilespmem:s18+$0x10];
	s19 =	spop (v2sf);
	[tilespmem:s17+$0xFFFFFFE0] =	vst v23;
	v22 =	vadd.f32 v24, v22;
	v23 =	vmul.f32 v29, v45;
	v24 =	vadd.f32 v34, v9  }
0xd9: {  	v54 =	vld [tilespmem:s18+$0x40];
	v21 =	vmul.f32 v26, v21;
	s19 =	smul.f32 $8.838834610e-02, s19  }
0xda: {  	v56 =	vld [tilespmem:s18+$0x50];
	s16 =	simm.s32 $0x19290;
	v22 =	vadd.f32 v23, v22;
	v61 =	vmul.f32 v24, v50  }
0xdb: {  	v13 =	vadd.f32 v32, v13;
	v58 =	vadd.f32 v33, v10;
	v10 =	vld [tilespmem:s16+$0xFFFFFFF0];
	[tilespmem:s17+$0xFFFFFFF0] =	vst v21;
	v21 =	vmov s19  }
0xdc: {  	v57 =	vld [tilespmem:s18+$0x60];
	v12 =	vadd.f32 v27, v12;
	v62 =	vmul.f32 $1.442695020e+00, v21;
	v27 =	vadd.f32 v61, v22  }
0xdd: {  	v15 =	vadd.f32 v25, v15;
	v25 =	vld [tilespmem:s16+$0xFFFFFFA0]  }
0xde: {  	v59 =	vmul.f32 v26, v13;
	v13 =	vld [tilespmem:s16+$0xFFFFFFD0];
	v63 =	vbroadcast v62, $0x0;
	(xrf2) =	vadd.scan.msk.f32 $0xffff, v27  }
0xdf: {  	v28 =	vmul.f32 v26, v28;
	v19 =	vld [tilespmem:s18+$0x70]  }
0xe0: {  	v60 =	vmul.f32 v26, v58;
	[tilespmem:s17+$0xFFFFFFD0] =	vst v11;
	v11 =	vld [tilespmem:s16+$0xFFFFFFE0];
	v26 =	vnsel vm0, $0x0, v26;
	(erf) = vpow2.f32 v63  }
0xe1: {  	[tilespmem:s17+$0x40] =	vst v26;
	v26 =	vld [tilespmem:s16+$0xFFFFFF90]  }
0xe2: {  	[tilespmem:s17+$0x0] =	vst v59;
	v23 =	vld [tilespmem:s16+$0xFFFFFFC0];
	v21 =	vadd.f32 v52, v16  }
0xe3: {  	[tilespmem:s17+$0x10] =	vst v28;
	v24 =	vld [tilespmem:s16+$0xFFFFFFB0];
	v16 =	vadd.f32 v54, v17;
	v17 =	vadd.f32 v56, v18  }
0xe4: {  	[tilespmem:s17+$0x20] =	vst v60;
	s18 =	simm.s32 $0x800;
	s19 =	simm.s32 $0x180;
	v18 =	vld [tilespmem:s16+$0xFFFFFF80];
	v22 =	vadd.f32 v53, v14;
	v14 =	vadd.f32 v57, v20  }
.LBB2_5:
0xe5: {  	p0 =	sne.s32 s18, $0x4E00;
	v20 =	vld [tilespmem:s19+$0x1CB10]  }
0xe6: {  	v27 =	vld [tilespmem:s19+$0x1B710]  }
0xe7: {  	v28 =	vld [tilespmem:s19+$0x1CB20]  }
0xe8: {  	v19 =	vadd.f32 v19, v1;
	v1 =	vmov v9;
	v29 =	vld [tilespmem:s19+$0x1B720];
	v30, _, _ =	vpop (xrf2)  }
0xe9: {  	v31 =	vld [tilespmem:s19+$0x1CB30];
	(v2sf) =	vpush v30, $0xF;
	v9 =	vpop (erf)  }
0xea: {  	v18 =	vadd.f32 v18, v20;
	v30 =	vld [tilespmem:s19+$0x1B730];
	v12 =	vmul.f32 v9, v12;
	v19 =	vmul.f32 v9, v19  }
0xeb: {  	s17 =	sadd.s32 $0x90, s17;
	v15 =	vmul.f32 v9, v15;
	v21 =	vmul.f32 v9, v21;
	v33 =	vnsel vm0, $0x0, v9;
	v32 =	vld [tilespmem:s19+$0x1CB40]  }
0xec: {  	v22 =	vmul.f32 v9, v22;
	v18 =	vmul.f32 v18, v27;
	v26 =	vadd.f32 v26, v28;
	v27 =	vld [tilespmem:s19+$0x1B740];
	[tilespmem:s17+$0x30] =	vst v19  }
0xed: {  	v34 =	vld [tilespmem:s19+$0x1CB50];
	[tilespmem:s17+$0xFFFFFFC0] =	vst v12;
	v12 =	vmul.f32 v9, v16;
	v16 =	vmul.f32 v9, v17  }
0xee: {  	v17 =	vadd.f32 $0.0e+00, v18;
	v18 =	vmul.f32 v26, v29;
	v19 =	vadd.f32 v25, v31;
	v25 =	vld [tilespmem:s19+$0x1B750];
	[tilespmem:s17+$0xFFFFFFD0] =	vst v15  }
0xef: {  	v14 =	vmul.f32 v9, v14;
	v26 =	vld [tilespmem:s19+$0x1CB60];
	[tilespmem:s17+$0xFFFFFFE0] =	vst v21  }
0xf0: {  	v9 =	vadd.f32 v18, v17;
	v15 =	vmul.f32 v19, v30;
	v17 =	vadd.f32 v24, v32;
	v18 =	vld [tilespmem:s19+$0x1B760];
	[tilespmem:s17+$0xFFFFFFF0] =	vst v22  }
0xf1: {  	v24 =	vld [tilespmem:s19+$0x1CB70];
	[tilespmem:s17+$0x0] =	vst v12  }
0xf2: {  	v12 =	vadd.f32 v15, v9;
	v15 =	vmul.f32 v17, v27;
	v17 =	vadd.f32 v23, v34;
	v19 =	vld [tilespmem:s19+$0x1B770];
	[tilespmem:s17+$0x10] =	vst v16  }
0xf3: {  	v9 =	vld [tilespmem:s19+$0x1CB80];
	[tilespmem:s17+$0x20] =	vst v14  }
0xf4: {  	v12 =	vadd.f32 v15, v12;
	v14 =	vmul.f32 v17, v25;
	v13 =	vadd.f32 v13, v26;
	v15 =	vld [tilespmem:s15+$0x0];
	[tilespmem:s17+$0x40] =	vst v33  }
0xf5: {  	v16 =	vld [tilespmem:s19+$0x1B780]  }
0xf6: {  	v12 =	vadd.f32 v14, v12;
	v13 =	vmul.f32 v13, v18;
	v11 =	vadd.f32 v11, v24;
	v14 =	vld [tilespmem:s15+$0x10]  }
0xf7: {  	v17 =	vld [tilespmem:s15+$0x20]  }
0xf8: {  	v13 =	vadd.f32 v13, v12;
	v11 =	vmul.f32 v11, v19;
	v10 =	vadd.f32 v10, v9;
	v18 =	vld [tilespmem:s15+$0x30];
	s19 =	spop (v2sf)  }
0xf9: {  	v12 =	vadd.f32 v15, v8;
	v23 =	vld [tilespmem:s15+$0x40];
	s19 =	smul.f32 $8.838834610e-02, s19;
	v8 =	vmov v20  }
0xfa: {  	v11 =	vadd.f32 v11, v13;
	v10 =	vmul.f32 v10, v16;
	v20 =	vld [tilespmem:s15+$0x50]  }
0xfb: {  	v15 =	vadd.f32 v14, v5;
	v14 =	vld [tilespmem:s15+$0x60];
	v13 =	vmov s19;
	v5 =	vmov v28  }
0xfc: {  	v16 =	vadd.f32 v10, v11;
	v21 =	vadd.f32 v17, v3;
	v19 =	vld [tilespmem:s15+$0x70];
	v13 =	vmul.f32 $1.442695020e+00, v13;
	v3 =	vmovc v31;
	s15 =	smov.u32 s16;
	s16 =	sadd.s32 $0x100, s16  }
0xfd: {  	v10 =	vld [tilespmem:s16+$0xFFFFFFF0];
	v22 =	vadd.f32 v18, v2;
	v2 =	vmov v32  }
0xfe: {  	v11 =	vld [tilespmem:s16+$0xFFFFFFE0];
	(xrf2) =	vadd.scan.msk.f32 $0xffff, v16;
	v16 =	vadd.f32 v23, v6;
	v18 =	vbroadcast v13, $0x0;
	v6 =	vmov v34  }
0xff: {  	v13 =	vld [tilespmem:s16+$0xFFFFFFD0];
	v17 =	vadd.f32 v20, v4;
	v4 =	vmov v26  }
.Ltmp1:
0x100: {  	v23 =	vld [tilespmem:s16+$0xFFFFFFC0];
	v14 =	vadd.f32 v14, v7;
	(erf) = vpow2.f32 v18;
	v7 =	vmov v24;
	(pc) =	sbr.rel @p0 .LBB2_5-.Ltmp1, $4  }
0x101: {  	v24 =	vld [tilespmem:s16+$0xFFFFFFB0]  }
0x102: {  	v25 =	vld [tilespmem:s16+$0xFFFFFFA0]  }
0x103: {  	v26 =	vld [tilespmem:s16+$0xFFFFFF90]  }
0x104: {  	s19 =	sshra.s32 s18, $0x2;
	s18 =	sadd.s32 $0x200, s18;
	v18 =	vld [tilespmem:s16+$0xFFFFFF80]  }
0x105: {  	v20 =	vld [tilespmem:s19+$0x1CB10]  }
0x106: {  	v27 =	vld [tilespmem:s19+$0x1B710]  }
0x107: {  	v28 =	vld [tilespmem:s19+$0x1CB20]  }
0x108: {  	v29 =	vld [tilespmem:s19+$0x1B720]  }
0x109: {  	v30 =	vld [tilespmem:s19+$0x1CB30]  }
0x10a: {  	v31 =	vld [tilespmem:s19+$0x1B730];
	v18 =	vadd.f32 v18, v20  }
0x10b: {  	v32 =	vld [tilespmem:s19+$0x1CB40]  }
0x10c: {  	v60 =	vld [tilespmem:s19+$0x1B740];
	v26 =	vadd.f32 v26, v28;
	v18 =	vmul.f32 v18, v27  }
0x10d: {  	v33 =	vld [tilespmem:s19+$0x1CB50]  }
0x10e: {  	v61 =	vld [tilespmem:s19+$0x1B750];
	v25 =	vadd.f32 v25, v30;
	v26 =	vmul.f32 v26, v29;
	v18 =	vadd.f32 $0.0e+00, v18  }
0x10f: {  	v34 =	vld [tilespmem:s19+$0x1CB60]  }
0x110: {  	v62 =	vld [tilespmem:s19+$0x1B760];
	v24 =	vadd.f32 v24, v32;
	v25 =	vmul.f32 v25, v31;
	v18 =	vadd.f32 v26, v18  }
0x111: {  	v63 =	vld [tilespmem:s19+$0x1CB70]  }
0x112: {  	v35 =	vld [tilespmem:s19+$0x1B770];
	v23 =	vadd.f32 v23, v33;
	v24 =	vmul.f32 v24, v60;
	v18 =	vadd.f32 v25, v18  }
0x113: {  	v36 =	vld [tilespmem:s19+$0x1CB80]  }
0x114: {  	v13 =	vadd.f32 v13, v34;
	v23 =	vmul.f32 v23, v61;
	v18 =	vadd.f32 v24, v18  }
0x115: {  	v37 =	vld [tilespmem:s19+$0x1B780]  }
0x116: {  	v11 =	vadd.f32 v11, v63;
	v13 =	vmul.f32 v13, v62;
	v18 =	vadd.f32 v23, v18;
	_ =	sdelay $0x1  }
0x117: {  	v10 =	vadd.f32 v10, v36;
	v11 =	vmul.f32 v11, v35;
	v13 =	vadd.f32 v13, v18;
	_ =	sdelay $0x1  }
0x118: {  	v10 =	vmul.f32 v10, v37;
	v11 =	vadd.f32 v11, v13;
	_ =	sdelay $0x1  }
0x119: {  	v10 =	vadd.f32 v10, v11;
	_ =	sdelay $0x1  }
0x11a: {  	(xrf2) =	vadd.scan.msk.f32 $0xffff, v10  }
0x11b: {  	v38, _, _ =	vpop (xrf2)  }
0x11c: {  	(v2sf) =	vpush v38, $0xF;
	_ =	sdelay $0x7  }
0x11d: {  	v39, _, _ =	vpop (xrf2)  }
0x11e: {  	(v2sf) =	vpush v39, $0xF;
	_ =	sdelay $0x5  }
0x11f: {  	s18 =	spop (v2sf)  }
0x120: {  	s18 =	smul.f32 $8.838834610e-02, s18;
	_ =	sdelay $0x1  }
0x121: {  	v40 =	vmov s18  }
0x122: {  	v10 =	vmul.f32 $1.442695020e+00, v40;
	_ =	sdelay $0x1  }
0x123: {  	v10 =	vbroadcast v10, $0x0  }
0x124: {  	v1 =	vadd.f32 v19, v1  }
0x125: {  	v41 =	vpop (erf);
	(erf) = vpow2.f32 v10  }
0x126: {  	v1 =	vmul.f32 v41, v1;
	s19 =	spop (v2sf)  }
0x127: {  	s17 =	sadd.s32 $0x90, s17;
	v42 =	vmul.f32 v41, v12;
	s18 =	smul.f32 $8.838834610e-02, s19  }
0x128: {  	v43 =	vmul.f32 v41, v15;
	[tilespmem:s17+$0x30] =	vst v1;
	v1 =	vld [tilespmem:s15+$0x70]  }
0x129: {  	v45 =	vld [tilespmem:s15+$0x0];
	v44 =	vmul.f32 v41, v21;
	[tilespmem:s17+$0xFFFFFFC0] =	vst v42;
	v46 =	vmov s18  }
0x12a: {  	v48 =	vld [tilespmem:s15+$0x10];
	v47 =	vmul.f32 v41, v22;
	[tilespmem:s17+$0xFFFFFFD0] =	vst v43;
	v15 =	vmul.f32 $1.442695020e+00, v46  }
0x12b: {  	v49 =	vld [tilespmem:s15+$0x20];
	v16 =	vmul.f32 v41, v16;
	[tilespmem:s17+$0xFFFFFFE0] =	vst v44  }
0x12c: {  	v50 =	vld [tilespmem:s15+$0x30];
	v17 =	vmul.f32 v41, v17;
	[tilespmem:s17+$0xFFFFFFF0] =	vst v47;
	v15 =	vbroadcast v15, $0x0  }
0x12d: {  	v51 =	vld [tilespmem:s15+$0x40];
	v14 =	vmul.f32 v41, v14;
	[tilespmem:s17+$0x0] =	vst v16;
	v1 =	vadd.f32 v1, v9  }
0x12e: {  	v52 =	vld [tilespmem:s15+$0x50];
	v8 =	vadd.f32 v45, v8;
	[tilespmem:s17+$0x10] =	vst v17;
	v53 =	vpop (erf);
	(erf) = vpow2.f32 v15  }
0x12f: {  	v54 =	vld [tilespmem:s15+$0x60];
	v5 =	vadd.f32 v48, v5;
	[tilespmem:s17+$0x20] =	vst v14;
	v11 =	vnsel vm0, $0x0, v41;
	v1 =	vmul.f32 v53, v1  }
0x130: {  	v3 =	vadd.f32 v49, v3;
	[tilespmem:s17+$0x40] =	vst v11;
	v8 =	vmul.f32 v53, v8;
	s19 =	sadd.s32 $0x90, s17  }
0x131: {  	v2 =	vadd.f32 v50, v2;
	v5 =	vmul.f32 v53, v5;
	[tilespmem:s19+$0x30] =	vst v1;
	v1 =	vld [tilespmem:s16+$0x70]  }
0x132: {  	v55 =	vld [tilespmem:s16+$0x0];
	v6 =	vadd.f32 v51, v6;
	v3 =	vmul.f32 v53, v3;
	[tilespmem:s19+$0xFFFFFFC0] =	vst v8  }
0x133: {  	v56 =	vld [tilespmem:s16+$0x10];
	v4 =	vadd.f32 v52, v4;
	v2 =	vmul.f32 v53, v2;
	[tilespmem:s19+$0xFFFFFFD0] =	vst v5  }
0x134: {  	v7 =	vadd.f32 v54, v7;
	v6 =	vmul.f32 v53, v6;
	[tilespmem:s19+$0xFFFFFFE0] =	vst v3;
	v3 =	vld [tilespmem:s16+$0x20]  }
0x135: {  	v4 =	vmul.f32 v53, v4;
	[tilespmem:s19+$0xFFFFFFF0] =	vst v2;
	v2 =	vld [tilespmem:s16+$0x30]  }
0x136: {  	v59 =	vld [tilespmem:s16+$0x50];
	v7 =	vmul.f32 v53, v7;
	[tilespmem:s19+$0x0] =	vst v6;
	v1 =	vadd.f32 v1, v36  }
0x137: {  	v58 =	vadd.f32 v55, v20;
	v61 =	vld [tilespmem:s16+$0x60];
	[tilespmem:s19+$0x10] =	vst v4;
	v60 =	vpop (erf)  }
0x138: {  	v57 =	vld [tilespmem:s16+$0x40];
	v10 =	vnsel vm0, $0x0, v53;
	[tilespmem:s19+$0x20] =	vst v7;
	v5 =	vadd.f32 v56, v28;
	v1 =	vmul.f32 v60, v1  }
0x139: {  	[tilespmem:s19+$0x40] =	vst v10;
	s15 =	sadd.s32 $0x90, s19;
	v3 =	vadd.f32 v3, v30;
	v4 =	vmul.f32 v60, v58  }
0x13a: {  	v2 =	vadd.f32 v2, v32;
	v5 =	vmul.f32 v60, v5;
	[tilespmem:s15+$0x30] =	vst v1  }
0x13b: {  	v62 =	vadd.f32 v59, v34;
	v3 =	vmul.f32 v60, v3;
	[tilespmem:s15+$0xFFFFFFC0] =	vst v4  }
0x13c: {  	v63 =	vadd.f32 v61, v63;
	v2 =	vmul.f32 v60, v2;
	[tilespmem:s15+$0xFFFFFFD0] =	vst v5  }
0x13d: {  	v1 =	vadd.f32 v57, v33;
	[tilespmem:s15+$0xFFFFFFE0] =	vst v3;
	v3 =	vmul.f32 v60, v62  }
0x13e: {  	[tilespmem:s15+$0xFFFFFFF0] =	vst v2;
	v2 =	vmul.f32 v60, v63  }
0x13f: {  	v1 =	vmul.f32 v60, v1;
	[tilespmem:s15+$0x10] =	vst v3  }
0x140: {  	s13 =	sadd.s32 $0x1, s13;
	[tilespmem:s15+$0x20] =	vst v2  }
0x141: {  	p0 =	sne.s32 s13, $0x7D;
	[tilespmem:s15+$0x0] =	vst v1;
	v1 =	vnsel vm0, $0x0, v60  }
.Ltmp2:
0x142: {  	[tilespmem:s15+$0x40] =	vst v1;
	(pc) =	sbr.rel @p0 .LBB2_4-.Ltmp2, $4  }
0x143: {  	[spmem:s2] =	stream.indirect.scatter.add.f32 [tilespmem:s30], [sflag:$0x2], $0x90, s14, s1, $0xb8;
	[tilespmem:$0x1F590] =	vst v63  }
0x144: {  	_ =	swait.ge [sflag:s31], $0x1680  }
0x145: {  	[sflag:s31] =	ssyncset.done $0x0  }
0x146: {  	[sflag:s31] =	ssyncadd.s32 $0xFFFFE980  }
0x147: {  	s12 =	stileid.u32  }
0x148: {  	[bflag:$0x0] =	sbarrier.arrive $0xFFFF;
	s12 =	sshll.u32 s12, $0x6  }
0x149: {  	s13 =	rddreg [dreg:$0x5];
	s12 =	sor.u32 $0x1C02, s12  }
0x14a: {  	[hbm:s13], [sflag:s12] =	dma.local [spmem:s25], $0x2D00  }
0x14b: {  	_ =	swait.ge [sflag:s31], $0x2D00  }
0x14c: {  	s4 =	sadd.s32 $0x1, s4;
	s19 =	rddreg [dreg:$0x6]  }
0x14d: {  	p0 =	sne.s32 s4, s19  }
.Ltmp3:
0x14e: {  	_ = 	snop;
	(pc) =	sbr.rel @p0 .LBB2_1-.Ltmp3, $3  }
0x14f: {  	_ =	sdelay $0x1  }
0x150: {  	[sflag:s31] =	ssyncset.done $0x0  }
0x151: {  	[sflag:s31] =	ssyncadd.s32 $0xFFFFD300  }
0x152: {  	_ =	sfence.sel $0x180000  }
0x153: {  	[bflag:$0x0] =	sbarrier.arrive $0xFFFF  }
0x154: {  	_ =	strace $0x9000004A  }
0x155: {  	s0 =	stileid.u32;
	[bflag:$0x2] =	sbarrier.arrive $0xFFFF  }
0x156: {  	p0 =	sne.s32 s0, $0x0;
	s0 =	rddreg [dreg:$0x2]  }
0x157: {  	s0 =	sadd.s32 @!p0 $0x100000, s0  }
0x158: {  	[sflag:s0] =	ssyncadd.tile.s32 @!p0 $0x1;
	_ =	shalt  }
.Lfunc_end2:
_tile_overlayer_lowered:
.L_overlay_start_2:
0x159: {  	(tag) =	ssettag $0x2  }
0x15a: {  	s0 =	rddreg [dreg:$0x0];
	s2 =	stileid.u32  }
0x15b: {  	s1 =	rddreg [dreg:$0x1];
	p0 =	sne.s32 s2, $0x0  }
0x15c: {  	s3 =	rddreg [dreg:$0x2];
	[bflag:$0x3] =	sbarrier.arrive $0xFFFF;
	s2 =	simm.s32 @!p0 $0x1C02  }
0x15d: {  	[timem:s3], [sflag:s2] =	dma.local @!p0 [hbm:s0], s1  }
0x15e: {  	s0 =	simm.s32 @!p0 $0x2  }
0x15f: {  	_ =	swait.ge @!p0 [sflag:s0], s1  }
0x160: {  	s1 =	ssub.s32 @!p0 $0x0, s1;
	[sflag:s0] =	ssyncset.done @!p0 $0x0  }
0x161: {  	[sflag:s0] =	ssyncadd.s32 @!p0 s1  }
0x162: {  	[bflag:$0x3] =	sbarrier.arrive $0xFFFF  }
0x163: {  	_ =	shalt  }

// kernel: kernel.8.cloned.1.call-start
scs
__scs_entry_jumppad:
0x0: {  	(pc) =	sbr.rel $0x88, $3  }
0x1: {  	(tag) =	ssettag $0x0;
	lr =	simm.s32 $0x1  }
0x2: {  	[smem:$0x3F8A] =	sst lr;
	_ =	strace $0xD0000000  }
0x3: {  	_ = 	snop  }
0x4: {  	_ = 	snop  }
0x5: {  	_ = 	snop  }
0x6: {  	_ = 	snop  }
0x7: {  	_ = 	snop  }
__scs_overlays_trampoline_lowered:
0x8: {  	[smem:$0x3F99] =	sst s0  }
0x9: {  	[smem:$0x3F9A] =	sst s1  }
0xa: {  	[smem:$0x3F9B] =	sst s2  }
0xb: {  	[smem:$0x3F9C] =	sst s3  }
0xc: {  	[smem:$0x3F9D] =	sst s4  }
0xd: {  	[smem:$0x3F9E] =	sst s5  }
0xe: {  	[smem:$0x3F9F] =	sst s6  }
0xf: {  	[smem:$0x3FA0] =	sst s7  }
0x10: {  	[smem:$0x3FA1] =	sst s8  }
0x11: {  	[smem:$0x3FA2] =	sst s9;
	s0 =	simm.s32 @!p0 $0x0  }
0x12: {  	s1 =	sld [smem:$0x3F88];
	s0 =	simm.s32 @p0 $0x1  }
0x13: {  	[smem:$0x3FA3] =	sst s0;
	s0 =	simm.s32 @!p1 $0x0  }
0x14: {  	s2 =	sld [smem:$0x3F87];
	s0 =	simm.s32 @p1 $0x1  }
0x15: {  	[smem:$0x3FA4] =	sst s0;
	s0 =	simm.s32 @!p2 $0x0  }
0x16: {  	s3 =	sld [smem:$0x3FDB];
	s0 =	simm.s32 @p2 $0x1  }
0x17: {  	s4 =	simm.s32 $0x1BF5;
	[smem:$0x3FA6] =	sst s0  }
0x18: {  	s0 =	sld [smem:$0x3F89];
	_ =	swait.ge [sflag:s4], $0x0  }
0x19: {  	s7 =	sld [smem:$0x3F8A]  }
0x1a: {  	s8 =	sadd.s32 $0xFFFFE003, lr  }
0x1b: {  	s9 =	sadd.s32 $0xFFFFFEF7, lr;
	s5 =	simm.s32 $0xFFFFFFFF;
	p2 =	slt.u32 s8, $0xFFFFF086  }
0x1c: {  	p1 =	slt.u32 s9, $0xF7A;
	s5 =	simm.s32 @!p2 $0x0  }
0x1d: {  	s5 =	simm.s32 @p1 $0x1;
	p0 =	seq.s32 s7, s2  }
0x1e: {  	s7 =	smul.u32 @!p0 $0xF7A, s2;
	p2 =	seq.s32 @!p0 s5, $0x0  }
0x1f: {  	s9 =	smul.u32 $0xF7A, s1;
	s8 =	simm.s32 @!p0 $0x1BF5;
	p2 =	por !p2, p0  }
0x20: {  	[sflag:s8] =	ssyncset.s32 @!p0 $0xFFFFF086;
	s6 =	sadd.s32 @!p0 s3, s7;
	s7 =	simm.s32 @!p0 $0x108  }
0x21: {  	s3 =	sadd.s32 s3, s9;
	s6 =	sadd.s32 @!p0 $0x88, s6;
	s7 =	simm.s32 @p2 $0x1082  }
0x22: {  	[simem:s7], [sflag:s8] =	dma.local @!p0 [hbm:s6], $0xF7A  }
0x23: {  	s9 =	sor.u32 $0xD0000000, s2;
	s6 =	simm.s32 $0x108;
	_ =	swait.ge @!p0 [sflag:s8], $0x0  }
0x24: {  	s3 =	sadd.s32 $0x88, s3;
	s6 =	simm.s32 @!p1 $0x1082;
	[sflag:s4] =	ssyncset.s32 $0xFFFFF086  }
0x25: {  	[simem:s6], [sflag:s4] =	dma.local [hbm:s3], $0xF7A  }
0x26: {  	[smem:$0x3F8A] =	sst s1;
	(tag) =	ssettag s2;
	_ =	strace s9  }
0x27: {  	s1 =	sld [smem:$0x3F9A]  }
0x28: {  	s2 =	sld [smem:$0x3F9B]  }
0x29: {  	s4 =	sld [smem:$0x3F9D]  }
0x2a: {  	p0 =	seq.s32 s5, $0x0;
	s5 =	sld [smem:$0x3F9E]  }
0x2b: {  	s6 =	sld [smem:$0x3F9F]  }
0x2c: {  	s7 =	sld [smem:$0x3FA0]  }
0x2d: {  	s3 =	simm.s32 $0x108;
	s8 =	sld [smem:$0x3FA1]  }
0x2e: {  	s3 =	simm.s32 @!p0 $0x1082;
	s9 =	sld [smem:$0x3FA2]  }
0x2f: {  	lr =	sadd.s32 s0, s3;
	s0 =	sld [smem:$0x3F99]  }
0x30: {  	s3 =	sld [smem:$0x3F9C]  }
0x31: {  	[smem:$0x3FA5] =	sst s10  }
0x32: {  	s10 =	sld [smem:$0x3FA3];
	_ =	sdelay $0x3  }
0x33: {  	p0 =	seq.s32 s10, $0x1;
	s10 =	sld [smem:$0x3FA5];
	_ =	sdelay $0x3  }
0x34: {  	[smem:$0x3FA5] =	sst s10  }
0x35: {  	s10 =	sld [smem:$0x3FA4];
	_ =	sdelay $0x3  }
0x36: {  	p1 =	seq.s32 s10, $0x1;
	s10 =	sld [smem:$0x3FA5];
	_ =	sdelay $0x3  }
0x37: {  	[smem:$0x3FA5] =	sst s10  }
0x38: {  	s10 =	sld [smem:$0x3FA6]  }
0x39: {  	_ = 	snop;
	(pc) =	sbr.ind lr, $3  }
0x3a: {  	_ = 	snop  }
0x3b: {  	_ = 	snop  }
0x3c: {  	p2 =	seq.s32 s10, $0x1;
	s10 =	sld [smem:$0x3FA5]  }
0x3d: {  	_ =	shalt  }
0x3e: {  	_ =	shalt  }
0x3f: {  	_ =	shalt  }
0x40: {  	_ =	shalt  }
0x41: {  	_ =	shalt  }
0x42: {  	_ =	shalt  }
0x43: {  	_ =	shalt  }
0x44: {  	_ =	shalt  }
0x45: {  	_ =	shalt  }
0x46: {  	_ =	shalt  }
0x47: {  	_ =	shalt  }
0x48: {  	_ =	shalt  }
0x49: {  	_ =	shalt  }
0x4a: {  	_ =	shalt  }
0x4b: {  	_ =	shalt  }
0x4c: {  	_ =	shalt  }
0x4d: {  	_ =	shalt  }
0x4e: {  	_ =	shalt  }
0x4f: {  	_ =	shalt  }
0x50: {  	_ =	shalt  }
0x51: {  	_ =	shalt  }
0x52: {  	_ =	shalt  }
0x53: {  	_ =	shalt  }
0x54: {  	_ =	shalt  }
0x55: {  	_ =	shalt  }
0x56: {  	_ =	shalt  }
0x57: {  	_ =	shalt  }
0x58: {  	_ =	shalt  }
0x59: {  	_ =	shalt  }
0x5a: {  	_ =	shalt  }
0x5b: {  	_ =	shalt  }
0x5c: {  	_ =	shalt  }
0x5d: {  	_ =	shalt  }
0x5e: {  	_ =	shalt  }
0x5f: {  	_ =	shalt  }
0x60: {  	_ =	shalt  }
0x61: {  	_ =	shalt  }
0x62: {  	_ =	shalt  }
0x63: {  	_ =	shalt  }
0x64: {  	_ =	shalt  }
0x65: {  	_ =	shalt  }
0x66: {  	_ =	shalt  }
0x67: {  	_ =	shalt  }
0x68: {  	_ =	shalt  }
0x69: {  	_ =	shalt  }
0x6a: {  	_ =	shalt  }
0x6b: {  	_ =	shalt  }
0x6c: {  	_ =	shalt  }
0x6d: {  	_ =	shalt  }
0x6e: {  	_ =	shalt  }
0x6f: {  	_ =	shalt  }
0x70: {  	_ =	shalt  }
0x71: {  	_ =	shalt  }
0x72: {  	_ =	shalt  }
0x73: {  	_ =	shalt  }
0x74: {  	_ =	shalt  }
0x75: {  	_ =	shalt  }
0x76: {  	_ =	shalt  }
0x77: {  	_ =	shalt  }
0x78: {  	_ =	shalt  }
0x79: {  	_ =	shalt  }
0x7a: {  	_ =	shalt  }
0x7b: {  	_ =	shalt  }
0x7c: {  	_ =	shalt  }
0x7d: {  	_ =	shalt  }
0x7e: {  	_ =	shalt  }
0x7f: {  	_ =	shalt  }
0x80: {  	_ =	shalt  }
0x81: {  	_ =	shalt  }
0x82: {  	_ =	shalt  }
0x83: {  	_ =	shalt  }
0x84: {  	_ =	shalt  }
0x85: {  	_ =	shalt  }
0x86: {  	_ =	shalt  }
0x87: {  	_ =	shalt  }
.Lfunc_end0:
.L_simem_size_0:
called_computation_lowered:
.L_overlay_start_0:
0x88: {  	s2 =	sld [smem:$0x3FD9]  }
0x89: {  	s3 =	sld [smem:$0x3FFE];
	_ =	sdelay $0x1  }
0x8a: {  	s1 =	srdreg.scid  }
0x8b: {  	s0 =	sand.u32 $0x1, s1  }
0x8c: {  	s16 =	sshll.u32 s0, $0xA;
	s2 =	sadd.s32 s3, s2  }
0x8d: {  	s2 =	sadd.s32 s2, s16  }
0x8e: {  	[smem:$0x3FB1] =	sst s2  }
0x8f: {  	_ = 	snop  }
0x90: {  	(tm) =	ssettm $0x1  }
0x91: {  	s17 =	sld [smem:$0x3FFB];
	_ =	sdelay $0x3  }
0x92: {  	_ =	strace s17  }
0x93: {  	s2 =	sld [smem:$0x3FFC];
	_ =	sdelay $0x3  }
0x94: {  	_ =	strace s2  }
0x95: {  	s2 =	sld [smem:$0x3FFD];
	_ =	sdelay $0x3  }
0x96: {  	_ =	strace s2  }
0x97: {  	_ =	strace $0x8FFFFFFF  }
0x98: {  	s18 =	sld [smem:$0x3FDB];
	_ =	sdelay $0x1  }
0x99: {  	s19 =	simm.s32 $_scs_section_size  }
0x9a: {  	s4 =	simm.s32 $_size__tile_overlayer_lowered;
	s5 =	simm.s32 $_tile_overlayer_lowered  }
0x9b: {  	s22 =	simm.s32 $0x1BFF;
	s21 =	sshll.u32 s5, $0x1;
	s2 =	sadd.s32 s19, s18  }
0x9c: {  	s6 =	simm.s32 $0x0;
	s20 =	sshll.u32 s4, $0x1;
	s4 =	sadd.s32 s21, s2  }
0x9d: {  	[timem:s6], [sflag:s22] =	dma.local [hbm:s4], s20  }
0x9e: {  	_ =	swait.ge [sflag:s22], s20  }
0x9f: {  	s3 =	ssub.s32 $0x0, s20;
	[sflag:s22] =	ssyncset.done $0x0  }
0xa0: {  	[sflag:s22] =	ssyncadd.s32 s3;
	_ =	sdelay $0x1  }
0xa1: {  	s23 =	simm.s32 $0x1B8B  }
0xa2: {  	_ =	swait.ge [sflag:s23], $0x1  }
0xa3: {  	[sflag:s23] =	ssyncset.done $0x0  }
0xa4: {  	s25 =	simm.s32 $0x1B8E;
	s24 =	sld [smem:$0x3FFE];
	[sflag:s23] =	ssyncadd.s32 $0xFFFFFFFF  }
0xa5: {  	s26 =	simm.s32 $execute0_lowered;
	[smem:$0x3FD2] =	sst s25  }
0xa6: {  	s4 =	sshll.u32 s26, $0x1;
	_ =	strace $0x80000046;
	[dreg:$0x1] =	wrdreg $0xFFFFFFFF  }
0xa7: {  	s28 =	simm.s32 $_size_execute0_lowered;
	s2 =	sadd.s32 s2, s4;
	[dreg:$0x0] =	wrdreg $0x0  }
0xa8: {  	s4 =	sshll.u32 s28, $0x1;
	[dreg:$0x2] =	wrdreg s2  }
0xa9: {  	[dreg:$0x3] =	wrdreg s4  }
0xaa: {  	[dreg:$0x4] =	wrdreg $0xC0  }
0xab: {  	_ =	task [dreg:s6], $0x5FFFF  }
0xac: {  	[dreg:$0x1] =	wrdreg $0xFFFFFFFF  }
0xad: {  	[dreg:$0x0] =	wrdreg $0x60  }
0xae: {  	[dreg:$0x2] =	wrdreg s24  }
0xaf: {  	[dreg:$0x3] =	wrdreg $0x0  }
0xb0: {  	[dreg:$0x4] =	wrdreg $0x9  }
0xb1: {  	_ =	task.clear_ibuf [dreg:s6], $0x5FFFF;
	_ =	strace $0x90000046  }
0xb2: {  	s29 =	simm.s32 $0x9;
	_ =	strace $0x80000048  }
0xb3: {  	_ =	swait.ge [sflag:s29], $0x1  }
0xb4: {  	[sflag:s29] =	ssyncadd.s32 $0xFFFFFFFF  }
0xb5: {  	_ =	strace $0x90000048  }
0xb6: {  	_ =	sfence  }
0xb7: {  	s30 =	sld [smem:$0x0];
	_ =	sdelay $0x2  }
0xb8: {  	s31 =	sshll.u32 s1, $0xD;
	s1 =	sshrl.u32 s1, $0x2  }
0xb9: {  	s3 =	sand.u32 $0x4000, s31;
	s1 =	sadd.s32 s1, s30  }
0xba: {  	s0 =	sor.u32 s3, s0;
	s1 =	sshll.u32 s1, $0x11  }
0xbb: {  	s0 =	sor.u32 s1, s0  }
0xbc: {  	s0 =	sadd.s32 $0x8F2B, s0  }
0xbd: {  	[sflag:s0] =	ssyncadd.remote.s32 $0x1  }
0xbe: {  	_ =	sfence.sel $0xFFFF  }
0xbf: {  	[dreg:$0x0] =	wrdreg $0xFFFFFFFF;
	(pc) =	sbr.abs _section_cstart, $3  }
0xc0: {  	[dreg:$0x1] =	wrdreg $0xFFFFFFFF  }
0xc1: {  	_ =	task.clear_ibuf [dreg:s6], $0x2FFFF;
	_ =	strace $0x9FFFFFFF  }
0xc2: {  	(tm) =	ssettm $0x7FFFFFFF  }
0xc3: {  	_ =	shalt  }
tec
execute0_lowered:
.L_overlay_start_1:
0x0: {  	(tag) =	ssettag $0x1  }
0x1: {  	s0 =	srdreg.scid  }
0x2: {  	s11 =	stileid.u32;
	s8 =	rddreg [dreg:$0x0]  }
0x3: {  	s2 =	rddreg [dreg:$0x1];
	s4 =	simm.s32 $0x0;
	s30 =	simm.s32 $0x1DF10  }
0x4: {  	s31 =	simm.s32 $0x2;
	s0 =	sand.u32 $0x1, s0;
	[smem:$0x7FF] =	sst s4  }
0x5: {  	s9 =	smul.u32 $0x16800, s11;
	s5 =	sadd.s32 $0x4C00, s8;
	s6 =	sadd.s32 $0xA1200, s8  }
0x6: {  	s7 =	sadd.s32 $0x81B400, s8;
	s1 =	sshll.u32 s0, $0x4;
	s15 =	smul.u32 $0x168000, s0  }
0x7: {  	_ =	strace $0x80000047;
	s0 =	ssub.s32 $0x2, s0;
	s1 =	sor.u32 s11, s1  }
0x8: {  	s11 =	smul.u32 $0x5A000, s11;
	s16 =	sshrl.u32 s0, $0x1;
	s19 =	sadd.s32 s9, s2  }
0x9: {  	s3 =	smul.u32 $0x1388, s1;
	s1 =	sadd.s32 s9, s15;
	s0 =	ssub.s32 s0, s16  }
0xa: {  	s9 =	simm.s32 $0x1CB10;
	s1 =	sshrl.u32 s1, $0x3;
	s18 =	sshrl.u32 s11, $0x2  }
0xb: {  	s0 =	smax.u32 s0, $0x1;
	s10 =	sshrl.u32 s3, $0x3;
	s1 =	sadd.s32 s1, s8  }
0xc: {  	s11 =	sadd.s32 s18, s2;
	[dreg:$0x6] =	wrdreg s0;
	s1 =	sadd.s32 $0xC8400, s1  }
0xd: {  	s0 =	simm.s32 $0x18F10;
	s20 =	sadd.s32 $0x1680, s11;
	[dreg:$0x5] =	wrdreg s1  }
0xe: {  	s10 =	sadd.s32 s10, s8;
	s21 =	sadd.s32 $0x2D00, s11;
	[dreg:$0x7] =	wrdreg s20  }
0xf: {  	s22 =	sadd.s32 $0x4380, s11;
	s23 =	sadd.s32 $0x5A00, s11;
	[dreg:$0x8] =	wrdreg s21  }
0x10: {  	s24 =	sadd.s32 $0x7080, s11;
	s25 =	sadd.s32 $0x8700, s11;
	[dreg:$0x9] =	wrdreg s22  }
0x11: {  	s26 =	sadd.s32 $0x9D80, s11;
	s28 =	sadd.s32 $0x13B00, s11;
	[dreg:$0xa] =	wrdreg s23  }
0x12: {  	s29 =	sadd.s32 $0x15180, s11;
	s8 =	simm.s32 $0x1B710;
	[dreg:$0xb] =	wrdreg s24  }
0x13: {  	s17 =	sadd.s32 $0x57E00, s10;
	s10 =	sadd.s32 $0x52E00, s10;
	[dreg:$0xc] =	wrdreg s25  }
0x14: {  	[dreg:$0xd] =	wrdreg s26;
	s20 =	sadd.s32 $0xB400, s11;
	s21 =	sadd.s32 $0xCA80, s11  }
0x15: {  	s22 =	sadd.s32 $0xE100, s11;
	s23 =	sadd.s32 $0xF780, s11;
	s24 =	sadd.s32 $0x10E00, s11  }
0x16: {  	s25 =	sshrl.u32 s19, $0x3;
	s26 =	sadd.s32 $0x12480, s11;
	[dreg:$0x3] =	wrdreg s17  }
0x17: {  	v0 =	vimm.f32 $0.0e+00;
	vm0 =	vmmov $0x1;
	s1 =	simm.s32 $0x28;
	[dreg:$0x4] =	wrdreg s10;
	s10 =	simm.s32 $0x1  }
.LBB2_1:
0x18: {  	s12 =	simm.s32 $0x0;
	s13 =	simm.s32 $0x240  }
.LBB2_2:
0x19: {  	p0 =	sne.s32 s13, $0x57C0;
	[tilespmem:s12+$0x1DF90] =	vst v0  }
0x1a: {  	[tilespmem:s12+$0x1DF10] =	vst v0  }
0x1b: {  	[tilespmem:s12+$0x1DF20] =	vst v0  }
0x1c: {  	[tilespmem:s12+$0x1DF30] =	vst v0  }
.Ltmp0:
0x1d: {  	[tilespmem:s12+$0x1DF40] =	vst v0;
	(pc) =	sbr.rel @p0 .LBB2_2-.Ltmp0, $4  }
0x1e: {  	[tilespmem:s12+$0x1DF50] =	vst v0  }
0x1f: {  	[tilespmem:s12+$0x1DF60] =	vst v0  }
0x20: {  	[tilespmem:s12+$0x1DF70] =	vst v0  }
0x21: {  	[tilespmem:s12+$0x1DF80] =	vst v0;
	s12 =	sshra.s32 s13, $0x2;
	s13 =	sadd.s32 $0x240, s13  }
0x22: {  	[tilespmem:s12+$0x1DF90] =	vst v0  }
0x23: {  	[tilespmem:s12+$0x1DF10] =	vst v0  }
0x24: {  	[tilespmem:s12+$0x1DF20] =	vst v0  }
0x25: {  	[tilespmem:s12+$0x1DF30] =	vst v0  }
0x26: {  	[tilespmem:s12+$0x1DF40] =	vst v0  }
0x27: {  	[tilespmem:s12+$0x1DF50] =	vst v0  }
0x28: {  	[tilespmem:s12+$0x1DF60] =	vst v0  }
0x29: {  	[tilespmem:s12+$0x1DF70] =	vst v0  }
0x2a: {  	[tilespmem:s12+$0x1DF80] =	vst v0  }
0x2b: {  	[spmem:s11] =	stream.linear.scatter [tilespmem:s30], [sflag:$0x2], $0x1680, $0x38;
	[tilespmem:$0x1F590] =	vst v63  }
0x2c: {  	_ =	swait.ge [sflag:s31], $0x1680  }
0x2d: {  	[sflag:s31] =	ssyncset.done $0x0  }
0x2e: {  	s18 =	rddreg [dreg:$0x7];
	[sflag:s31] =	ssyncadd.s32 $0xFFFFE980  }
0x2f: {  	[spmem:s18] =	stream.linear.scatter [tilespmem:s30], [sflag:$0x2], $0x1680, $0x38;
	[tilespmem:$0x1F590] =	vst v63  }
0x30: {  	_ =	swait.ge [sflag:s31], $0x1680  }
0x31: {  	[sflag:s31] =	ssyncset.done $0x0  }
0x32: {  	s19 =	rddreg [dreg:$0x8];
	[sflag:s31] =	ssyncadd.s32 $0xFFFFE980  }
0x33: {  	[spmem:s19] =	stream.linear.scatter [tilespmem:s30], [sflag:$0x2], $0x1680, $0x38;
	[tilespmem:$0x1F590] =	vst v63  }
0x34: {  	_ =	swait.ge [sflag:s31], $0x1680  }
0x35: {  	[sflag:s31] =	ssyncset.done $0x0  }
0x36: {  	s13 =	rddreg [dreg:$0x9];
	[sflag:s31] =	ssyncadd.s32 $0xFFFFE980  }
0x37: {  	[spmem:s13] =	stream.linear.scatter [tilespmem:s30], [sflag:$0x2], $0x1680, $0x38;
	[tilespmem:$0x1F590] =	vst v63  }
0x38: {  	_ =	swait.ge [sflag:s31], $0x1680  }
0x39: {  	[sflag:s31] =	ssyncset.done $0x0  }
0x3a: {  	s14 =	rddreg [dreg:$0xa];
	[sflag:s31] =	ssyncadd.s32 $0xFFFFE980  }
0x3b: {  	[spmem:s14] =	stream.linear.scatter [tilespmem:s30], [sflag:$0x2], $0x1680, $0x38;
	[tilespmem:$0x1F590] =	vst v63  }
0x3c: {  	_ =	swait.ge [sflag:s31], $0x1680  }
0x3d: {  	[sflag:s31] =	ssyncset.done $0x0  }
0x3e: {  	s15 =	rddreg [dreg:$0xb];
	[sflag:s31] =	ssyncadd.s32 $0xFFFFE980  }
0x3f: {  	[spmem:s15] =	stream.linear.scatter [tilespmem:s30], [sflag:$0x2], $0x1680, $0x38;
	[tilespmem:$0x1F590] =	vst v63  }
0x40: {  	_ =	swait.ge [sflag:s31], $0x1680  }
0x41: {  	[sflag:s31] =	ssyncset.done $0x0  }
0x42: {  	s16 =	rddreg [dreg:$0xc];
	[sflag:s31] =	ssyncadd.s32 $0xFFFFE980  }
0x43: {  	[spmem:s16] =	stream.linear.scatter [tilespmem:s30], [sflag:$0x2], $0x1680, $0x38;
	[tilespmem:$0x1F590] =	vst v63  }
0x44: {  	_ =	swait.ge [sflag:s31], $0x1680  }
0x45: {  	[sflag:s31] =	ssyncset.done $0x0  }
0x46: {  	s17 =	rddreg [dreg:$0xd];
	[sflag:s31] =	ssyncadd.s32 $0xFFFFE980  }
0x47: {  	[spmem:s17] =	stream.linear.scatter [tilespmem:s30], [sflag:$0x2], $0x1680, $0x38;
	[tilespmem:$0x1F590] =	vst v63  }
0x48: {  	_ =	swait.ge [sflag:s31], $0x1680  }
0x49: {  	[sflag:s31] =	ssyncset.done $0x0  }
0x4a: {  	[sflag:s31] =	ssyncadd.s32 $0xFFFFE980  }
0x4b: {  	[spmem:s20] =	stream.linear.scatter [tilespmem:s30], [sflag:$0x2], $0x1680, $0x38;
	[tilespmem:$0x1F590] =	vst v63  }
0x4c: {  	_ =	swait.ge [sflag:s31], $0x1680  }
0x4d: {  	[sflag:s31] =	ssyncset.done $0x0  }
0x4e: {  	[sflag:s31] =	ssyncadd.s32 $0xFFFFE980  }
0x4f: {  	[spmem:s21] =	stream.linear.scatter [tilespmem:s30], [sflag:$0x2], $0x1680, $0x38;
	[tilespmem:$0x1F590] =	vst v63  }
0x50: {  	_ =	swait.ge [sflag:s31], $0x1680  }
0x51: {  	[sflag:s31] =	ssyncset.done $0x0  }
0x52: {  	[sflag:s31] =	ssyncadd.s32 $0xFFFFE980  }
0x53: {  	[spmem:s22] =	stream.linear.scatter [tilespmem:s30], [sflag:$0x2], $0x1680, $0x38;
	[tilespmem:$0x1F590] =	vst v63  }
0x54: {  	_ =	swait.ge [sflag:s31], $0x1680  }
0x55: {  	[sflag:s31] =	ssyncset.done $0x0  }
0x56: {  	[sflag:s31] =	ssyncadd.s32 $0xFFFFE980  }
0x57: {  	[spmem:s23] =	stream.linear.scatter [tilespmem:s30], [sflag:$0x2], $0x1680, $0x38;
	[tilespmem:$0x1F590] =	vst v63  }
0x58: {  	_ =	swait.ge [sflag:s31], $0x1680  }
0x59: {  	[sflag:s31] =	ssyncset.done $0x0  }
0x5a: {  	[sflag:s31] =	ssyncadd.s32 $0xFFFFE980  }
0x5b: {  	[spmem:s24] =	stream.linear.scatter [tilespmem:s30], [sflag:$0x2], $0x1680, $0x38;
	[tilespmem:$0x1F590] =	vst v63  }
0x5c: {  	_ =	swait.ge [sflag:s31], $0x1680  }
0x5d: {  	[sflag:s31] =	ssyncset.done $0x0  }
0x5e: {  	[sflag:s31] =	ssyncadd.s32 $0xFFFFE980  }
0x5f: {  	[spmem:s26] =	stream.linear.scatter [tilespmem:s30], [sflag:$0x2], $0x1680, $0x38;
	[tilespmem:$0x1F590] =	vst v63  }
0x60: {  	_ =	swait.ge [sflag:s31], $0x1680  }
0x61: {  	[sflag:s31] =	ssyncset.done $0x0  }
0x62: {  	[sflag:s31] =	ssyncadd.s32 $0xFFFFE980  }
0x63: {  	[spmem:s28] =	stream.linear.scatter [tilespmem:s30], [sflag:$0x2], $0x1680, $0x38;
	[tilespmem:$0x1F590] =	vst v63  }
0x64: {  	_ =	swait.ge [sflag:s31], $0x1680  }
0x65: {  	[sflag:s31] =	ssyncset.done $0x0  }
0x66: {  	[sflag:s31] =	ssyncadd.s32 $0xFFFFE980  }
0x67: {  	[spmem:s29] =	stream.linear.scatter [tilespmem:s30], [sflag:$0x2], $0x1680, $0x38;
	[tilespmem:$0x1F590] =	vst v63  }
0x68: {  	_ =	swait.ge [sflag:s31], $0x1680  }
0x69: {  	s12 =	simm.s32 $0x0;
	[sflag:s31] =	ssyncset.done $0x0  }
0x6a: {  	s14 =	simm.s32 $0x16800;
	s13 =	rddreg [dreg:$0x3];
	[sflag:s31] =	ssyncadd.s32 $0xFFFFE980  }
0x6b: {  	[tilespmem:s14], [sflag:$0x2] =	stream.linear.gather [hbm4b:s13+s12], $0x1388, $0x38;
	[tilespmem:$0x1F590] =	vst v63  }
0x6c: {  	_ =	swait.ge [sflag:s31], $0x1388  }
0x6d: {  	[sflag:s31] =	ssyncset.done $0x0  }
0x6e: {  	s19 =	simm.s32 $0x17B88;
	s18 =	rddreg [dreg:$0x4];
	[sflag:s31] =	ssyncadd.s32 $0xFFFFEC78  }
0x6f: {  	[tilespmem:s19], [sflag:$0x2] =	stream.linear.gather [hbm4b:s18+s12], $0x1388, $0x38;
	[tilespmem:$0x1F590] =	vst v63  }
0x70: {  	_ =	swait.ge [sflag:s31], $0x1388  }
0x71: {  	[sflag:s31] =	ssyncset.done $0x0  }
0x72: {  	[sflag:s31] =	ssyncadd.s32 $0xFFFFEC78  }
0x73: {  	s13 =	simm.s32 $0x0;
	[bflag:$0x0] =	sbarrier.arrive $0xFFFF  }
.LBB2_4:
0x74: {  	s15 =	smul.u32 $0x28, s13;
	_ =	sdelay $0x1  }
0x75: {  	s14 =	sadd.s32 $0x16800, s15  }
0x76: {  	[tilespmem:s0], [sflag:$0x1] =	stream.indirect.gather [hbm4b:s5+s1], $0x100, s14, s1, $0xb8;
	[tilespmem:$0x1F590] =	vst v63  }
0x77: {  	s14 =	sadd.s32 $0x17B88, s15;
	s15 =	sadd.s32 s3, s15  }
0x78: {  	s15 =	sshll.u32 s15, $0x4  }
0x79: {  	[tilespmem:s8], [sflag:$0x1] =	stream.indirect.gather [hbm4b:s6+s1], $0x80, s14, s1, $0xb8;
	[tilespmem:$0x1F590] =	vst v63  }
0x7a: {  	s15 =	sadd.s32 s7, s15  }
0x7b: {  	[tilespmem:s9], [sflag:$0x1] =	stream.linear.gather [hbm4b:s15+s12], $0x1400, $0x38;
	[tilespmem:$0x1F590] =	vst v63  }
0x7c: {  	_ =	swait.ge [sflag:s10], $0x2800  }
0x7d: {  	[sflag:s10] =	ssyncset.done $0x0  }
0x7e: {  	[sflag:s10] =	ssyncadd.s32 $0xFFFFD800  }
0x7f: {  	_ =	swait.ge [sflag:s10], $0x1400  }
0x80: {  	[sflag:s10] =	ssyncset.done $0x0  }
0x81: {  	[sflag:s10] =	ssyncadd.s32 $0xFFFFEC00  }
0x82: {  	_ =	swait.ge [sflag:s10], $0x1400  }
0x83: {  	[sflag:s10] =	ssyncset.done $0x0  }
0x84: {  	s16 =	simm.s32 $0x18F90;
	[sflag:s10] =	ssyncadd.s32 $0xFFFFEC00  }
0x85: {  	v1 =	vld [tilespmem:s16+$0xFFFFFFF0]  }
0x86: {  	v2 =	vld [tilespmem:s16+$0xFFFFFFE0]  }
0x87: {  	v3 =	vld [tilespmem:s16+$0xFFFFFFD0]  }
0x88: {  	v4 =	vld [tilespmem:s16+$0xFFFFFFC0]  }
0x89: {  	v5 =	vld [tilespmem:s16+$0xFFFFFFB0]  }
0x8a: {  	v6 =	vld [tilespmem:s16+$0xFFFFFFA0]  }
0x8b: {  	v7 =	vld [tilespmem:s16+$0xFFFFFF90]  }
0x8c: {  	s19 =	simm.s32 $0x0;
	v8 =	vld [tilespmem:s16+$0xFFFFFF80]  }
0x8d: {  	v23 =	vld [tilespmem:s19+$0x1CB10]  }
0x8e: {  	v9 =	vld [tilespmem:s19+$0x1B710]  }
0x8f: {  	v22 =	vld [tilespmem:s19+$0x1CB20]  }
0x90: {  	v12 =	vld [tilespmem:s19+$0x1B720]  }
0x91: {  	v19 =	vld [tilespmem:s19+$0x1CB30]  }
0x92: {  	v14 =	vld [tilespmem:s19+$0x1B730]  }
0x93: {  	v21 =	vld [tilespmem:s19+$0x1CB40];
	v8 =	vadd.f32 v8, v23  }
0x94: {  	v15 =	vld [tilespmem:s19+$0x1B740]  }
0x95: {  	v13 =	vld [tilespmem:s19+$0x1CB50];
	v7 =	vadd.f32 v7, v22;
	v8 =	vmul.f32 v8, v9  }
0x96: {  	v16 =	vld [tilespmem:s19+$0x1B750]  }
0x97: {  	v11 =	vld [tilespmem:s19+$0x1CB60];
	v6 =	vadd.f32 v6, v19;
	v7 =	vmul.f32 v7, v12;
	v8 =	vadd.f32 $0.0e+00, v8  }
0x98: {  	v17 =	vld [tilespmem:s19+$0x1B760]  }
0x99: {  	v10 =	vld [tilespmem:s19+$0x1CB70];
	v5 =	vadd.f32 v5, v21;
	v6 =	vmul.f32 v6, v14;
	v7 =	vadd.f32 v7, v8  }
0x9a: {  	v24 =	vld [tilespmem:s19+$0x1CB80]  }
0x9b: {  	v18 =	vld [tilespmem:s19+$0x1B780];
	v4 =	vadd.f32 v4, v13;
	v5 =	vmul.f32 v5, v15;
	v6 =	vadd.f32 v6, v7  }
0x9c: {  	s18 =	simm.s32 $0x19090;
	v9 =	vld [tilespmem:s19+$0x1B770]  }
0x9d: {  	v25 =	vld [tilespmem:s18+$0xFFFFFFF0];
	v3 =	vadd.f32 v3, v11;
	v4 =	vmul.f32 v4, v16;
	v5 =	vadd.f32 v5, v6  }
0x9e: {  	v26 =	vld [tilespmem:s18+$0xFFFFFFD0]  }
0x9f: {  	v27 =	vld [tilespmem:s18+$0xFFFFFFB0];
	v2 =	vadd.f32 v2, v10;
	v3 =	vmul.f32 v3, v17;
	v4 =	vadd.f32 v4, v5  }
0xa0: {  	s17 =	simm.s32 $0x80;
	v20 =	vld [tilespmem:s18+$0xFFFFFF90]  }
0xa1: {  	v28 =	vld [tilespmem:s17+$0x1B760];
	v1 =	vadd.f32 v1, v24;
	v2 =	vmul.f32 v2, v9;
	v3 =	vadd.f32 v3, v4  }
0xa2: {  	v12 =	vld [tilespmem:s17+$0x1CB10]  }
0xa3: {  	v15 =	vld [tilespmem:s17+$0x1CB20];
	v1 =	vmul.f32 v1, v18;
	v2 =	vadd.f32 v2, v3  }
0xa4: {  	v5 =	vld [tilespmem:s18+$0xFFFFFF80]  }
0xa5: {  	v16 =	vld [tilespmem:s17+$0x1CB30];
	v1 =	vadd.f32 v1, v2  }
0xa6: {  	v4 =	vld [tilespmem:s17+$0x1B710]  }
0xa7: {  	v6 =	vld [tilespmem:s18+$0xFFFFFFA0];
	(xrf2) =	vadd.scan.msk.f32 $0xffff, v1  }
0xa8: {  	v3 =	vld [tilespmem:s17+$0x1B720]  }
0xa9: {  	v14 =	vld [tilespmem:s17+$0x1CB40];
	v1 =	vadd.f32 v5, v12  }
0xaa: {  	v2 =	vld [tilespmem:s17+$0x1B730]  }
0xab: {  	v17 =	vld [tilespmem:s17+$0x1CB50];
	v1 =	vmul.f32 v1, v4;
	v4 =	vadd.f32 v20, v15  }
0xac: {  	v9 =	vld [tilespmem:s17+$0x1B740]  }
0xad: {  	v7 =	vld [tilespmem:s18+$0xFFFFFFC0];
	v29 =	vadd.f32 $0.0e+00, v1;
	v3 =	vmul.f32 v4, v3;
	v4 =	vadd.f32 v6, v16  }
0xae: {  	v18 =	vld [tilespmem:s17+$0x1CB60]  }
0xaf: {  	v5 =	vld [tilespmem:s17+$0x1B750];
	v3 =	vadd.f32 v3, v29;
	v2 =	vmul.f32 v4, v2  }
0xb0: {  	v8 =	vld [tilespmem:s18+$0xFFFFFFE0];
	v4 =	vadd.f32 v27, v14  }
0xb1: {  	v20 =	vld [tilespmem:s17+$0x1CB70];
	v2 =	vadd.f32 v2, v3;
	v30, _, _ =	vpop (xrf2)  }
0xb2: {  	v6 =	vld [tilespmem:s17+$0x1B770];
	v3 =	vmul.f32 v4, v9;
	v4 =	vadd.f32 v7, v17;
	(v2sf) =	vpush v30, $0xF  }
0xb3: {  	v1 =	vld [tilespmem:s17+$0x1CB80]  }
0xb4: {  	v57 =	vld [tilespmem:s17+$0x1B780];
	v2 =	vadd.f32 v3, v2;
	v3 =	vmul.f32 v4, v5;
	v4 =	vadd.f32 v26, v18  }
0xb5: {  	v31 =	vld [tilespmem:s16+$0x10]  }
0xb6: {  	v58 =	vld [tilespmem:s16+$0x20];
	v2 =	vadd.f32 v3, v2;
	v3 =	vmul.f32 v4, v28;
	v4 =	vadd.f32 v8, v20  }
0xb7: {  	v32 =	vld [tilespmem:s16+$0x40]  }
0xb8: {  	v59 =	vld [tilespmem:s16+$0x50];
	v2 =	vadd.f32 v3, v2;
	v3 =	vmul.f32 v4, v6;
	v4 =	vadd.f32 v25, v1  }
0xb9: {  	s15 =	simm.s32 $0x19190;
	v33 =	vld [tilespmem:s16+$0x60]  }
0xba: {  	v34 =	vld [tilespmem:s15+$0xFFFFFFF0];
	v2 =	vadd.f32 v3, v2;
	v3 =	vmul.f32 v4, v57  }
0xbb: {  	v60 =	vld [tilespmem:s15+$0xFFFFFFE0]  }
0xbc: {  	v35 =	vld [tilespmem:s15+$0xFFFFFFD0];
	v2 =	vadd.f32 v3, v2  }
0xbd: {  	v36 =	vld [tilespmem:s15+$0xFFFFFFC0]  }
0xbe: {  	v37 =	vld [tilespmem:s15+$0xFFFFFFB0];
	s19 =	simm.s32 $0x100;
	(xrf2) =	vadd.scan.msk.f32 $0xffff, v2  }
0xbf: {  	v38 =	vld [tilespmem:s19+$0x1B710]  }
0xc0: {  	v39 =	vld [tilespmem:s19+$0x1B720]  }
0xc1: {  	v40 =	vld [tilespmem:s19+$0x1B730];
	s17 =	spop (v2sf)  }
0xc2: {  	v42 =	vld [tilespmem:s19+$0x1B740];
	s17 =	smul.f32 $8.838834610e-02, s17  }
0xc3: {  	v27 =	vld [tilespmem:s16+$0x0]  }
0xc4: {  	v8 =	vld [tilespmem:s19+$0x1CB10];
	v2 =	vmov s17  }
0xc5: {  	v4 =	vld [tilespmem:s15+$0xFFFFFF80];
	v6 =	vmul.f32 $1.442695020e+00, v2  }
0xc6: {  	v7 =	vld [tilespmem:s15+$0xFFFFFF90]  }
0xc7: {  	v5 =	vld [tilespmem:s19+$0x1CB20];
	v43 =	vbroadcast v6, $0x0  }
0xc8: {  	v9 =	vld [tilespmem:s15+$0xFFFFFFA0];
	v41, _, _ =	vpop (xrf2)  }
0xc9: {  	v3 =	vld [tilespmem:s19+$0x1CB30];
	(v2sf) =	vpush v41, $0xF;
	(erf) = vpow2.f32 v43  }
0xca: {  	v26 =	vld [tilespmem:s16+$0x30];
	v62 =	vadd.f32 v4, v8  }
0xcb: {  	v2 =	vld [tilespmem:s19+$0x1CB40]  }
0xcc: {  	v25 =	vld [tilespmem:s16+$0x70];
	v63 =	vadd.f32 v7, v5;
	v38 =	vmul.f32 v62, v38  }
0xcd: {  	v6 =	vld [tilespmem:s19+$0x1CB50]  }
0xce: {  	v39 =	vmul.f32 v63, v39;
	v4 =	vld [tilespmem:s19+$0x1CB60];
	v48 =	vadd.f32 v9, v3;
	v38 =	vadd.f32 $0.0e+00, v38  }
0xcf: {  	v22 =	vadd.f32 v31, v22;
	v61 =	vld [tilespmem:s19+$0x1B750];
	v23 =	vadd.f32 v27, v23  }
0xd0: {  	v7 =	vld [tilespmem:s19+$0x1CB70];
	v49 =	vmul.f32 v48, v40;
	v38 =	vadd.f32 v39, v38;
	v37 =	vadd.f32 v37, v2  }
0xd1: {  	v44 =	vld [tilespmem:s19+$0x1B760];
	v21 =	vadd.f32 v26, v21;
	v24 =	vadd.f32 v25, v24  }
0xd2: {  	v45 =	vld [tilespmem:s19+$0x1B770];
	v51 =	vadd.f32 v49, v38;
	v37 =	vmul.f32 v37, v42;
	v36 =	vadd.f32 v36, v6;
	v26 =	vpop (erf)  }
0xd3: {  	v19 =	vadd.f32 v58, v19;
	v9 =	vld [tilespmem:s19+$0x1CB80];
	v55 =	vadd.f32 v35, v4;
	v24 =	vmul.f32 v26, v24  }
0xd4: {  	v52 =	vld [tilespmem:s18+$0x20];
	s17 =	simm.s32 $0x1DF50;
	v31 =	vadd.f32 v37, v51;
	v36 =	vmul.f32 v36, v61;
	v23 =	vmul.f32 v26, v23  }
0xd5: {  	v50 =	vld [tilespmem:s19+$0x1B780];
	v28 =	vadd.f32 v59, v11;
	v29 =	vadd.f32 v60, v7;
	v11 =	vmul.f32 v26, v22;
	[tilespmem:s17+$0x30] =	vst v24  }
0xd6: {  	v53 =	vld [tilespmem:s18+$0x30];
	v22 =	vadd.f32 v36, v31;
	[tilespmem:s17+$0xFFFFFFC0] =	vst v23;
	v23 =	vmul.f32 v26, v19;
	v24 =	vmul.f32 v55, v44  }
0xd7: {  	v27 =	vld [tilespmem:s18+$0x0]  }
0xd8: {  	v25 =	vld [tilespmem:s18+$0x10];
	s19 =	spop (v2sf);
	[tilespmem:s17+$0xFFFFFFE0] =	vst v23;
	v22 =	vadd.f32 v24, v22;
	v23 =	vmul.f32 v29, v45;
	v24 =	vadd.f32 v34, v9  }
0xd9: {  	v54 =	vld [tilespmem:s18+$0x40];
	v21 =	vmul.f32 v26, v21;
	s19 =	smul.f32 $8.838834610e-02, s19  }
0xda: {  	v56 =	vld [tilespmem:s18+$0x50];
	s16 =	simm.s32 $0x19290;
	v22 =	vadd.f32 v23, v22;
	v61 =	vmul.f32 v24, v50  }
0xdb: {  	v13 =	vadd.f32 v32, v13;
	v58 =	vadd.f32 v33, v10;
	v10 =	vld [tilespmem:s16+$0xFFFFFFF0];
	[tilespmem:s17+$0xFFFFFFF0] =	vst v21;
	v21 =	vmov s19  }
0xdc: {  	v57 =	vld [tilespmem:s18+$0x60];
	v12 =	vadd.f32 v27, v12;
	v62 =	vmul.f32 $1.442695020e+00, v21;
	v27 =	vadd.f32 v61, v22  }
0xdd: {  	v15 =	vadd.f32 v25, v15;
	v25 =	vld [tilespmem:s16+$0xFFFFFFA0]  }
0xde: {  	v59 =	vmul.f32 v26, v13;
	v13 =	vld [tilespmem:s16+$0xFFFFFFD0];
	v63 =	vbroadcast v62, $0x0;
	(xrf2) =	vadd.scan.msk.f32 $0xffff, v27  }
0xdf: {  	v28 =	vmul.f32 v26, v28;
	v19 =	vld [tilespmem:s18+$0x70]  }
0xe0: {  	v60 =	vmul.f32 v26, v58;
	[tilespmem:s17+$0xFFFFFFD0] =	vst v11;
	v11 =	vld [tilespmem:s16+$0xFFFFFFE0];
	v26 =	vnsel vm0, $0x0, v26;
	(erf) = vpow2.f32 v63  }
0xe1: {  	[tilespmem:s17+$0x40] =	vst v26;
	v26 =	vld [tilespmem:s16+$0xFFFFFF90]  }
0xe2: {  	[tilespmem:s17+$0x0] =	vst v59;
	v23 =	vld [tilespmem:s16+$0xFFFFFFC0];
	v21 =	vadd.f32 v52, v16  }
0xe3: {  	[tilespmem:s17+$0x10] =	vst v28;
	v24 =	vld [tilespmem:s16+$0xFFFFFFB0];
	v16 =	vadd.f32 v54, v17;
	v17 =	vadd.f32 v56, v18  }
0xe4: {  	[tilespmem:s17+$0x20] =	vst v60;
	s18 =	simm.s32 $0x800;
	s19 =	simm.s32 $0x180;
	v18 =	vld [tilespmem:s16+$0xFFFFFF80];
	v22 =	vadd.f32 v53, v14;
	v14 =	vadd.f32 v57, v20  }
.LBB2_5:
0xe5: {  	p0 =	sne.s32 s18, $0x4E00;
	v20 =	vld [tilespmem:s19+$0x1CB10]  }
0xe6: {  	v27 =	vld [tilespmem:s19+$0x1B710]  }
0xe7: {  	v28 =	vld [tilespmem:s19+$0x1CB20]  }
0xe8: {  	v19 =	vadd.f32 v19, v1;
	v1 =	vmov v9;
	v29 =	vld [tilespmem:s19+$0x1B720];
	v30, _, _ =	vpop (xrf2)  }
0xe9: {  	v31 =	vld [tilespmem:s19+$0x1CB30];
	(v2sf) =	vpush v30, $0xF;
	v9 =	vpop (erf)  }
0xea: {  	v18 =	vadd.f32 v18, v20;
	v30 =	vld [tilespmem:s19+$0x1B730];
	v12 =	vmul.f32 v9, v12;
	v19 =	vmul.f32 v9, v19  }
0xeb: {  	s17 =	sadd.s32 $0x90, s17;
	v15 =	vmul.f32 v9, v15;
	v21 =	vmul.f32 v9, v21;
	v33 =	vnsel vm0, $0x0, v9;
	v32 =	vld [tilespmem:s19+$0x1CB40]  }
0xec: {  	v22 =	vmul.f32 v9, v22;
	v18 =	vmul.f32 v18, v27;
	v26 =	vadd.f32 v26, v28;
	v27 =	vld [tilespmem:s19+$0x1B740];
	[tilespmem:s17+$0x30] =	vst v19  }
0xed: {  	v34 =	vld [tilespmem:s19+$0x1CB50];
	[tilespmem:s17+$0xFFFFFFC0] =	vst v12;
	v12 =	vmul.f32 v9, v16;
	v16 =	vmul.f32 v9, v17  }
0xee: {  	v17 =	vadd.f32 $0.0e+00, v18;
	v18 =	vmul.f32 v26, v29;
	v19 =	vadd.f32 v25, v31;
	v25 =	vld [tilespmem:s19+$0x1B750];
	[tilespmem:s17+$0xFFFFFFD0] =	vst v15  }
0xef: {  	v14 =	vmul.f32 v9, v14;
	v26 =	vld [tilespmem:s19+$0x1CB60];
	[tilespmem:s17+$0xFFFFFFE0] =	vst v21  }
0xf0: {  	v9 =	vadd.f32 v18, v17;
	v15 =	vmul.f32 v19, v30;
	v17 =	vadd.f32 v24, v32;
	v18 =	vld [tilespmem:s19+$0x1B760];
	[tilespmem:s17+$0xFFFFFFF0] =	vst v22  }
0xf1: {  	v24 =	vld [tilespmem:s19+$0x1CB70];
	[tilespmem:s17+$0x0] =	vst v12  }
0xf2: {  	v12 =	vadd.f32 v15, v9;
	v15 =	vmul.f32 v17, v27;
	v17 =	vadd.f32 v23, v34;
	v19 =	vld [tilespmem:s19+$0x1B770];
	[tilespmem:s17+$0x10] =	vst v16  }
0xf3: {  	v9 =	vld [tilespmem:s19+$0x1CB80];
	[tilespmem:s17+$0x20] =	vst v14  }
0xf4: {  	v12 =	vadd.f32 v15, v12;
	v14 =	vmul.f32 v17, v25;
	v13 =	vadd.f32 v13, v26;
	v15 =	vld [tilespmem:s15+$0x0];
	[tilespmem:s17+$0x40] =	vst v33  }
0xf5: {  	v16 =	vld [tilespmem:s19+$0x1B780]  }
0xf6: {  	v12 =	vadd.f32 v14, v12;
	v13 =	vmul.f32 v13, v18;
	v11 =	vadd.f32 v11, v24;
	v14 =	vld [tilespmem:s15+$0x10]  }
0xf7: {  	v17 =	vld [tilespmem:s15+$0x20]  }
0xf8: {  	v13 =	vadd.f32 v13, v12;
	v11 =	vmul.f32 v11, v19;
	v10 =	vadd.f32 v10, v9;
	v18 =	vld [tilespmem:s15+$0x30];
	s19 =	spop (v2sf)  }
0xf9: {  	v12 =	vadd.f32 v15, v8;
	v23 =	vld [tilespmem:s15+$0x40];
	s19 =	smul.f32 $8.838834610e-02, s19;
	v8 =	vmov v20  }
0xfa: {  	v11 =	vadd.f32 v11, v13;
	v10 =	vmul.f32 v10, v16;
	v20 =	vld [tilespmem:s15+$0x50]  }
0xfb: {  	v15 =	vadd.f32 v14, v5;
	v14 =	vld [tilespmem:s15+$0x60];
	v13 =	vmov s19;
	v5 =	vmov v28  }
0xfc: {  	v16 =	vadd.f32 v10, v11;
	v21 =	vadd.f32 v17, v3;
	v19 =	vld [tilespmem:s15+$0x70];
	v13 =	vmul.f32 $1.442695020e+00, v13;
	v3 =	vmovc v31;
	s15 =	smov.u32 s16;
	s16 =	sadd.s32 $0x100, s16  }
0xfd: {  	v10 =	vld [tilespmem:s16+$0xFFFFFFF0];
	v22 =	vadd.f32 v18, v2;
	v2 =	vmov v32  }
0xfe: {  	v11 =	vld [tilespmem:s16+$0xFFFFFFE0];
	(xrf2) =	vadd.scan.msk.f32 $0xffff, v16;
	v16 =	vadd.f32 v23, v6;
	v18 =	vbroadcast v13, $0x0;
	v6 =	vmov v34  }
0xff: {  	v13 =	vld [tilespmem:s16+$0xFFFFFFD0];
	v17 =	vadd.f32 v20, v4;
	v4 =	vmov v26  }
.Ltmp1:
0x100: {  	v23 =	vld [tilespmem:s16+$0xFFFFFFC0];
	v14 =	vadd.f32 v14, v7;
	(erf) = vpow2.f32 v18;
	v7 =	vmov v24;
	(pc) =	sbr.rel @p0 .LBB2_5-.Ltmp1, $4  }
0x101: {  	v24 =	vld [tilespmem:s16+$0xFFFFFFB0]  }
0x102: {  	v25 =	vld [tilespmem:s16+$0xFFFFFFA0]  }
0x103: {  	v26 =	vld [tilespmem:s16+$0xFFFFFF90]  }
0x104: {  	s19 =	sshra.s32 s18, $0x2;
	s18 =	sadd.s32 $0x200, s18;
	v18 =	vld [tilespmem:s16+$0xFFFFFF80]  }
0x105: {  	v20 =	vld [tilespmem:s19+$0x1CB10]  }
0x106: {  	v27 =	vld [tilespmem:s19+$0x1B710]  }
0x107: {  	v28 =	vld [tilespmem:s19+$0x1CB20]  }
0x108: {  	v29 =	vld [tilespmem:s19+$0x1B720]  }
0x109: {  	v30 =	vld [tilespmem:s19+$0x1CB30]  }
0x10a: {  	v31 =	vld [tilespmem:s19+$0x1B730];
	v18 =	vadd.f32 v18, v20  }
0x10b: {  	v32 =	vld [tilespmem:s19+$0x1CB40]  }
0x10c: {  	v60 =	vld [tilespmem:s19+$0x1B740];
	v26 =	vadd.f32 v26, v28;
	v18 =	vmul.f32 v18, v27  }
0x10d: {  	v33 =	vld [tilespmem:s19+$0x1CB50]  }
0x10e: {  	v61 =	vld [tilespmem:s19+$0x1B750];
	v25 =	vadd.f32 v25, v30;
	v26 =	vmul.f32 v26, v29;
	v18 =	vadd.f32 $0.0e+00, v18  }
0x10f: {  	v34 =	vld [tilespmem:s19+$0x1CB60]  }
0x110: {  	v62 =	vld [tilespmem:s19+$0x1B760];
	v24 =	vadd.f32 v24, v32;
	v25 =	vmul.f32 v25, v31;
	v18 =	vadd.f32 v26, v18  }
0x111: {  	v63 =	vld [tilespmem:s19+$0x1CB70]  }
0x112: {  	v35 =	vld [tilespmem:s19+$0x1B770];
	v23 =	vadd.f32 v23, v33;
	v24 =	vmul.f32 v24, v60;
	v18 =	vadd.f32 v25, v18  }
0x113: {  	v36 =	vld [tilespmem:s19+$0x1CB80]  }
0x114: {  	v13 =	vadd.f32 v13, v34;
	v23 =	vmul.f32 v23, v61;
	v18 =	vadd.f32 v24, v18  }
0x115: {  	v37 =	vld [tilespmem:s19+$0x1B780]  }
0x116: {  	v11 =	vadd.f32 v11, v63;
	v13 =	vmul.f32 v13, v62;
	v18 =	vadd.f32 v23, v18;
	_ =	sdelay $0x1  }
0x117: {  	v10 =	vadd.f32 v10, v36;
	v11 =	vmul.f32 v11, v35;
	v13 =	vadd.f32 v13, v18;
	_ =	sdelay $0x1  }
0x118: {  	v10 =	vmul.f32 v10, v37;
	v11 =	vadd.f32 v11, v13;
	_ =	sdelay $0x1  }
0x119: {  	v10 =	vadd.f32 v10, v11;
	_ =	sdelay $0x1  }
0x11a: {  	(xrf2) =	vadd.scan.msk.f32 $0xffff, v10  }
0x11b: {  	v38, _, _ =	vpop (xrf2)  }
0x11c: {  	(v2sf) =	vpush v38, $0xF;
	_ =	sdelay $0x7  }
0x11d: {  	v39, _, _ =	vpop (xrf2)  }
0x11e: {  	(v2sf) =	vpush v39, $0xF;
	_ =	sdelay $0x5  }
0x11f: {  	s18 =	spop (v2sf)  }
0x120: {  	s18 =	smul.f32 $8.838834610e-02, s18;
	_ =	sdelay $0x1  }
0x121: {  	v40 =	vmov s18  }
0x122: {  	v10 =	vmul.f32 $1.442695020e+00, v40;
	_ =	sdelay $0x1  }
0x123: {  	v10 =	vbroadcast v10, $0x0  }
0x124: {  	v1 =	vadd.f32 v19, v1  }
0x125: {  	v41 =	vpop (erf);
	(erf) = vpow2.f32 v10  }
0x126: {  	v1 =	vmul.f32 v41, v1;
	s19 =	spop (v2sf)  }
0x127: {  	s17 =	sadd.s32 $0x90, s17;
	v42 =	vmul.f32 v41, v12;
	s18 =	smul.f32 $8.838834610e-02, s19  }
0x128: {  	v43 =	vmul.f32 v41, v15;
	[tilespmem:s17+$0x30] =	vst v1;
	v1 =	vld [tilespmem:s15+$0x70]  }
0x129: {  	v45 =	vld [tilespmem:s15+$0x0];
	v44 =	vmul.f32 v41, v21;
	[tilespmem:s17+$0xFFFFFFC0] =	vst v42;
	v46 =	vmov s18  }
0x12a: {  	v48 =	vld [tilespmem:s15+$0x10];
	v47 =	vmul.f32 v41, v22;
	[tilespmem:s17+$0xFFFFFFD0] =	vst v43;
	v15 =	vmul.f32 $1.442695020e+00, v46  }
0x12b: {  	v49 =	vld [tilespmem:s15+$0x20];
	v16 =	vmul.f32 v41, v16;
	[tilespmem:s17+$0xFFFFFFE0] =	vst v44  }
0x12c: {  	v50 =	vld [tilespmem:s15+$0x30];
	v17 =	vmul.f32 v41, v17;
	[tilespmem:s17+$0xFFFFFFF0] =	vst v47;
	v15 =	vbroadcast v15, $0x0  }
0x12d: {  	v51 =	vld [tilespmem:s15+$0x40];
	v14 =	vmul.f32 v41, v14;
	[tilespmem:s17+$0x0] =	vst v16;
	v1 =	vadd.f32 v1, v9  }
0x12e: {  	v52 =	vld [tilespmem:s15+$0x50];
	v8 =	vadd.f32 v45, v8;
	[tilespmem:s17+$0x10] =	vst v17;
	v53 =	vpop (erf);
	(erf) = vpow2.f32 v15  }
0x12f: {  	v54 =	vld [tilespmem:s15+$0x60];
	v5 =	vadd.f32 v48, v5;
	[tilespmem:s17+$0x20] =	vst v14;
	v11 =	vnsel vm0, $0x0, v41;
	v1 =	vmul.f32 v53, v1  }
0x130: {  	v3 =	vadd.f32 v49, v3;
	[tilespmem:s17+$0x40] =	vst v11;
	v8 =	vmul.f32 v53, v8;
	s19 =	sadd.s32 $0x90, s17  }
0x131: {  	v2 =	vadd.f32 v50, v2;
	v5 =	vmul.f32 v53, v5;
	[tilespmem:s19+$0x30] =	vst v1;
	v1 =	vld [tilespmem:s16+$0x70]  }
0x132: {  	v55 =	vld [tilespmem:s16+$0x0];
	v6 =	vadd.f32 v51, v6;
	v3 =	vmul.f32 v53, v3;
	[tilespmem:s19+$0xFFFFFFC0] =	vst v8  }
0x133: {  	v56 =	vld [tilespmem:s16+$0x10];
	v4 =	vadd.f32 v52, v4;
	v2 =	vmul.f32 v53, v2;
	[tilespmem:s19+$0xFFFFFFD0] =	vst v5  }
0x134: {  	v7 =	vadd.f32 v54, v7;
	v6 =	vmul.f32 v53, v6;
	[tilespmem:s19+$0xFFFFFFE0] =	vst v3;
	v3 =	vld [tilespmem:s16+$0x20]  }
0x135: {  	v4 =	vmul.f32 v53, v4;
	[tilespmem:s19+$0xFFFFFFF0] =	vst v2;
	v2 =	vld [tilespmem:s16+$0x30]  }
0x136: {  	v59 =	vld [tilespmem:s16+$0x50];
	v7 =	vmul.f32 v53, v7;
	[tilespmem:s19+$0x0] =	vst v6;
	v1 =	vadd.f32 v1, v36  }
0x137: {  	v58 =	vadd.f32 v55, v20;
	v61 =	vld [tilespmem:s16+$0x60];
	[tilespmem:s19+$0x10] =	vst v4;
	v60 =	vpop (erf)  }
0x138: {  	v57 =	vld [tilespmem:s16+$0x40];
	v10 =	vnsel vm0, $0x0, v53;
	[tilespmem:s19+$0x20] =	vst v7;
	v5 =	vadd.f32 v56, v28;
	v1 =	vmul.f32 v60, v1  }
0x139: {  	[tilespmem:s19+$0x40] =	vst v10;
	s15 =	sadd.s32 $0x90, s19;
	v3 =	vadd.f32 v3, v30;
	v4 =	vmul.f32 v60, v58  }
0x13a: {  	v2 =	vadd.f32 v2, v32;
	v5 =	vmul.f32 v60, v5;
	[tilespmem:s15+$0x30] =	vst v1  }
0x13b: {  	v62 =	vadd.f32 v59, v34;
	v3 =	vmul.f32 v60, v3;
	[tilespmem:s15+$0xFFFFFFC0] =	vst v4  }
0x13c: {  	v63 =	vadd.f32 v61, v63;
	v2 =	vmul.f32 v60, v2;
	[tilespmem:s15+$0xFFFFFFD0] =	vst v5  }
0x13d: {  	v1 =	vadd.f32 v57, v33;
	[tilespmem:s15+$0xFFFFFFE0] =	vst v3;
	v3 =	vmul.f32 v60, v62  }
0x13e: {  	[tilespmem:s15+$0xFFFFFFF0] =	vst v2;
	v2 =	vmul.f32 v60, v63  }
0x13f: {  	v1 =	vmul.f32 v60, v1;
	[tilespmem:s15+$0x10] =	vst v3  }
0x140: {  	s13 =	sadd.s32 $0x1, s13;
	[tilespmem:s15+$0x20] =	vst v2  }
0x141: {  	p0 =	sne.s32 s13, $0x7D;
	[tilespmem:s15+$0x0] =	vst v1;
	v1 =	vnsel vm0, $0x0, v60  }
.Ltmp2:
0x142: {  	[tilespmem:s15+$0x40] =	vst v1;
	(pc) =	sbr.rel @p0 .LBB2_4-.Ltmp2, $4  }
0x143: {  	[spmem:s2] =	stream.indirect.scatter.add.f32 [tilespmem:s30], [sflag:$0x2], $0x90, s14, s1, $0xb8;
	[tilespmem:$0x1F590] =	vst v63  }
0x144: {  	_ =	swait.ge [sflag:s31], $0x1680  }
0x145: {  	[sflag:s31] =	ssyncset.done $0x0  }
0x146: {  	[sflag:s31] =	ssyncadd.s32 $0xFFFFE980  }
0x147: {  	s12 =	stileid.u32  }
0x148: {  	[bflag:$0x0] =	sbarrier.arrive $0xFFFF;
	s12 =	sshll.u32 s12, $0x6  }
0x149: {  	s13 =	rddreg [dreg:$0x5];
	s12 =	sor.u32 $0x1C02, s12  }
0x14a: {  	[hbm:s13], [sflag:s12] =	dma.local [spmem:s25], $0x2D00  }
0x14b: {  	_ =	swait.ge [sflag:s31], $0x2D00  }
0x14c: {  	s4 =	sadd.s32 $0x1, s4;
	s19 =	rddreg [dreg:$0x6]  }
0x14d: {  	p0 =	sne.s32 s4, s19  }
.Ltmp3:
0x14e: {  	_ = 	snop;
	(pc) =	sbr.rel @p0 .LBB2_1-.Ltmp3, $3  }
0x14f: {  	_ =	sdelay $0x1  }
0x150: {  	[sflag:s31] =	ssyncset.done $0x0  }
0x151: {  	[sflag:s31] =	ssyncadd.s32 $0xFFFFD300  }
0x152: {  	_ =	sfence.sel $0x180000  }
0x153: {  	[bflag:$0x0] =	sbarrier.arrive $0xFFFF  }
0x154: {  	_ =	strace $0x90000047  }
0x155: {  	s0 =	stileid.u32;
	[bflag:$0x2] =	sbarrier.arrive $0xFFFF  }
0x156: {  	p0 =	sne.s32 s0, $0x0;
	s0 =	rddreg [dreg:$0x2]  }
0x157: {  	s0 =	sadd.s32 @!p0 $0x100000, s0  }
0x158: {  	[sflag:s0] =	ssyncadd.tile.s32 @!p0 $0x1;
	_ =	shalt  }
.Lfunc_end2:
_tile_overlayer_lowered:
.L_overlay_start_2:
0x159: {  	(tag) =	ssettag $0x2  }
0x15a: {  	s0 =	rddreg [dreg:$0x0];
	s2 =	stileid.u32  }
0x15b: {  	s1 =	rddreg [dreg:$0x1];
	p0 =	sne.s32 s2, $0x0  }
0x15c: {  	s3 =	rddreg [dreg:$0x2];
	[bflag:$0x3] =	sbarrier.arrive $0xFFFF;
	s2 =	simm.s32 @!p0 $0x1C02  }
0x15d: {  	[timem:s3], [sflag:s2] =	dma.local @!p0 [hbm:s0], s1  }
0x15e: {  	s0 =	simm.s32 @!p0 $0x2  }
0x15f: {  	_ =	swait.ge @!p0 [sflag:s0], s1  }
0x160: {  	s1 =	ssub.s32 @!p0 $0x0, s1;
	[sflag:s0] =	ssyncset.done @!p0 $0x0  }
0x161: {  	[sflag:s0] =	ssyncadd.s32 @!p0 s1  }
0x162: {  	[bflag:$0x3] =	sbarrier.arrive $0xFFFF  }
0x163: {  	_ =	shalt  }

</sc_bundles>
